<compile_context>
chip_gen: v7x
topology: tpu7x:2x2x1
jax: 0.10.2.dev20260603
libtpu: 0.0.44.dev20260713+nightly
codegen_flags: <defaults>
</compile_context>

<pallas_src>
import functools

import jax
import jax.numpy as jnp
from jax import lax
from jax.experimental import pallas as pl
from jax.experimental.pallas import tpu as pltpu
from jax.experimental.pallas import tpu_sc as plsc

_B, _H, _W, _C = 16, 512, 512, 8
_HW = _H * _W
_NPAD = 512
_NW = 32
_RPW = _NPAD // 2
_EPW = _RPW * _C
_NCH = _EPW // 128


def _make_gather():
    mesh = plsc.VectorSubcoreMesh(core_axis_name="c", subcore_axis_name="s")

    @functools.partial(
        pl.kernel,
        mesh=mesh,
        out_type=jax.ShapeDtypeStruct((_NW * _EPW,), jnp.float32),
        scratch_types=[
            pltpu.VMEM((_RPW,), jnp.int32),
            pltpu.VMEM((_NCH, 128), jnp.int32),
            pltpu.VMEM((_EPW,), jnp.float32),
            pltpu.SemaphoreType.DMA,
        ],
        compiler_params=pltpu.CompilerParams(needs_layout_passes=False),
    )
    def gather_kernel(table_hbm, idx_hbm, out_hbm, idx_v, eidx_v, rows_v, sem):
        wid = lax.axis_index("s") * 2 + lax.axis_index("c")
        batch = wid // 2
        pltpu.sync_copy(idx_hbm.at[wid], idx_v)
        lane = lax.iota(jnp.int32, 16)
        rsel = lax.shift_right_logical(lane, 3)
        chan = lax.bitwise_and(lane, 7)
        base = chan + batch * (_HW * _C)
        for k in range(_EPW // 16):
            rvec = plsc.load_gather(idx_v, [rsel + (2 * k)])
            eidx_v[k // 8, pl.ds((k % 8) * 16, 16)] = (
                lax.shift_left(rvec, 3) + base)
        cps = [
            pltpu.async_copy(
                table_hbm.at[eidx_v.at[j]],
                rows_v.at[pl.ds(j * 128, 128)], sem)
            for j in range(_NCH)
        ]
        for cp in cps:
            cp.wait()
        pltpu.sync_copy(rows_v, out_hbm.at[pl.ds(wid * _EPW, _EPW)])

    return gather_kernel


_gather = _make_gather()


def kernel(feat, index):
    B, H, W, C = feat.shape
    N = index.shape[1]
    table = feat.reshape(B * H * W * C)
    idx = jnp.pad(index, ((0, 0), (0, _NPAD - N))).reshape(_NW, _RPW)
    out = _gather(table, idx)
    return out.reshape(B, _NPAD, C)[:, :N, :]

# --- scband reference (transcript-rebuilt; emitter-appended) ---
"""Pipeline reference for scband-center-head-template-31490700214819 (READ-ONLY COPY).

The authoritative reference and input builder live on the scoring server;
editing this copy changes nothing except your own understanding.
"""

import jax, jax.numpy as jnp
import numpy as np


def setup_inputs(seed: int = 0) -> dict:
    key = jax.random.key(seed)
    k1, k2 = jax.random.split(key)
    B, H, W, C = 16, 512, 512, 8
    MAX_NUM = 500
    feat = jax.random.normal(k1, (B, H, W, C), dtype=jnp.float32)
    index = jax.random.randint(k2, (B, MAX_NUM), 0, H * W, dtype=jnp.int32)
    return {"feat": feat, "index": index}


def reference(feat, index):
    # Faithful port of CenterHeadTemplate.transpose_and_gather_feat + _gather_feat.
    # feat: [B, H, W, C] -> view as [B, H*W, C], then gather rows along dim 1
    # using index expanded to [B, N, C] (torch.gather(feat, 1, index)).
    B, H, W, C = feat.shape
    N = index.shape[1]
    flat = feat.reshape(B, H * W, C)
    idx = jnp.broadcast_to(index[:, :, None], (B, N, C))
    out = jnp.take_along_axis(flat, idx, axis=1)
    return out

if __name__ == "__main__":
    import jax
    _d = setup_inputs()
    print(jax.jit(kernel)(*tuple(_d.values())))

</pallas_src>

<mosaic_0001>
#map = affine_map<(d0, d1) -> (0)>
#map1 = affine_map<(d0, d1) -> (0, 0)>
module attributes {stable_mosaic.version = 14 : i64} {
  func.func @gather_kernel(%arg0: i32, %arg1: i32, %arg2: memref<33554432xf32, #tpu.memory_space<hbm>>, %arg3: memref<32x256xi32, #tpu.memory_space<hbm>>, %arg4: memref<65536xf32, #tpu.memory_space<hbm>>, %arg5: memref<256xi32, #tpu.memory_space<vmem>>, %arg6: memref<16x128xi32, #tpu.memory_space<vmem>>, %arg7: memref<2048xf32, #tpu.memory_space<vmem>>, %arg8: memref<!tpu.dma_semaphore, #tpu.memory_space<semaphore_mem>>) attributes {dimension_semantics = [#tpu.dimension_semantics<core_parallel>, #tpu.dimension_semantics<subcore_parallel>], iteration_bounds = array<i64: 2, 16>, scalar_prefetch = 0 : i64, scratch_operands = 4 : i64, tpu.core_type = #tpu.core_type<sc_vector_subcore>, window_params = [{transform_indices = #map}, {transform_indices = #map1}, {transform_indices = #map}]} {
    %mul3A = arith.constant 2 : i32
    %mul3A_0 = arith.muli %arg1, %mul3A : i32
    %add3A = arith.addi %mul3A_0, %arg0 : i32
    %jit3A = arith.constant 2 : i32
    %div3A = arith.divsi %add3A, %jit3A : i32
    %sign3A = arith.constant 0 : i32
    %sign3A_1 = arith.cmpi sgt, %add3A, %sign3A : i32
    %sign3A_2 = arith.extui %sign3A_1 : i1 to i32
    %sign3A_3 = arith.constant 0 : i32
    %sign3A_4 = arith.cmpi slt, %add3A, %sign3A_3 : i32
    %sign3A_5 = arith.extui %sign3A_4 : i1 to i32
    %sign3A_6 = arith.subi %sign3A_2, %sign3A_5 : i32
    %sign3A_7 = arith.constant 0 : i32
    %sign3A_8 = arith.cmpi sgt, %jit3A, %sign3A_7 : i32
    %sign3A_9 = arith.extui %sign3A_8 : i1 to i32
    %sign3A_10 = arith.constant 0 : i32
    %sign3A_11 = arith.cmpi slt, %jit3A, %sign3A_10 : i32
    %sign3A_12 = arith.extui %sign3A_11 : i1 to i32
    %sign3A_13 = arith.subi %sign3A_9, %sign3A_12 : i32
    %ne3A = arith.cmpi ne, %sign3A_6, %sign3A_13 : i32
    %rem3A = arith.remsi %add3A, %jit3A : i32
    %ne3A_14 = arith.constant 0 : i32
    %ne3A_15 = arith.cmpi ne, %rem3A, %ne3A_14 : i32
    %and3A = arith.andi %ne3A, %ne3A_15 : i1
    %sub3A = arith.constant 1 : i32
    %sub3A_16 = arith.subi %div3A, %sub3A : i32
    %select_n3A = arith.select %and3A, %sub3A_16, %div3A : i32
    "tpu.region"() ({
      %run_scoped3A = tpu.sem_alloc : memref<!tpu.dma_semaphore, #tpu.memory_space<semaphore_mem>>
      %dma_start3A_1815 = arith.constant 0 : i32
      %dma_start3A_1816 = tpu.memref_slice %arg3[%add3A, %dma_start3A_1815] : memref<32x256xi32, #tpu.memory_space<hbm>> -> memref<1x256xi32, #tpu.memory_space<hbm>>
      %dma_start3A_1817 = tpu.memref_squeeze %dma_start3A_1816 : memref<1x256xi32, #tpu.memory_space<hbm>> -> memref<256xi32, #tpu.memory_space<hbm>>
      %dma_start3A_1818 = arith.constant 0 : i32
      %dma_start3A_1819 = tpu.memref_slice %arg3[%add3A, %dma_start3A_1818] : memref<32x256xi32, #tpu.memory_space<hbm>> -> memref<1x256xi32, #tpu.memory_space<hbm>>
      %dma_start3A_1820 = tpu.memref_squeeze %dma_start3A_1819 : memref<1x256xi32, #tpu.memory_space<hbm>> -> memref<256xi32, #tpu.memory_space<hbm>>
      tpu.enqueue_dma source(%dma_start3A_1820 : memref<256xi32, #tpu.memory_space<hbm>>) target(%arg5 : memref<256xi32, #tpu.memory_space<vmem>>) target_semaphore(%run_scoped3A : memref<!tpu.dma_semaphore, #tpu.memory_space<semaphore_mem>>)
      %dma_wait3A_1821 = arith.constant 0 : i32
      %dma_wait3A_1822 = tpu.memref_slice %arg3[%add3A, %dma_wait3A_1821] : memref<32x256xi32, #tpu.memory_space<hbm>> -> memref<1x256xi32, #tpu.memory_space<hbm>>
      %dma_wait3A_1823 = tpu.memref_squeeze %dma_wait3A_1822 : memref<1x256xi32, #tpu.memory_space<hbm>> -> memref<256xi32, #tpu.memory_space<hbm>>
      %dma_wait3A_1824 = arith.constant 0 : i32
      %dma_wait3A_1825 = tpu.memref_slice %arg3[%add3A, %dma_wait3A_1824] : memref<32x256xi32, #tpu.memory_space<hbm>> -> memref<1x256xi32, #tpu.memory_space<hbm>>
      %dma_wait3A_1826 = tpu.memref_squeeze %dma_wait3A_1825 : memref<1x256xi32, #tpu.memory_space<hbm>> -> memref<256xi32, #tpu.memory_space<hbm>>
      tpu.wait_dma2 semaphore(%run_scoped3A : memref<!tpu.dma_semaphore, #tpu.memory_space<semaphore_mem>>) src(%dma_wait3A_1826 : memref<256xi32, #tpu.memory_space<hbm>>) dst(%arg5 : memref<256xi32, #tpu.memory_space<vmem>>)
      tpu.yield
    }) : () -> ()
    %iota3A = tpu.iota {dimensions = array<i32: 0>} : vector<16xi32>
    %shift_right_logical3A = arith.constant 3 : i32
    %shift_right_logical3A_17 = vector.broadcast %shift_right_logical3A : i32 to vector<16xi32>
    %shift_right_logical3A_18 = arith.shrui %iota3A, %shift_right_logical3A_17 : vector<16xi32>
    %and3A_19 = arith.constant 7 : i32
    %and3A_20 = vector.broadcast %and3A_19 : i32 to vector<16xi32>
    %and3A_21 = arith.andi %iota3A, %and3A_20 : vector<16xi32>
    %mul3A_22 = arith.constant 2097152 : i32
    %mul3A_23 = arith.muli %select_n3A, %mul3A_22 : i32
    %add3A_24 = vector.broadcast %mul3A_23 : i32 to vector<16xi32>
    %add3A_25 = arith.addi %and3A_21, %add3A_24 : vector<16xi32>
    %add3A_26 = arith.constant 0 : i32
    %add3A_27 = vector.broadcast %add3A_26 : i32 to vector<16xi32>
    %add3A_28 = arith.addi %shift_right_logical3A_18, %add3A_27 : vector<16xi32>
    %gather3A = tpu.vector_load_idx %arg5[%add3A_28] : memref<256xi32, #tpu.memory_space<vmem>>[vector<16xi32>], vector<16xi32>,
    %shift_left3A = arith.constant 3 : i32
    %shift_left3A_29 = vector.broadcast %shift_left3A : i32 to vector<16xi32>
    %shift_left3A_30 = arith.shli %gather3A, %shift_left3A_29 : vector<16xi32>
    %add3A_31 = arith.addi %shift_left3A_30, %add3A_25 : vector<16xi32>
    %swap3A = arith.constant 0 : i32
    %swap3A_32 = arith.index_cast %swap3A : i32 to index
    %swap3A_33 = arith.constant 0 : index
    %swap3A_34 = tpu.vector_load %arg6[%swap3A_32, %swap3A_33] {strides = array<i32>} : memref<16x128xi32, #tpu.memory_space<vmem>>, vector<16xi32>,
    tpu.vector_store %arg6[%swap3A_32, %swap3A_33], %add3A_31 {strides = array<i32>} : memref<16x128xi32, #tpu.memory_space<vmem>>, vector<16xi32>,
    %add3A_35 = arith.constant 2 : i32
    %add3A_36 = vector.broadcast %add3A_35 : i32 to vector<16xi32>
    %add3A_37 = arith.addi %shift_right_logical3A_18, %add3A_36 : vector<16xi32>
    %gather3A_38 = tpu.vector_load_idx %arg5[%add3A_37] : memref<256xi32, #tpu.memory_space<vmem>>[vector<16xi32>], vector<16xi32>,
    %shift_left3A_39 = arith.constant 3 : i32
    %shift_left3A_40 = vector.broadcast %shift_left3A_39 : i32 to vector<16xi32>
    %shift_left3A_41 = arith.shli %gather3A_38, %shift_left3A_40 : vector<16xi32>
    %add3A_42 = arith.addi %shift_left3A_41, %add3A_25 : vector<16xi32>
    %swap3A_43 = arith.constant 0 : i32
    %swap3A_44 = arith.index_cast %swap3A_43 : i32 to index
    %swap3A_45 = arith.constant 16 : index
    %swap3A_46 = tpu.vector_load %arg6[%swap3A_44, %swap3A_45] {strides = array<i32>} : memref<16x128xi32, #tpu.memory_space<vmem>>, vector<16xi32>,
    tpu.vector_store %arg6[%swap3A_44, %swap3A_45], %add3A_42 {strides = array<i32>} : memref<16x128xi32, #tpu.memory_space<vmem>>, vector<16xi32>,
    %add3A_47 = arith.constant 4 : i32
    %add3A_48 = vector.broadcast %add3A_47 : i32 to vector<16xi32>
    %add3A_49 = arith.addi %shift_right_logical3A_18, %add3A_48 : vector<16xi32>
    %gather3A_50 = tpu.vector_load_idx %arg5[%add3A_49] : memref<256xi32, #tpu.memory_space<vmem>>[vector<16xi32>], vector<16xi32>,
    %shift_left3A_51 = arith.constant 3 : i32
    %shift_left3A_52 = vector.broadcast %shift_left3A_51 : i32 to vector<16xi32>
    %shift_left3A_53 = arith.shli %gather3A_50, %shift_left3A_52 : vector<16xi32>
    %add3A_54 = arith.addi %shift_left3A_53, %add3A_25 : vector<16xi32>
    %swap3A_55 = arith.constant 0 : i32
    %swap3A_56 = arith.index_cast %swap3A_55 : i32 to index
    %swap3A_57 = arith.constant 32 : index
    %swap3A_58 = tpu.vector_load %arg6[%swap3A_56, %swap3A_57] {strides = array<i32>} : memref<16x128xi32, #tpu.memory_space<vmem>>, vector<16xi32>,
    tpu.vector_store %arg6[%swap3A_56, %swap3A_57], %add3A_54 {strides = array<i32>} : memref<16x128xi32, #tpu.memory_space<vmem>>, vector<16xi32>,
    %add3A_59 = arith.constant 6 : i32
    %add3A_60 = vector.broadcast %add3A_59 : i32 to vector<16xi32>
    %add3A_61 = arith.addi %shift_right_logical3A_18, %add3A_60 : vector<16xi32>
    %gather3A_62 = tpu.vector_load_idx %arg5[%add3A_61] : memref<256xi32, #tpu.memory_space<vmem>>[vector<16xi32>], vector<16xi32>,
    %shift_left3A_63 = arith.constant 3 : i32
    %shift_left3A_64 = vector.broadcast %shift_left3A_63 : i32 to vector<16xi32>
    %shift_left3A_65 = arith.shli %gather3A_62, %shift_left3A_64 : vector<16xi32>
    %add3A_66 = arith.addi %shift_left3A_65, %add3A_25 : vector<16xi32>
    %swap3A_67 = arith.constant 0 : i32
    %swap3A_68 = arith.index_cast %swap3A_67 : i32 to index
    %swap3A_69 = arith.constant 48 : index
    %swap3A_70 = tpu.vector_load %arg6[%swap3A_68, %swap3A_69] {strides = array<i32>} : memref<16x128xi32, #tpu.memory_space<vmem>>, vector<16xi32>,
    tpu.vector_store %arg6[%swap3A_68, %swap3A_69], %add3A_66 {strides = array<i32>} : memref<16x128xi32, #tpu.memory_space<vmem>>, vector<16xi32>,
    %add3A_71 = arith.constant 8 : i32
    %add3A_72 = vector.broadcast %add3A_71 : i32 to vector<16xi32>
    %add3A_73 = arith.addi %shift_right_logical3A_18, %add3A_72 : vector<16xi32>
    %gather3A_74 = tpu.vector_load_idx %arg5[%add3A_73] : memref<256xi32, #tpu.memory_space<vmem>>[vector<16xi32>], vector<16xi32>,
    %shift_left3A_75 = arith.constant 3 : i32
    %shift_left3A_76 = vector.broadcast %shift_left3A_75 : i32 to vector<16xi32>
    %shift_left3A_77 = arith.shli %gather3A_74, %shift_left3A_76 : vector<16xi32>
    %add3A_78 = arith.addi %shift_left3A_77, %add3A_25 : vector<16xi32>
    %swap3A_79 = arith.constant 0 : i32
    %swap3A_80 = arith.index_cast %swap3A_79 : i32 to index
    %swap3A_81 = arith.constant 64 : index
    %swap3A_82 = tpu.vector_load %arg6[%swap3A_80, %swap3A_81] {strides = array<i32>} : memref<16x128xi32, #tpu.memory_space<vmem>>, vector<16xi32>,
    tpu.vector_store %arg6[%swap3A_80, %swap3A_81], %add3A_78 {strides = array<i32>} : memref<16x128xi32, #tpu.memory_space<vmem>>, vector<16xi32>,
    %add3A_83 = arith.constant 10 : i32
    %add3A_84 = vector.broadcast %add3A_83 : i32 to vector<16xi32>
    %add3A_85 = arith.addi %shift_right_logical3A_18, %add3A_84 : vector<16xi32>
    %gather3A_86 = tpu.vector_load_idx %arg5[%add3A_85] : memref<256xi32, #tpu.memory_space<vmem>>[vector<16xi32>], vector<16xi32>,
    %shift_left3A_87 = arith.constant 3 : i32
    %shift_left3A_88 = vector.broadcast %shift_left3A_87 : i32 to vector<16xi32>
    %shift_left3A_89 = arith.shli %gather3A_86, %shift_left3A_88 : vector<16xi32>
    %add3A_90 = arith.addi %shift_left3A_89, %add3A_25 : vector<16xi32>
    %swap3A_91 = arith.constant 0 : i32
    %swap3A_92 = arith.index_cast %swap3A_91 : i32 to index
    %swap3A_93 = arith.constant 80 : index
    %swap3A_94 = tpu.vector_load %arg6[%swap3A_92, %swap3A_93] {strides = array<i32>} : memref<16x128xi32, #tpu.memory_space<vmem>>, vector<16xi32>,
    tpu.vector_store %arg6[%swap3A_92, %swap3A_93], %add3A_90 {strides = array<i32>} : memref<16x128xi32, #tpu.memory_space<vmem>>, vector<16xi32>,
    %add3A_95 = arith.constant 12 : i32
    %add3A_96 = vector.broadcast %add3A_95 : i32 to vector<16xi32>
    %add3A_97 = arith.addi %shift_right_logical3A_18, %add3A_96 : vector<16xi32>
    %gather3A_98 = tpu.vector_load_idx %arg5[%add3A_97] : memref<256xi32, #tpu.memory_space<vmem>>[vector<16xi32>], vector<16xi32>,
    %shift_left3A_99 = arith.constant 3 : i32
    %shift_left3A_100 = vector.broadcast %shift_left3A_99 : i32 to vector<16xi32>
    %shift_left3A_101 = arith.shli %gather3A_98, %shift_left3A_100 : vector<16xi32>
    %add3A_102 = arith.addi %shift_left3A_101, %add3A_25 : vector<16xi32>
    %swap3A_103 = arith.constant 0 : i32
    %swap3A_104 = arith.index_cast %swap3A_103 : i32 to index
    %swap3A_105 = arith.constant 96 : index
    %swap3A_106 = tpu.vector_load %arg6[%swap3A_104, %swap3A_105] {strides = array<i32>} : memref<16x128xi32, #tpu.memory_space<vmem>>, vector<16xi32>,
    tpu.vector_store %arg6[%swap3A_104, %swap3A_105], %add3A_102 {strides = array<i32>} : memref<16x128xi32, #tpu.memory_space<vmem>>, vector<16xi32>,
    %add3A_107 = arith.constant 14 : i32
    %add3A_108 = vector.broadcast %add3A_107 : i32 to vector<16xi32>
    %add3A_109 = arith.addi %shift_right_logical3A_18, %add3A_108 : vector<16xi32>
    %gather3A_110 = tpu.vector_load_idx %arg5[%add3A_109] : memref<256xi32, #tpu.memory_space<vmem>>[vector<16xi32>], vector<16xi32>,
    %shift_left3A_111 = arith.constant 3 : i32
    %shift_left3A_112 = vector.broadcast %shift_left3A_111 : i32 to vector<16xi32>
    %shift_left3A_113 = arith.shli %gather3A_110, %shift_left3A_112 : vector<16xi32>
    %add3A_114 = arith.addi %shift_left3A_113, %add3A_25 : vector<16xi32>
    %swap3A_115 = arith.constant 0 : i32
    %swap3A_116 = arith.index_cast %swap3A_115 : i32 to index
    %swap3A_117 = arith.constant 112 : index
    %swap3A_118 = tpu.vector_load %arg6[%swap3A_116, %swap3A_117] {strides = array<i32>} : memref<16x128xi32, #tpu.memory_space<vmem>>, vector<16xi32>,
    tpu.vector_store %arg6[%swap3A_116, %swap3A_117], %add3A_114 {strides = array<i32>} : memref<16x128xi32, #tpu.memory_space<vmem>>, vector<16xi32>,
    %add3A_119 = arith.constant 16 : i32
    %add3A_120 = vector.broadcast %add3A_119 : i32 to vector<16xi32>
    %add3A_121 = arith.addi %shift_right_logical3A_18, %add3A_120 : vector<16xi32>
    %gather3A_122 = tpu.vector_load_idx %arg5[%add3A_121] : memref<256xi32, #tpu.memory_space<vmem>>[vector<16xi32>], vector<16xi32>,
    %shift_left3A_123 = arith.constant 3 : i32
    %shift_left3A_124 = vector.broadcast %shift_left3A_123 : i32 to vector<16xi32>
    %shift_left3A_125 = arith.shli %gather3A_122, %shift_left3A_124 : vector<16xi32>
    %add3A_126 = arith.addi %shift_left3A_125, %add3A_25 : vector<16xi32>
    %swap3A_127 = arith.constant 1 : i32
    %swap3A_128 = arith.index_cast %swap3A_127 : i32 to index
    %swap3A_129 = arith.constant 0 : index
    %swap3A_130 = tpu.vector_load %arg6[%swap3A_128, %swap3A_129] {strides = array<i32>} : memref<16x128xi32, #tpu.memory_space<vmem>>, vector<16xi32>,
    tpu.vector_store %arg6[%swap3A_128, %swap3A_129], %add3A_126 {strides = array<i32>} : memref<16x128xi32, #tpu.memory_space<vmem>>, vector<16xi32>,
    %add3A_131 = arith.constant 18 : i32
    %add3A_132 = vector.broadcast %add3A_131 : i32 to vector<16xi32>
    %add3A_133 = arith.addi %shift_right_logical3A_18, %add3A_132 : vector<16xi32>
    %gather3A_134 = tpu.vector_load_idx %arg5[%add3A_133] : memref<256xi32, #tpu.memory_space<vmem>>[vector<16xi32>], vector<16xi32>,
    %shift_left3A_135 = arith.constant 3 : i32
    %shift_left3A_136 = vector.broadcast %shift_left3A_135 : i32 to vector<16xi32>
    %shift_left3A_137 = arith.shli %gather3A_134, %shift_left3A_136 : vector<16xi32>
    %add3A_138 = arith.addi %shift_left3A_137, %add3A_25 : vector<16xi32>
    %swap3A_139 = arith.constant 1 : i32
    %swap3A_140 = arith.index_cast %swap3A_139 : i32 to index
    %swap3A_141 = arith.constant 16 : index
    %swap3A_142 = tpu.vector_load %arg6[%swap3A_140, %swap3A_141] {strides = array<i32>} : memref<16x128xi32, #tpu.memory_space<vmem>>, vector<16xi32>,
    tpu.vector_store %arg6[%swap3A_140, %swap3A_141], %add3A_138 {strides = array<i32>} : memref<16x128xi32, #tpu.memory_space<vmem>>, vector<16xi32>,
    %add3A_143 = arith.constant 20 : i32
    %add3A_144 = vector.broadcast %add3A_143 : i32 to vector<16xi32>
    %add3A_145 = arith.addi %shift_right_logical3A_18, %add3A_144 : vector<16xi32>
    %gather3A_146 = tpu.vector_load_idx %arg5[%add3A_145] : memref<256xi32, #tpu.memory_space<vmem>>[vector<16xi32>], vector<16xi32>,
    %shift_left3A_147 = arith.constant 3 : i32
    %shift_left3A_148 = vector.broadcast %shift_left3A_147 : i32 to vector<16xi32>
    %shift_left3A_149 = arith.shli %gather3A_146, %shift_left3A_148 : vector<16xi32>
    %add3A_150 = arith.addi %shift_left3A_149, %add3A_25 : vector<16xi32>
    %swap3A_151 = arith.constant 1 : i32
    %swap3A_152 = arith.index_cast %swap3A_151 : i32 to index
    %swap3A_153 = arith.constant 32 : index
    %swap3A_154 = tpu.vector_load %arg6[%swap3A_152, %swap3A_153] {strides = array<i32>} : memref<16x128xi32, #tpu.memory_space<vmem>>, vector<16xi32>,
    tpu.vector_store %arg6[%swap3A_152, %swap3A_153], %add3A_150 {strides = array<i32>} : memref<16x128xi32, #tpu.memory_space<vmem>>, vector<16xi32>,
    %add3A_155 = arith.constant 22 : i32
    %add3A_156 = vector.broadcast %add3A_155 : i32 to vector<16xi32>
    %add3A_157 = arith.addi %shift_right_logical3A_18, %add3A_156 : vector<16xi32>
    %gather3A_158 = tpu.vector_load_idx %arg5[%add3A_157] : memref<256xi32, #tpu.memory_space<vmem>>[vector<16xi32>], vector<16xi32>,
    %shift_left3A_159 = arith.constant 3 : i32
    %shift_left3A_160 = vector.broadcast %shift_left3A_159 : i32 to vector<16xi32>
    %shift_left3A_161 = arith.shli %gather3A_158, %shift_left3A_160 : vector<16xi32>
    %add3A_162 = arith.addi %shift_left3A_161, %add3A_25 : vector<16xi32>
    %swap3A_163 = arith.constant 1 : i32
    %swap3A_164 = arith.index_cast %swap3A_163 : i32 to index
    %swap3A_165 = arith.constant 48 : index
    %swap3A_166 = tpu.vector_load %arg6[%swap3A_164, %swap3A_165] {strides = array<i32>} : memref<16x128xi32, #tpu.memory_space<vmem>>, vector<16xi32>,
    tpu.vector_store %arg6[%swap3A_164, %swap3A_165], %add3A_162 {strides = array<i32>} : memref<16x128xi32, #tpu.memory_space<vmem>>, vector<16xi32>,
    %add3A_167 = arith.constant 24 : i32
    %add3A_168 = vector.broadcast %add3A_167 : i32 to vector<16xi32>
    %add3A_169 = arith.addi %shift_right_logical3A_18, %add3A_168 : vector<16xi32>
    %gather3A_170 = tpu.vector_load_idx %arg5[%add3A_169] : memref<256xi32, #tpu.memory_space<vmem>>[vector<16xi32>], vector<16xi32>,
    %shift_left3A_171 = arith.constant 3 : i32
    %shift_left3A_172 = vector.broadcast %shift_left3A_171 : i32 to vector<16xi32>
    %shift_left3A_173 = arith.shli %gather3A_170, %shift_left3A_172 : vector<16xi32>
    %add3A_174 = arith.addi %shift_left3A_173, %add3A_25 : vector<16xi32>
    %swap3A_175 = arith.constant 1 : i32
    %swap3A_176 = arith.index_cast %swap3A_175 : i32 to index
    %swap3A_177 = arith.constant 64 : index
    %swap3A_178 = tpu.vector_load %arg6[%swap3A_176, %swap3A_177] {strides = array<i32>} : memref<16x128xi32, #tpu.memory_space<vmem>>, vector<16xi32>,
    tpu.vector_store %arg6[%swap3A_176, %swap3A_177], %add3A_174 {strides = array<i32>} : memref<16x128xi32, #tpu.memory_space<vmem>>, vector<16xi32>,
    %add3A_179 = arith.constant 26 : i32
    %add3A_180 = vector.broadcast %add3A_179 : i32 to vector<16xi32>
    %add3A_181 = arith.addi %shift_right_logical3A_18, %add3A_180 : vector<16xi32>
    %gather3A_182 = tpu.vector_load_idx %arg5[%add3A_181] : memref<256xi32, #tpu.memory_space<vmem>>[vector<16xi32>], vector<16xi32>,
    %shift_left3A_183 = arith.constant 3 : i32
    %shift_left3A_184 = vector.broadcast %shift_left3A_183 : i32 to vector<16xi32>
    %shift_left3A_185 = arith.shli %gather3A_182, %shift_left3A_184 : vector<16xi32>
    %add3A_186 = arith.addi %shift_left3A_185, %add3A_25 : vector<16xi32>
    %swap3A_187 = arith.constant 1 : i32
    %swap3A_188 = arith.index_cast %swap3A_187 : i32 to index
    %swap3A_189 = arith.constant 80 : index
    %swap3A_190 = tpu.vector_load %arg6[%swap3A_188, %swap3A_189] {strides = array<i32>} : memref<16x128xi32, #tpu.memory_space<vmem>>, vector<16xi32>,
    tpu.vector_store %arg6[%swap3A_188, %swap3A_189], %add3A_186 {strides = array<i32>} : memref<16x128xi32, #tpu.memory_space<vmem>>, vector<16xi32>,
    %add3A_191 = arith.constant 28 : i32
    %add3A_192 = vector.broadcast %add3A_191 : i32 to vector<16xi32>
    %add3A_193 = arith.addi %shift_right_logical3A_18, %add3A_192 : vector<16xi32>
    %gather3A_194 = tpu.vector_load_idx %arg5[%add3A_193] : memref<256xi32, #tpu.memory_space<vmem>>[vector<16xi32>], vector<16xi32>,
    %shift_left3A_195 = arith.constant 3 : i32
    %shift_left3A_196 = vector.broadcast %shift_left3A_195 : i32 to vector<16xi32>
    %shift_left3A_197 = arith.shli %gather3A_194, %shift_left3A_196 : vector<16xi32>
    %add3A_198 = arith.addi %shift_left3A_197, %add3A_25 : vector<16xi32>
    %swap3A_199 = arith.constant 1 : i32
    %swap3A_200 = arith.index_cast %swap3A_199 : i32 to index
    %swap3A_201 = arith.constant 96 : index
    %swap3A_202 = tpu.vector_load %arg6[%swap3A_200, %swap3A_201] {strides = array<i32>} : memref<16x128xi32, #tpu.memory_space<vmem>>, vector<16xi32>,
    tpu.vector_store %arg6[%swap3A_200, %swap3A_201], %add3A_198 {strides = array<i32>} : memref<16x128xi32, #tpu.memory_space<vmem>>, vector<16xi32>,
    %add3A_203 = arith.constant 30 : i32
    %add3A_204 = vector.broadcast %add3A_203 : i32 to vector<16xi32>
    %add3A_205 = arith.addi %shift_right_logical3A_18, %add3A_204 : vector<16xi32>
    %gather3A_206 = tpu.vector_load_idx %arg5[%add3A_205] : memref<256xi32, #tpu.memory_space<vmem>>[vector<16xi32>], vector<16xi32>,
    %shift_left3A_207 = arith.constant 3 : i32
    %shift_left3A_208 = vector.broadcast %shift_left3A_207 : i32 to vector<16xi32>
    %shift_left3A_209 = arith.shli %gather3A_206, %shift_left3A_208 : vector<16xi32>
    %add3A_210 = arith.addi %shift_left3A_209, %add3A_25 : vector<16xi32>
    %swap3A_211 = arith.constant 1 : i32
    %swap3A_212 = arith.index_cast %swap3A_211 : i32 to index
    %swap3A_213 = arith.constant 112 : index
    %swap3A_214 = tpu.vector_load %arg6[%swap3A_212, %swap3A_213] {strides = array<i32>} : memref<16x128xi32, #tpu.memory_space<vmem>>, vector<16xi32>,
    tpu.vector_store %arg6[%swap3A_212, %swap3A_213], %add3A_210 {strides = array<i32>} : memref<16x128xi32, #tpu.memory_space<vmem>>, vector<16xi32>,
    %add3A_215 = arith.constant 32 : i32
    %add3A_216 = vector.broadcast %add3A_215 : i32 to vector<16xi32>
    %add3A_217 = arith.addi %shift_right_logical3A_18, %add3A_216 : vector<16xi32>
    %gather3A_218 = tpu.vector_load_idx %arg5[%add3A_217] : memref<256xi32, #tpu.memory_space<vmem>>[vector<16xi32>], vector<16xi32>,
    %shift_left3A_219 = arith.constant 3 : i32
    %shift_left3A_220 = vector.broadcast %shift_left3A_219 : i32 to vector<16xi32>
    %shift_left3A_221 = arith.shli %gather3A_218, %shift_left3A_220 : vector<16xi32>
    %add3A_222 = arith.addi %shift_left3A_221, %add3A_25 : vector<16xi32>
    %swap3A_223 = arith.constant 2 : i32
    %swap3A_224 = arith.index_cast %swap3A_223 : i32 to index
    %swap3A_225 = arith.constant 0 : index
    %swap3A_226 = tpu.vector_load %arg6[%swap3A_224, %swap3A_225] {strides = array<i32>} : memref<16x128xi32, #tpu.memory_space<vmem>>, vector<16xi32>,
    tpu.vector_store %arg6[%swap3A_224, %swap3A_225], %add3A_222 {strides = array<i32>} : memref<16x128xi32, #tpu.memory_space<vmem>>, vector<16xi32>,
    %add3A_227 = arith.constant 34 : i32
    %add3A_228 = vector.broadcast %add3A_227 : i32 to vector<16xi32>
    %add3A_229 = arith.addi %shift_right_logical3A_18, %add3A_228 : vector<16xi32>
    %gather3A_230 = tpu.vector_load_idx %arg5[%add3A_229] : memref<256xi32, #tpu.memory_space<vmem>>[vector<16xi32>], vector<16xi32>,
    %shift_left3A_231 = arith.constant 3 : i32
    %shift_left3A_232 = vector.broadcast %shift_left3A_231 : i32 to vector<16xi32>
    %shift_left3A_233 = arith.shli %gather3A_230, %shift_left3A_232 : vector<16xi32>
    %add3A_234 = arith.addi %shift_left3A_233, %add3A_25 : vector<16xi32>
    %swap3A_235 = arith.constant 2 : i32
    %swap3A_236 = arith.index_cast %swap3A_235 : i32 to index
    %swap3A_237 = arith.constant 16 : index
    %swap3A_238 = tpu.vector_load %arg6[%swap3A_236, %swap3A_237] {strides = array<i32>} : memref<16x128xi32, #tpu.memory_space<vmem>>, vector<16xi32>,
    tpu.vector_store %arg6[%swap3A_236, %swap3A_237], %add3A_234 {strides = array<i32>} : memref<16x128xi32, #tpu.memory_space<vmem>>, vector<16xi32>,
    %add3A_239 = arith.constant 36 : i32
    %add3A_240 = vector.broadcast %add3A_239 : i32 to vector<16xi32>
    %add3A_241 = arith.addi %shift_right_logical3A_18, %add3A_240 : vector<16xi32>
    %gather3A_242 = tpu.vector_load_idx %arg5[%add3A_241] : memref<256xi32, #tpu.memory_space<vmem>>[vector<16xi32>], vector<16xi32>,
    %shift_left3A_243 = arith.constant 3 : i32
    %shift_left3A_244 = vector.broadcast %shift_left3A_243 : i32 to vector<16xi32>
    %shift_left3A_245 = arith.shli %gather3A_242, %shift_left3A_244 : vector<16xi32>
    %add3A_246 = arith.addi %shift_left3A_245, %add3A_25 : vector<16xi32>
    %swap3A_247 = arith.constant 2 : i32
    %swap3A_248 = arith.index_cast %swap3A_247 : i32 to index
    %swap3A_249 = arith.constant 32 : index
    %swap3A_250 = tpu.vector_load %arg6[%swap3A_248, %swap3A_249] {strides = array<i32>} : memref<16x128xi32, #tpu.memory_space<vmem>>, vector<16xi32>,
    tpu.vector_store %arg6[%swap3A_248, %swap3A_249], %add3A_246 {strides = array<i32>} : memref<16x128xi32, #tpu.memory_space<vmem>>, vector<16xi32>,
    %add3A_251 = arith.constant 38 : i32
    %add3A_252 = vector.broadcast %add3A_251 : i32 to vector<16xi32>
    %add3A_253 = arith.addi %shift_right_logical3A_18, %add3A_252 : vector<16xi32>
    %gather3A_254 = tpu.vector_load_idx %arg5[%add3A_253] : memref<256xi32, #tpu.memory_space<vmem>>[vector<16xi32>], vector<16xi32>,
    %shift_left3A_255 = arith.constant 3 : i32
    %shift_left3A_256 = vector.broadcast %shift_left3A_255 : i32 to vector<16xi32>
    %shift_left3A_257 = arith.shli %gather3A_254, %shift_left3A_256 : vector<16xi32>
    %add3A_258 = arith.addi %shift_left3A_257, %add3A_25 : vector<16xi32>
    %swap3A_259 = arith.constant 2 : i32
    %swap3A_260 = arith.index_cast %swap3A_259 : i32 to index
    %swap3A_261 = arith.constant 48 : index
    %swap3A_262 = tpu.vector_load %arg6[%swap3A_260, %swap3A_261] {strides = array<i32>} : memref<16x128xi32, #tpu.memory_space<vmem>>, vector<16xi32>,
    tpu.vector_store %arg6[%swap3A_260, %swap3A_261], %add3A_258 {strides = array<i32>} : memref<16x128xi32, #tpu.memory_space<vmem>>, vector<16xi32>,
    %add3A_263 = arith.constant 40 : i32
    %add3A_264 = vector.broadcast %add3A_263 : i32 to vector<16xi32>
    %add3A_265 = arith.addi %shift_right_logical3A_18, %add3A_264 : vector<16xi32>
    %gather3A_266 = tpu.vector_load_idx %arg5[%add3A_265] : memref<256xi32, #tpu.memory_space<vmem>>[vector<16xi32>], vector<16xi32>,
    %shift_left3A_267 = arith.constant 3 : i32
    %shift_left3A_268 = vector.broadcast %shift_left3A_267 : i32 to vector<16xi32>
    %shift_left3A_269 = arith.shli %gather3A_266, %shift_left3A_268 : vector<16xi32>
    %add3A_270 = arith.addi %shift_left3A_269, %add3A_25 : vector<16xi32>
    %swap3A_271 = arith.constant 2 : i32
    %swap3A_272 = arith.index_cast %swap3A_271 : i32 to index
    %swap3A_273 = arith.constant 64 : index
    %swap3A_274 = tpu.vector_load %arg6[%swap3A_272, %swap3A_273] {strides = array<i32>} : memref<16x128xi32, #tpu.memory_space<vmem>>, vector<16xi32>,
    tpu.vector_store %arg6[%swap3A_272, %swap3A_273], %add3A_270 {strides = array<i32>} : memref<16x128xi32, #tpu.memory_space<vmem>>, vector<16xi32>,
    %add3A_275 = arith.constant 42 : i32
    %add3A_276 = vector.broadcast %add3A_275 : i32 to vector<16xi32>
    %add3A_277 = arith.addi %shift_right_logical3A_18, %add3A_276 : vector<16xi32>
    %gather3A_278 = tpu.vector_load_idx %arg5[%add3A_277] : memref<256xi32, #tpu.memory_space<vmem>>[vector<16xi32>], vector<16xi32>,
    %shift_left3A_279 = arith.constant 3 : i32
    %shift_left3A_280 = vector.broadcast %shift_left3A_279 : i32 to vector<16xi32>
    %shift_left3A_281 = arith.shli %gather3A_278, %shift_left3A_280 : vector<16xi32>
    %add3A_282 = arith.addi %shift_left3A_281, %add3A_25 : vector<16xi32>
    %swap3A_283 = arith.constant 2 : i32
    %swap3A_284 = arith.index_cast %swap3A_283 : i32 to index
    %swap3A_285 = arith.constant 80 : index
    %swap3A_286 = tpu.vector_load %arg6[%swap3A_284, %swap3A_285] {strides = array<i32>} : memref<16x128xi32, #tpu.memory_space<vmem>>, vector<16xi32>,
    tpu.vector_store %arg6[%swap3A_284, %swap3A_285], %add3A_282 {strides = array<i32>} : memref<16x128xi32, #tpu.memory_space<vmem>>, vector<16xi32>,
    %add3A_287 = arith.constant 44 : i32
    %add3A_288 = vector.broadcast %add3A_287 : i32 to vector<16xi32>
    %add3A_289 = arith.addi %shift_right_logical3A_18, %add3A_288 : vector<16xi32>
    %gather3A_290 = tpu.vector_load_idx %arg5[%add3A_289] : memref<256xi32, #tpu.memory_space<vmem>>[vector<16xi32>], vector<16xi32>,
    %shift_left3A_291 = arith.constant 3 : i32
    %shift_left3A_292 = vector.broadcast %shift_left3A_291 : i32 to vector<16xi32>
    %shift_left3A_293 = arith.shli %gather3A_290, %shift_left3A_292 : vector<16xi32>
    %add3A_294 = arith.addi %shift_left3A_293, %add3A_25 : vector<16xi32>
    %swap3A_295 = arith.constant 2 : i32
    %swap3A_296 = arith.index_cast %swap3A_295 : i32 to index
    %swap3A_297 = arith.constant 96 : index
    %swap3A_298 = tpu.vector_load %arg6[%swap3A_296, %swap3A_297] {strides = array<i32>} : memref<16x128xi32, #tpu.memory_space<vmem>>, vector<16xi32>,
    tpu.vector_store %arg6[%swap3A_296, %swap3A_297], %add3A_294 {strides = array<i32>} : memref<16x128xi32, #tpu.memory_space<vmem>>, vector<16xi32>,
    %add3A_299 = arith.constant 46 : i32
    %add3A_300 = vector.broadcast %add3A_299 : i32 to vector<16xi32>
    %add3A_301 = arith.addi %shift_right_logical3A_18, %add3A_300 : vector<16xi32>
    %gather3A_302 = tpu.vector_load_idx %arg5[%add3A_301] : memref<256xi32, #tpu.memory_space<vmem>>[vector<16xi32>], vector<16xi32>,
    %shift_left3A_303 = arith.constant 3 : i32
    %shift_left3A_304 = vector.broadcast %shift_left3A_303 : i32 to vector<16xi32>
    %shift_left3A_305 = arith.shli %gather3A_302, %shift_left3A_304 : vector<16xi32>
    %add3A_306 = arith.addi %shift_left3A_305, %add3A_25 : vector<16xi32>
    %swap3A_307 = arith.constant 2 : i32
    %swap3A_308 = arith.index_cast %swap3A_307 : i32 to index
    %swap3A_309 = arith.constant 112 : index
    %swap3A_310 = tpu.vector_load %arg6[%swap3A_308, %swap3A_309] {strides = array<i32>} : memref<16x128xi32, #tpu.memory_space<vmem>>, vector<16xi32>,
    tpu.vector_store %arg6[%swap3A_308, %swap3A_309], %add3A_306 {strides = array<i32>} : memref<16x128xi32, #tpu.memory_space<vmem>>, vector<16xi32>,
    %add3A_311 = arith.constant 48 : i32
    %add3A_312 = vector.broadcast %add3A_311 : i32 to vector<16xi32>
    %add3A_313 = arith.addi %shift_right_logical3A_18, %add3A_312 : vector<16xi32>
    %gather3A_314 = tpu.vector_load_idx %arg5[%add3A_313] : memref<256xi32, #tpu.memory_space<vmem>>[vector<16xi32>], vector<16xi32>,
    %shift_left3A_315 = arith.constant 3 : i32
    %shift_left3A_316 = vector.broadcast %shift_left3A_315 : i32 to vector<16xi32>
    %shift_left3A_317 = arith.shli %gather3A_314, %shift_left3A_316 : vector<16xi32>
    %add3A_318 = arith.addi %shift_left3A_317, %add3A_25 : vector<16xi32>
    %swap3A_319 = arith.constant 3 : i32
    %swap3A_320 = arith.index_cast %swap3A_319 : i32 to index
    %swap3A_321 = arith.constant 0 : index
    %swap3A_322 = tpu.vector_load %arg6[%swap3A_320, %swap3A_321] {strides = array<i32>} : memref<16x128xi32, #tpu.memory_space<vmem>>, vector<16xi32>,
    tpu.vector_store %arg6[%swap3A_320, %swap3A_321], %add3A_318 {strides = array<i32>} : memref<16x128xi32, #tpu.memory_space<vmem>>, vector<16xi32>,
    %add3A_323 = arith.constant 50 : i32
    %add3A_324 = vector.broadcast %add3A_323 : i32 to vector<16xi32>
    %add3A_325 = arith.addi %shift_right_logical3A_18, %add3A_324 : vector<16xi32>
    %gather3A_326 = tpu.vector_load_idx %arg5[%add3A_325] : memref<256xi32, #tpu.memory_space<vmem>>[vector<16xi32>], vector<16xi32>,
    %shift_left3A_327 = arith.constant 3 : i32
    %shift_left3A_328 = vector.broadcast %shift_left3A_327 : i32 to vector<16xi32>
    %shift_left3A_329 = arith.shli %gather3A_326, %shift_left3A_328 : vector<16xi32>
    %add3A_330 = arith.addi %shift_left3A_329, %add3A_25 : vector<16xi32>
    %swap3A_331 = arith.constant 3 : i32
    %swap3A_332 = arith.index_cast %swap3A_331 : i32 to index
    %swap3A_333 = arith.constant 16 : index
    %swap3A_334 = tpu.vector_load %arg6[%swap3A_332, %swap3A_333] {strides = array<i32>} : memref<16x128xi32, #tpu.memory_space<vmem>>, vector<16xi32>,
    tpu.vector_store %arg6[%swap3A_332, %swap3A_333], %add3A_330 {strides = array<i32>} : memref<16x128xi32, #tpu.memory_space<vmem>>, vector<16xi32>,
    %add3A_335 = arith.constant 52 : i32
    %add3A_336 = vector.broadcast %add3A_335 : i32 to vector<16xi32>
    %add3A_337 = arith.addi %shift_right_logical3A_18, %add3A_336 : vector<16xi32>
    %gather3A_338 = tpu.vector_load_idx %arg5[%add3A_337] : memref<256xi32, #tpu.memory_space<vmem>>[vector<16xi32>], vector<16xi32>,
    %shift_left3A_339 = arith.constant 3 : i32
    %shift_left3A_340 = vector.broadcast %shift_left3A_339 : i32 to vector<16xi32>
    %shift_left3A_341 = arith.shli %gather3A_338, %shift_left3A_340 : vector<16xi32>
    %add3A_342 = arith.addi %shift_left3A_341, %add3A_25 : vector<16xi32>
    %swap3A_343 = arith.constant 3 : i32
    %swap3A_344 = arith.index_cast %swap3A_343 : i32 to index
    %swap3A_345 = arith.constant 32 : index
    %swap3A_346 = tpu.vector_load %arg6[%swap3A_344, %swap3A_345] {strides = array<i32>} : memref<16x128xi32, #tpu.memory_space<vmem>>, vector<16xi32>,
    tpu.vector_store %arg6[%swap3A_344, %swap3A_345], %add3A_342 {strides = array<i32>} : memref<16x128xi32, #tpu.memory_space<vmem>>, vector<16xi32>,
    %add3A_347 = arith.constant 54 : i32
    %add3A_348 = vector.broadcast %add3A_347 : i32 to vector<16xi32>
    %add3A_349 = arith.addi %shift_right_logical3A_18, %add3A_348 : vector<16xi32>
    %gather3A_350 = tpu.vector_load_idx %arg5[%add3A_349] : memref<256xi32, #tpu.memory_space<vmem>>[vector<16xi32>], vector<16xi32>,
    %shift_left3A_351 = arith.constant 3 : i32
    %shift_left3A_352 = vector.broadcast %shift_left3A_351 : i32 to vector<16xi32>
    %shift_left3A_353 = arith.shli %gather3A_350, %shift_left3A_352 : vector<16xi32>
    %add3A_354 = arith.addi %shift_left3A_353, %add3A_25 : vector<16xi32>
    %swap3A_355 = arith.constant 3 : i32
    %swap3A_356 = arith.index_cast %swap3A_355 : i32 to index
    %swap3A_357 = arith.constant 48 : index
    %swap3A_358 = tpu.vector_load %arg6[%swap3A_356, %swap3A_357] {strides = array<i32>} : memref<16x128xi32, #tpu.memory_space<vmem>>, vector<16xi32>,
    tpu.vector_store %arg6[%swap3A_356, %swap3A_357], %add3A_354 {strides = array<i32>} : memref<16x128xi32, #tpu.memory_space<vmem>>, vector<16xi32>,
    %add3A_359 = arith.constant 56 : i32
    %add3A_360 = vector.broadcast %add3A_359 : i32 to vector<16xi32>
    %add3A_361 = arith.addi %shift_right_logical3A_18, %add3A_360 : vector<16xi32>
    %gather3A_362 = tpu.vector_load_idx %arg5[%add3A_361] : memref<256xi32, #tpu.memory_space<vmem>>[vector<16xi32>], vector<16xi32>,
    %shift_left3A_363 = arith.constant 3 : i32
    %shift_left3A_364 = vector.broadcast %shift_left3A_363 : i32 to vector<16xi32>
    %shift_left3A_365 = arith.shli %gather3A_362, %shift_left3A_364 : vector<16xi32>
    %add3A_366 = arith.addi %shift_left3A_365, %add3A_25 : vector<16xi32>
    %swap3A_367 = arith.constant 3 : i32
    %swap3A_368 = arith.index_cast %swap3A_367 : i32 to index
    %swap3A_369 = arith.constant 64 : index
    %swap3A_370 = tpu.vector_load %arg6[%swap3A_368, %swap3A_369] {strides = array<i32>} : memref<16x128xi32, #tpu.memory_space<vmem>>, vector<16xi32>,
    tpu.vector_store %arg6[%swap3A_368, %swap3A_369], %add3A_366 {strides = array<i32>} : memref<16x128xi32, #tpu.memory_space<vmem>>, vector<16xi32>,
    %add3A_371 = arith.constant 58 : i32
    %add3A_372 = vector.broadcast %add3A_371 : i32 to vector<16xi32>
    %add3A_373 = arith.addi %shift_right_logical3A_18, %add3A_372 : vector<16xi32>
    %gather3A_374 = tpu.vector_load_idx %arg5[%add3A_373] : memref<256xi32, #tpu.memory_space<vmem>>[vector<16xi32>], vector<16xi32>,
    %shift_left3A_375 = arith.constant 3 : i32
    %shift_left3A_376 = vector.broadcast %shift_left3A_375 : i32 to vector<16xi32>
    %shift_left3A_377 = arith.shli %gather3A_374, %shift_left3A_376 : vector<16xi32>
    %add3A_378 = arith.addi %shift_left3A_377, %add3A_25 : vector<16xi32>
    %swap3A_379 = arith.constant 3 : i32
    %swap3A_380 = arith.index_cast %swap3A_379 : i32 to index
    %swap3A_381 = arith.constant 80 : index
    %swap3A_382 = tpu.vector_load %arg6[%swap3A_380, %swap3A_381] {strides = array<i32>} : memref<16x128xi32, #tpu.memory_space<vmem>>, vector<16xi32>,
    tpu.vector_store %arg6[%swap3A_380, %swap3A_381], %add3A_378 {strides = array<i32>} : memref<16x128xi32, #tpu.memory_space<vmem>>, vector<16xi32>,
    %add3A_383 = arith.constant 60 : i32
    %add3A_384 = vector.broadcast %add3A_383 : i32 to vector<16xi32>
    %add3A_385 = arith.addi %shift_right_logical3A_18, %add3A_384 : vector<16xi32>
    %gather3A_386 = tpu.vector_load_idx %arg5[%add3A_385] : memref<256xi32, #tpu.memory_space<vmem>>[vector<16xi32>], vector<16xi32>,
    %shift_left3A_387 = arith.constant 3 : i32
    %shift_left3A_388 = vector.broadcast %shift_left3A_387 : i32 to vector<16xi32>
    %shift_left3A_389 = arith.shli %gather3A_386, %shift_left3A_388 : vector<16xi32>
    %add3A_390 = arith.addi %shift_left3A_389, %add3A_25 : vector<16xi32>
    %swap3A_391 = arith.constant 3 : i32
    %swap3A_392 = arith.index_cast %swap3A_391 : i32 to index
    %swap3A_393 = arith.constant 96 : index
    %swap3A_394 = tpu.vector_load %arg6[%swap3A_392, %swap3A_393] {strides = array<i32>} : memref<16x128xi32, #tpu.memory_space<vmem>>, vector<16xi32>,
    tpu.vector_store %arg6[%swap3A_392, %swap3A_393], %add3A_390 {strides = array<i32>} : memref<16x128xi32, #tpu.memory_space<vmem>>, vector<16xi32>,
    %add3A_395 = arith.constant 62 : i32
    %add3A_396 = vector.broadcast %add3A_395 : i32 to vector<16xi32>
    %add3A_397 = arith.addi %shift_right_logical3A_18, %add3A_396 : vector<16xi32>
    %gather3A_398 = tpu.vector_load_idx %arg5[%add3A_397] : memref<256xi32, #tpu.memory_space<vmem>>[vector<16xi32>], vector<16xi32>,
    %shift_left3A_399 = arith.constant 3 : i32
    %shift_left3A_400 = vector.broadcast %shift_left3A_399 : i32 to vector<16xi32>
    %shift_left3A_401 = arith.shli %gather3A_398, %shift_left3A_400 : vector<16xi32>
    %add3A_402 = arith.addi %shift_left3A_401, %add3A_25 : vector<16xi32>
    %swap3A_403 = arith.constant 3 : i32
    %swap3A_404 = arith.index_cast %swap3A_403 : i32 to index
    %swap3A_405 = arith.constant 112 : index
    %swap3A_406 = tpu.vector_load %arg6[%swap3A_404, %swap3A_405] {strides = array<i32>} : memref<16x128xi32, #tpu.memory_space<vmem>>, vector<16xi32>,
    tpu.vector_store %arg6[%swap3A_404, %swap3A_405], %add3A_402 {strides = array<i32>} : memref<16x128xi32, #tpu.memory_space<vmem>>, vector<16xi32>,
    %add3A_407 = arith.constant 64 : i32
    %add3A_408 = vector.broadcast %add3A_407 : i32 to vector<16xi32>
    %add3A_409 = arith.addi %shift_right_logical3A_18, %add3A_408 : vector<16xi32>
    %gather3A_410 = tpu.vector_load_idx %arg5[%add3A_409] : memref<256xi32, #tpu.memory_space<vmem>>[vector<16xi32>], vector<16xi32>,
    %shift_left3A_411 = arith.constant 3 : i32
    %shift_left3A_412 = vector.broadcast %shift_left3A_411 : i32 to vector<16xi32>
    %shift_left3A_413 = arith.shli %gather3A_410, %shift_left3A_412 : vector<16xi32>
    %add3A_414 = arith.addi %shift_left3A_413, %add3A_25 : vector<16xi32>
    %swap3A_415 = arith.constant 4 : i32
    %swap3A_416 = arith.index_cast %swap3A_415 : i32 to index
    %swap3A_417 = arith.constant 0 : index
    %swap3A_418 = tpu.vector_load %arg6[%swap3A_416, %swap3A_417] {strides = array<i32>} : memref<16x128xi32, #tpu.memory_space<vmem>>, vector<16xi32>,
    tpu.vector_store %arg6[%swap3A_416, %swap3A_417], %add3A_414 {strides = array<i32>} : memref<16x128xi32, #tpu.memory_space<vmem>>, vector<16xi32>,
    %add3A_419 = arith.constant 66 : i32
    %add3A_420 = vector.broadcast %add3A_419 : i32 to vector<16xi32>
    %add3A_421 = arith.addi %shift_right_logical3A_18, %add3A_420 : vector<16xi32>
    %gather3A_422 = tpu.vector_load_idx %arg5[%add3A_421] : memref<256xi32, #tpu.memory_space<vmem>>[vector<16xi32>], vector<16xi32>,
    %shift_left3A_423 = arith.constant 3 : i32
    %shift_left3A_424 = vector.broadcast %shift_left3A_423 : i32 to vector<16xi32>
    %shift_left3A_425 = arith.shli %gather3A_422, %shift_left3A_424 : vector<16xi32>
    %add3A_426 = arith.addi %shift_left3A_425, %add3A_25 : vector<16xi32>
    %swap3A_427 = arith.constant 4 : i32
    %swap3A_428 = arith.index_cast %swap3A_427 : i32 to index
    %swap3A_429 = arith.constant 16 : index
    %swap3A_430 = tpu.vector_load %arg6[%swap3A_428, %swap3A_429] {strides = array<i32>} : memref<16x128xi32, #tpu.memory_space<vmem>>, vector<16xi32>,
    tpu.vector_store %arg6[%swap3A_428, %swap3A_429], %add3A_426 {strides = array<i32>} : memref<16x128xi32, #tpu.memory_space<vmem>>, vector<16xi32>,
    %add3A_431 = arith.constant 68 : i32
    %add3A_432 = vector.broadcast %add3A_431 : i32 to vector<16xi32>
    %add3A_433 = arith.addi %shift_right_logical3A_18, %add3A_432 : vector<16xi32>
    %gather3A_434 = tpu.vector_load_idx %arg5[%add3A_433] : memref<256xi32, #tpu.memory_space<vmem>>[vector<16xi32>], vector<16xi32>,
    %shift_left3A_435 = arith.constant 3 : i32
    %shift_left3A_436 = vector.broadcast %shift_left3A_435 : i32 to vector<16xi32>
    %shift_left3A_437 = arith.shli %gather3A_434, %shift_left3A_436 : vector<16xi32>
    %add3A_438 = arith.addi %shift_left3A_437, %add3A_25 : vector<16xi32>
    %swap3A_439 = arith.constant 4 : i32
    %swap3A_440 = arith.index_cast %swap3A_439 : i32 to index
    %swap3A_441 = arith.constant 32 : index
    %swap3A_442 = tpu.vector_load %arg6[%swap3A_440, %swap3A_441] {strides = array<i32>} : memref<16x128xi32, #tpu.memory_space<vmem>>, vector<16xi32>,
    tpu.vector_store %arg6[%swap3A_440, %swap3A_441], %add3A_438 {strides = array<i32>} : memref<16x128xi32, #tpu.memory_space<vmem>>, vector<16xi32>,
    %add3A_443 = arith.constant 70 : i32
    %add3A_444 = vector.broadcast %add3A_443 : i32 to vector<16xi32>
    %add3A_445 = arith.addi %shift_right_logical3A_18, %add3A_444 : vector<16xi32>
    %gather3A_446 = tpu.vector_load_idx %arg5[%add3A_445] : memref<256xi32, #tpu.memory_space<vmem>>[vector<16xi32>], vector<16xi32>,
    %shift_left3A_447 = arith.constant 3 : i32
    %shift_left3A_448 = vector.broadcast %shift_left3A_447 : i32 to vector<16xi32>
    %shift_left3A_449 = arith.shli %gather3A_446, %shift_left3A_448 : vector<16xi32>
    %add3A_450 = arith.addi %shift_left3A_449, %add3A_25 : vector<16xi32>
    %swap3A_451 = arith.constant 4 : i32
    %swap3A_452 = arith.index_cast %swap3A_451 : i32 to index
    %swap3A_453 = arith.constant 48 : index
    %swap3A_454 = tpu.vector_load %arg6[%swap3A_452, %swap3A_453] {strides = array<i32>} : memref<16x128xi32, #tpu.memory_space<vmem>>, vector<16xi32>,
    tpu.vector_store %arg6[%swap3A_452, %swap3A_453], %add3A_450 {strides = array<i32>} : memref<16x128xi32, #tpu.memory_space<vmem>>, vector<16xi32>,
    %add3A_455 = arith.constant 72 : i32
    %add3A_456 = vector.broadcast %add3A_455 : i32 to vector<16xi32>
    %add3A_457 = arith.addi %shift_right_logical3A_18, %add3A_456 : vector<16xi32>
    %gather3A_458 = tpu.vector_load_idx %arg5[%add3A_457] : memref<256xi32, #tpu.memory_space<vmem>>[vector<16xi32>], vector<16xi32>,
    %shift_left3A_459 = arith.constant 3 : i32
    %shift_left3A_460 = vector.broadcast %shift_left3A_459 : i32 to vector<16xi32>
    %shift_left3A_461 = arith.shli %gather3A_458, %shift_left3A_460 : vector<16xi32>
    %add3A_462 = arith.addi %shift_left3A_461, %add3A_25 : vector<16xi32>
    %swap3A_463 = arith.constant 4 : i32
    %swap3A_464 = arith.index_cast %swap3A_463 : i32 to index
    %swap3A_465 = arith.constant 64 : index
    %swap3A_466 = tpu.vector_load %arg6[%swap3A_464, %swap3A_465] {strides = array<i32>} : memref<16x128xi32, #tpu.memory_space<vmem>>, vector<16xi32>,
    tpu.vector_store %arg6[%swap3A_464, %swap3A_465], %add3A_462 {strides = array<i32>} : memref<16x128xi32, #tpu.memory_space<vmem>>, vector<16xi32>,
    %add3A_467 = arith.constant 74 : i32
    %add3A_468 = vector.broadcast %add3A_467 : i32 to vector<16xi32>
    %add3A_469 = arith.addi %shift_right_logical3A_18, %add3A_468 : vector<16xi32>
    %gather3A_470 = tpu.vector_load_idx %arg5[%add3A_469] : memref<256xi32, #tpu.memory_space<vmem>>[vector<16xi32>], vector<16xi32>,
    %shift_left3A_471 = arith.constant 3 : i32
    %shift_left3A_472 = vector.broadcast %shift_left3A_471 : i32 to vector<16xi32>
    %shift_left3A_473 = arith.shli %gather3A_470, %shift_left3A_472 : vector<16xi32>
    %add3A_474 = arith.addi %shift_left3A_473, %add3A_25 : vector<16xi32>
    %swap3A_475 = arith.constant 4 : i32
    %swap3A_476 = arith.index_cast %swap3A_475 : i32 to index
    %swap3A_477 = arith.constant 80 : index
    %swap3A_478 = tpu.vector_load %arg6[%swap3A_476, %swap3A_477] {strides = array<i32>} : memref<16x128xi32, #tpu.memory_space<vmem>>, vector<16xi32>,
    tpu.vector_store %arg6[%swap3A_476, %swap3A_477], %add3A_474 {strides = array<i32>} : memref<16x128xi32, #tpu.memory_space<vmem>>, vector<16xi32>,
    %add3A_479 = arith.constant 76 : i32
    %add3A_480 = vector.broadcast %add3A_479 : i32 to vector<16xi32>
    %add3A_481 = arith.addi %shift_right_logical3A_18, %add3A_480 : vector<16xi32>
    %gather3A_482 = tpu.vector_load_idx %arg5[%add3A_481] : memref<256xi32, #tpu.memory_space<vmem>>[vector<16xi32>], vector<16xi32>,
    %shift_left3A_483 = arith.constant 3 : i32
    %shift_left3A_484 = vector.broadcast %shift_left3A_483 : i32 to vector<16xi32>
    %shift_left3A_485 = arith.shli %gather3A_482, %shift_left3A_484 : vector<16xi32>
    %add3A_486 = arith.addi %shift_left3A_485, %add3A_25 : vector<16xi32>
    %swap3A_487 = arith.constant 4 : i32
    %swap3A_488 = arith.index_cast %swap3A_487 : i32 to index
    %swap3A_489 = arith.constant 96 : index
    %swap3A_490 = tpu.vector_load %arg6[%swap3A_488, %swap3A_489] {strides = array<i32>} : memref<16x128xi32, #tpu.memory_space<vmem>>, vector<16xi32>,
    tpu.vector_store %arg6[%swap3A_488, %swap3A_489], %add3A_486 {strides = array<i32>} : memref<16x128xi32, #tpu.memory_space<vmem>>, vector<16xi32>,
    %add3A_491 = arith.constant 78 : i32
    %add3A_492 = vector.broadcast %add3A_491 : i32 to vector<16xi32>
    %add3A_493 = arith.addi %shift_right_logical3A_18, %add3A_492 : vector<16xi32>
    %gather3A_494 = tpu.vector_load_idx %arg5[%add3A_493] : memref<256xi32, #tpu.memory_space<vmem>>[vector<16xi32>], vector<16xi32>,
    %shift_left3A_495 = arith.constant 3 : i32
    %shift_left3A_496 = vector.broadcast %shift_left3A_495 : i32 to vector<16xi32>
    %shift_left3A_497 = arith.shli %gather3A_494, %shift_left3A_496 : vector<16xi32>
    %add3A_498 = arith.addi %shift_left3A_497, %add3A_25 : vector<16xi32>
    %swap3A_499 = arith.constant 4 : i32
    %swap3A_500 = arith.index_cast %swap3A_499 : i32 to index
    %swap3A_501 = arith.constant 112 : index
    %swap3A_502 = tpu.vector_load %arg6[%swap3A_500, %swap3A_501] {strides = array<i32>} : memref<16x128xi32, #tpu.memory_space<vmem>>, vector<16xi32>,
    tpu.vector_store %arg6[%swap3A_500, %swap3A_501], %add3A_498 {strides = array<i32>} : memref<16x128xi32, #tpu.memory_space<vmem>>, vector<16xi32>,
    %add3A_503 = arith.constant 80 : i32
    %add3A_504 = vector.broadcast %add3A_503 : i32 to vector<16xi32>
    %add3A_505 = arith.addi %shift_right_logical3A_18, %add3A_504 : vector<16xi32>
    %gather3A_506 = tpu.vector_load_idx %arg5[%add3A_505] : memref<256xi32, #tpu.memory_space<vmem>>[vector<16xi32>], vector<16xi32>,
    %shift_left3A_507 = arith.constant 3 : i32
    %shift_left3A_508 = vector.broadcast %shift_left3A_507 : i32 to vector<16xi32>
    %shift_left3A_509 = arith.shli %gather3A_506, %shift_left3A_508 : vector<16xi32>
    %add3A_510 = arith.addi %shift_left3A_509, %add3A_25 : vector<16xi32>
    %swap3A_511 = arith.constant 5 : i32
    %swap3A_512 = arith.index_cast %swap3A_511 : i32 to index
    %swap3A_513 = arith.constant 0 : index
    %swap3A_514 = tpu.vector_load %arg6[%swap3A_512, %swap3A_513] {strides = array<i32>} : memref<16x128xi32, #tpu.memory_space<vmem>>, vector<16xi32>,
    tpu.vector_store %arg6[%swap3A_512, %swap3A_513], %add3A_510 {strides = array<i32>} : memref<16x128xi32, #tpu.memory_space<vmem>>, vector<16xi32>,
    %add3A_515 = arith.constant 82 : i32
    %add3A_516 = vector.broadcast %add3A_515 : i32 to vector<16xi32>
    %add3A_517 = arith.addi %shift_right_logical3A_18, %add3A_516 : vector<16xi32>
    %gather3A_518 = tpu.vector_load_idx %arg5[%add3A_517] : memref<256xi32, #tpu.memory_space<vmem>>[vector<16xi32>], vector<16xi32>,
    %shift_left3A_519 = arith.constant 3 : i32
    %shift_left3A_520 = vector.broadcast %shift_left3A_519 : i32 to vector<16xi32>
    %shift_left3A_521 = arith.shli %gather3A_518, %shift_left3A_520 : vector<16xi32>
    %add3A_522 = arith.addi %shift_left3A_521, %add3A_25 : vector<16xi32>
    %swap3A_523 = arith.constant 5 : i32
    %swap3A_524 = arith.index_cast %swap3A_523 : i32 to index
    %swap3A_525 = arith.constant 16 : index
    %swap3A_526 = tpu.vector_load %arg6[%swap3A_524, %swap3A_525] {strides = array<i32>} : memref<16x128xi32, #tpu.memory_space<vmem>>, vector<16xi32>,
    tpu.vector_store %arg6[%swap3A_524, %swap3A_525], %add3A_522 {strides = array<i32>} : memref<16x128xi32, #tpu.memory_space<vmem>>, vector<16xi32>,
    %add3A_527 = arith.constant 84 : i32
    %add3A_528 = vector.broadcast %add3A_527 : i32 to vector<16xi32>
    %add3A_529 = arith.addi %shift_right_logical3A_18, %add3A_528 : vector<16xi32>
    %gather3A_530 = tpu.vector_load_idx %arg5[%add3A_529] : memref<256xi32, #tpu.memory_space<vmem>>[vector<16xi32>], vector<16xi32>,
    %shift_left3A_531 = arith.constant 3 : i32
    %shift_left3A_532 = vector.broadcast %shift_left3A_531 : i32 to vector<16xi32>
    %shift_left3A_533 = arith.shli %gather3A_530, %shift_left3A_532 : vector<16xi32>
    %add3A_534 = arith.addi %shift_left3A_533, %add3A_25 : vector<16xi32>
    %swap3A_535 = arith.constant 5 : i32
    %swap3A_536 = arith.index_cast %swap3A_535 : i32 to index
    %swap3A_537 = arith.constant 32 : index
    %swap3A_538 = tpu.vector_load %arg6[%swap3A_536, %swap3A_537] {strides = array<i32>} : memref<16x128xi32, #tpu.memory_space<vmem>>, vector<16xi32>,
    tpu.vector_store %arg6[%swap3A_536, %swap3A_537], %add3A_534 {strides = array<i32>} : memref<16x128xi32, #tpu.memory_space<vmem>>, vector<16xi32>,
    %add3A_539 = arith.constant 86 : i32
    %add3A_540 = vector.broadcast %add3A_539 : i32 to vector<16xi32>
    %add3A_541 = arith.addi %shift_right_logical3A_18, %add3A_540 : vector<16xi32>
    %gather3A_542 = tpu.vector_load_idx %arg5[%add3A_541] : memref<256xi32, #tpu.memory_space<vmem>>[vector<16xi32>], vector<16xi32>,
    %shift_left3A_543 = arith.constant 3 : i32
    %shift_left3A_544 = vector.broadcast %shift_left3A_543 : i32 to vector<16xi32>
    %shift_left3A_545 = arith.shli %gather3A_542, %shift_left3A_544 : vector<16xi32>
    %add3A_546 = arith.addi %shift_left3A_545, %add3A_25 : vector<16xi32>
    %swap3A_547 = arith.constant 5 : i32
    %swap3A_548 = arith.index_cast %swap3A_547 : i32 to index
    %swap3A_549 = arith.constant 48 : index
    %swap3A_550 = tpu.vector_load %arg6[%swap3A_548, %swap3A_549] {strides = array<i32>} : memref<16x128xi32, #tpu.memory_space<vmem>>, vector<16xi32>,
    tpu.vector_store %arg6[%swap3A_548, %swap3A_549], %add3A_546 {strides = array<i32>} : memref<16x128xi32, #tpu.memory_space<vmem>>, vector<16xi32>,
    %add3A_551 = arith.constant 88 : i32
    %add3A_552 = vector.broadcast %add3A_551 : i32 to vector<16xi32>
    %add3A_553 = arith.addi %shift_right_logical3A_18, %add3A_552 : vector<16xi32>
    %gather3A_554 = tpu.vector_load_idx %arg5[%add3A_553] : memref<256xi32, #tpu.memory_space<vmem>>[vector<16xi32>], vector<16xi32>,
    %shift_left3A_555 = arith.constant 3 : i32
    %shift_left3A_556 = vector.broadcast %shift_left3A_555 : i32 to vector<16xi32>
    %shift_left3A_557 = arith.shli %gather3A_554, %shift_left3A_556 : vector<16xi32>
    %add3A_558 = arith.addi %shift_left3A_557, %add3A_25 : vector<16xi32>
    %swap3A_559 = arith.constant 5 : i32
    %swap3A_560 = arith.index_cast %swap3A_559 : i32 to index
    %swap3A_561 = arith.constant 64 : index
    %swap3A_562 = tpu.vector_load %arg6[%swap3A_560, %swap3A_561] {strides = array<i32>} : memref<16x128xi32, #tpu.memory_space<vmem>>, vector<16xi32>,
    tpu.vector_store %arg6[%swap3A_560, %swap3A_561], %add3A_558 {strides = array<i32>} : memref<16x128xi32, #tpu.memory_space<vmem>>, vector<16xi32>,
    %add3A_563 = arith.constant 90 : i32
    %add3A_564 = vector.broadcast %add3A_563 : i32 to vector<16xi32>
    %add3A_565 = arith.addi %shift_right_logical3A_18, %add3A_564 : vector<16xi32>
    %gather3A_566 = tpu.vector_load_idx %arg5[%add3A_565] : memref<256xi32, #tpu.memory_space<vmem>>[vector<16xi32>], vector<16xi32>,
    %shift_left3A_567 = arith.constant 3 : i32
    %shift_left3A_568 = vector.broadcast %shift_left3A_567 : i32 to vector<16xi32>
    %shift_left3A_569 = arith.shli %gather3A_566, %shift_left3A_568 : vector<16xi32>
    %add3A_570 = arith.addi %shift_left3A_569, %add3A_25 : vector<16xi32>
    %swap3A_571 = arith.constant 5 : i32
    %swap3A_572 = arith.index_cast %swap3A_571 : i32 to index
    %swap3A_573 = arith.constant 80 : index
    %swap3A_574 = tpu.vector_load %arg6[%swap3A_572, %swap3A_573] {strides = array<i32>} : memref<16x128xi32, #tpu.memory_space<vmem>>, vector<16xi32>,
    tpu.vector_store %arg6[%swap3A_572, %swap3A_573], %add3A_570 {strides = array<i32>} : memref<16x128xi32, #tpu.memory_space<vmem>>, vector<16xi32>,
    %add3A_575 = arith.constant 92 : i32
    %add3A_576 = vector.broadcast %add3A_575 : i32 to vector<16xi32>
    %add3A_577 = arith.addi %shift_right_logical3A_18, %add3A_576 : vector<16xi32>
    %gather3A_578 = tpu.vector_load_idx %arg5[%add3A_577] : memref<256xi32, #tpu.memory_space<vmem>>[vector<16xi32>], vector<16xi32>,
    %shift_left3A_579 = arith.constant 3 : i32
    %shift_left3A_580 = vector.broadcast %shift_left3A_579 : i32 to vector<16xi32>
    %shift_left3A_581 = arith.shli %gather3A_578, %shift_left3A_580 : vector<16xi32>
    %add3A_582 = arith.addi %shift_left3A_581, %add3A_25 : vector<16xi32>
    %swap3A_583 = arith.constant 5 : i32
    %swap3A_584 = arith.index_cast %swap3A_583 : i32 to index
    %swap3A_585 = arith.constant 96 : index
    %swap3A_586 = tpu.vector_load %arg6[%swap3A_584, %swap3A_585] {strides = array<i32>} : memref<16x128xi32, #tpu.memory_space<vmem>>, vector<16xi32>,
    tpu.vector_store %arg6[%swap3A_584, %swap3A_585], %add3A_582 {strides = array<i32>} : memref<16x128xi32, #tpu.memory_space<vmem>>, vector<16xi32>,
    %add3A_587 = arith.constant 94 : i32
    %add3A_588 = vector.broadcast %add3A_587 : i32 to vector<16xi32>
    %add3A_589 = arith.addi %shift_right_logical3A_18, %add3A_588 : vector<16xi32>
    %gather3A_590 = tpu.vector_load_idx %arg5[%add3A_589] : memref<256xi32, #tpu.memory_space<vmem>>[vector<16xi32>], vector<16xi32>,
    %shift_left3A_591 = arith.constant 3 : i32
    %shift_left3A_592 = vector.broadcast %shift_left3A_591 : i32 to vector<16xi32>
    %shift_left3A_593 = arith.shli %gather3A_590, %shift_left3A_592 : vector<16xi32>
    %add3A_594 = arith.addi %shift_left3A_593, %add3A_25 : vector<16xi32>
    %swap3A_595 = arith.constant 5 : i32
    %swap3A_596 = arith.index_cast %swap3A_595 : i32 to index
    %swap3A_597 = arith.constant 112 : index
    %swap3A_598 = tpu.vector_load %arg6[%swap3A_596, %swap3A_597] {strides = array<i32>} : memref<16x128xi32, #tpu.memory_space<vmem>>, vector<16xi32>,
    tpu.vector_store %arg6[%swap3A_596, %swap3A_597], %add3A_594 {strides = array<i32>} : memref<16x128xi32, #tpu.memory_space<vmem>>, vector<16xi32>,
    %add3A_599 = arith.constant 96 : i32
    %add3A_600 = vector.broadcast %add3A_599 : i32 to vector<16xi32>
    %add3A_601 = arith.addi %shift_right_logical3A_18, %add3A_600 : vector<16xi32>
    %gather3A_602 = tpu.vector_load_idx %arg5[%add3A_601] : memref<256xi32, #tpu.memory_space<vmem>>[vector<16xi32>], vector<16xi32>,
    %shift_left3A_603 = arith.constant 3 : i32
    %shift_left3A_604 = vector.broadcast %shift_left3A_603 : i32 to vector<16xi32>
    %shift_left3A_605 = arith.shli %gather3A_602, %shift_left3A_604 : vector<16xi32>
    %add3A_606 = arith.addi %shift_left3A_605, %add3A_25 : vector<16xi32>
    %swap3A_607 = arith.constant 6 : i32
    %swap3A_608 = arith.index_cast %swap3A_607 : i32 to index
    %swap3A_609 = arith.constant 0 : index
    %swap3A_610 = tpu.vector_load %arg6[%swap3A_608, %swap3A_609] {strides = array<i32>} : memref<16x128xi32, #tpu.memory_space<vmem>>, vector<16xi32>,
    tpu.vector_store %arg6[%swap3A_608, %swap3A_609], %add3A_606 {strides = array<i32>} : memref<16x128xi32, #tpu.memory_space<vmem>>, vector<16xi32>,
    %add3A_611 = arith.constant 98 : i32
    %add3A_612 = vector.broadcast %add3A_611 : i32 to vector<16xi32>
    %add3A_613 = arith.addi %shift_right_logical3A_18, %add3A_612 : vector<16xi32>
    %gather3A_614 = tpu.vector_load_idx %arg5[%add3A_613] : memref<256xi32, #tpu.memory_space<vmem>>[vector<16xi32>], vector<16xi32>,
    %shift_left3A_615 = arith.constant 3 : i32
    %shift_left3A_616 = vector.broadcast %shift_left3A_615 : i32 to vector<16xi32>
    %shift_left3A_617 = arith.shli %gather3A_614, %shift_left3A_616 : vector<16xi32>
    %add3A_618 = arith.addi %shift_left3A_617, %add3A_25 : vector<16xi32>
    %swap3A_619 = arith.constant 6 : i32
    %swap3A_620 = arith.index_cast %swap3A_619 : i32 to index
    %swap3A_621 = arith.constant 16 : index
    %swap3A_622 = tpu.vector_load %arg6[%swap3A_620, %swap3A_621] {strides = array<i32>} : memref<16x128xi32, #tpu.memory_space<vmem>>, vector<16xi32>,
    tpu.vector_store %arg6[%swap3A_620, %swap3A_621], %add3A_618 {strides = array<i32>} : memref<16x128xi32, #tpu.memory_space<vmem>>, vector<16xi32>,
    %add3A_623 = arith.constant 100 : i32
    %add3A_624 = vector.broadcast %add3A_623 : i32 to vector<16xi32>
    %add3A_625 = arith.addi %shift_right_logical3A_18, %add3A_624 : vector<16xi32>
    %gather3A_626 = tpu.vector_load_idx %arg5[%add3A_625] : memref<256xi32, #tpu.memory_space<vmem>>[vector<16xi32>], vector<16xi32>,
    %shift_left3A_627 = arith.constant 3 : i32
    %shift_left3A_628 = vector.broadcast %shift_left3A_627 : i32 to vector<16xi32>
    %shift_left3A_629 = arith.shli %gather3A_626, %shift_left3A_628 : vector<16xi32>
    %add3A_630 = arith.addi %shift_left3A_629, %add3A_25 : vector<16xi32>
    %swap3A_631 = arith.constant 6 : i32
    %swap3A_632 = arith.index_cast %swap3A_631 : i32 to index
    %swap3A_633 = arith.constant 32 : index
    %swap3A_634 = tpu.vector_load %arg6[%swap3A_632, %swap3A_633] {strides = array<i32>} : memref<16x128xi32, #tpu.memory_space<vmem>>, vector<16xi32>,
    tpu.vector_store %arg6[%swap3A_632, %swap3A_633], %add3A_630 {strides = array<i32>} : memref<16x128xi32, #tpu.memory_space<vmem>>, vector<16xi32>,
    %add3A_635 = arith.constant 102 : i32
    %add3A_636 = vector.broadcast %add3A_635 : i32 to vector<16xi32>
    %add3A_637 = arith.addi %shift_right_logical3A_18, %add3A_636 : vector<16xi32>
    %gather3A_638 = tpu.vector_load_idx %arg5[%add3A_637] : memref<256xi32, #tpu.memory_space<vmem>>[vector<16xi32>], vector<16xi32>,
    %shift_left3A_639 = arith.constant 3 : i32
    %shift_left3A_640 = vector.broadcast %shift_left3A_639 : i32 to vector<16xi32>
    %shift_left3A_641 = arith.shli %gather3A_638, %shift_left3A_640 : vector<16xi32>
    %add3A_642 = arith.addi %shift_left3A_641, %add3A_25 : vector<16xi32>
    %swap3A_643 = arith.constant 6 : i32
    %swap3A_644 = arith.index_cast %swap3A_643 : i32 to index
    %swap3A_645 = arith.constant 48 : index
    %swap3A_646 = tpu.vector_load %arg6[%swap3A_644, %swap3A_645] {strides = array<i32>} : memref<16x128xi32, #tpu.memory_space<vmem>>, vector<16xi32>,
    tpu.vector_store %arg6[%swap3A_644, %swap3A_645], %add3A_642 {strides = array<i32>} : memref<16x128xi32, #tpu.memory_space<vmem>>, vector<16xi32>,
    %add3A_647 = arith.constant 104 : i32
    %add3A_648 = vector.broadcast %add3A_647 : i32 to vector<16xi32>
    %add3A_649 = arith.addi %shift_right_logical3A_18, %add3A_648 : vector<16xi32>
    %gather3A_650 = tpu.vector_load_idx %arg5[%add3A_649] : memref<256xi32, #tpu.memory_space<vmem>>[vector<16xi32>], vector<16xi32>,
    %shift_left3A_651 = arith.constant 3 : i32
    %shift_left3A_652 = vector.broadcast %shift_left3A_651 : i32 to vector<16xi32>
    %shift_left3A_653 = arith.shli %gather3A_650, %shift_left3A_652 : vector<16xi32>
    %add3A_654 = arith.addi %shift_left3A_653, %add3A_25 : vector<16xi32>
    %swap3A_655 = arith.constant 6 : i32
    %swap3A_656 = arith.index_cast %swap3A_655 : i32 to index
    %swap3A_657 = arith.constant 64 : index
    %swap3A_658 = tpu.vector_load %arg6[%swap3A_656, %swap3A_657] {strides = array<i32>} : memref<16x128xi32, #tpu.memory_space<vmem>>, vector<16xi32>,
    tpu.vector_store %arg6[%swap3A_656, %swap3A_657], %add3A_654 {strides = array<i32>} : memref<16x128xi32, #tpu.memory_space<vmem>>, vector<16xi32>,
    %add3A_659 = arith.constant 106 : i32
    %add3A_660 = vector.broadcast %add3A_659 : i32 to vector<16xi32>
    %add3A_661 = arith.addi %shift_right_logical3A_18, %add3A_660 : vector<16xi32>
    %gather3A_662 = tpu.vector_load_idx %arg5[%add3A_661] : memref<256xi32, #tpu.memory_space<vmem>>[vector<16xi32>], vector<16xi32>,
    %shift_left3A_663 = arith.constant 3 : i32
    %shift_left3A_664 = vector.broadcast %shift_left3A_663 : i32 to vector<16xi32>
    %shift_left3A_665 = arith.shli %gather3A_662, %shift_left3A_664 : vector<16xi32>
    %add3A_666 = arith.addi %shift_left3A_665, %add3A_25 : vector<16xi32>
    %swap3A_667 = arith.constant 6 : i32
    %swap3A_668 = arith.index_cast %swap3A_667 : i32 to index
    %swap3A_669 = arith.constant 80 : index
    %swap3A_670 = tpu.vector_load %arg6[%swap3A_668, %swap3A_669] {strides = array<i32>} : memref<16x128xi32, #tpu.memory_space<vmem>>, vector<16xi32>,
    tpu.vector_store %arg6[%swap3A_668, %swap3A_669], %add3A_666 {strides = array<i32>} : memref<16x128xi32, #tpu.memory_space<vmem>>, vector<16xi32>,
    %add3A_671 = arith.constant 108 : i32
    %add3A_672 = vector.broadcast %add3A_671 : i32 to vector<16xi32>
    %add3A_673 = arith.addi %shift_right_logical3A_18, %add3A_672 : vector<16xi32>
    %gather3A_674 = tpu.vector_load_idx %arg5[%add3A_673] : memref<256xi32, #tpu.memory_space<vmem>>[vector<16xi32>], vector<16xi32>,
    %shift_left3A_675 = arith.constant 3 : i32
    %shift_left3A_676 = vector.broadcast %shift_left3A_675 : i32 to vector<16xi32>
    %shift_left3A_677 = arith.shli %gather3A_674, %shift_left3A_676 : vector<16xi32>
    %add3A_678 = arith.addi %shift_left3A_677, %add3A_25 : vector<16xi32>
    %swap3A_679 = arith.constant 6 : i32
    %swap3A_680 = arith.index_cast %swap3A_679 : i32 to index
    %swap3A_681 = arith.constant 96 : index
    %swap3A_682 = tpu.vector_load %arg6[%swap3A_680, %swap3A_681] {strides = array<i32>} : memref<16x128xi32, #tpu.memory_space<vmem>>, vector<16xi32>,
    tpu.vector_store %arg6[%swap3A_680, %swap3A_681], %add3A_678 {strides = array<i32>} : memref<16x128xi32, #tpu.memory_space<vmem>>, vector<16xi32>,
    %add3A_683 = arith.constant 110 : i32
    %add3A_684 = vector.broadcast %add3A_683 : i32 to vector<16xi32>
    %add3A_685 = arith.addi %shift_right_logical3A_18, %add3A_684 : vector<16xi32>
    %gather3A_686 = tpu.vector_load_idx %arg5[%add3A_685] : memref<256xi32, #tpu.memory_space<vmem>>[vector<16xi32>], vector<16xi32>,
    %shift_left3A_687 = arith.constant 3 : i32
    %shift_left3A_688 = vector.broadcast %shift_left3A_687 : i32 to vector<16xi32>
    %shift_left3A_689 = arith.shli %gather3A_686, %shift_left3A_688 : vector<16xi32>
    %add3A_690 = arith.addi %shift_left3A_689, %add3A_25 : vector<16xi32>
    %swap3A_691 = arith.constant 6 : i32
    %swap3A_692 = arith.index_cast %swap3A_691 : i32 to index
    %swap3A_693 = arith.constant 112 : index
    %swap3A_694 = tpu.vector_load %arg6[%swap3A_692, %swap3A_693] {strides = array<i32>} : memref<16x128xi32, #tpu.memory_space<vmem>>, vector<16xi32>,
    tpu.vector_store %arg6[%swap3A_692, %swap3A_693], %add3A_690 {strides = array<i32>} : memref<16x128xi32, #tpu.memory_space<vmem>>, vector<16xi32>,
    %add3A_695 = arith.constant 112 : i32
    %add3A_696 = vector.broadcast %add3A_695 : i32 to vector<16xi32>
    %add3A_697 = arith.addi %shift_right_logical3A_18, %add3A_696 : vector<16xi32>
    %gather3A_698 = tpu.vector_load_idx %arg5[%add3A_697] : memref<256xi32, #tpu.memory_space<vmem>>[vector<16xi32>], vector<16xi32>,
    %shift_left3A_699 = arith.constant 3 : i32
    %shift_left3A_700 = vector.broadcast %shift_left3A_699 : i32 to vector<16xi32>
    %shift_left3A_701 = arith.shli %gather3A_698, %shift_left3A_700 : vector<16xi32>
    %add3A_702 = arith.addi %shift_left3A_701, %add3A_25 : vector<16xi32>
    %swap3A_703 = arith.constant 7 : i32
    %swap3A_704 = arith.index_cast %swap3A_703 : i32 to index
    %swap3A_705 = arith.constant 0 : index
    %swap3A_706 = tpu.vector_load %arg6[%swap3A_704, %swap3A_705] {strides = array<i32>} : memref<16x128xi32, #tpu.memory_space<vmem>>, vector<16xi32>,
    tpu.vector_store %arg6[%swap3A_704, %swap3A_705], %add3A_702 {strides = array<i32>} : memref<16x128xi32, #tpu.memory_space<vmem>>, vector<16xi32>,
    %add3A_707 = arith.constant 114 : i32
    %add3A_708 = vector.broadcast %add3A_707 : i32 to vector<16xi32>
    %add3A_709 = arith.addi %shift_right_logical3A_18, %add3A_708 : vector<16xi32>
    %gather3A_710 = tpu.vector_load_idx %arg5[%add3A_709] : memref<256xi32, #tpu.memory_space<vmem>>[vector<16xi32>], vector<16xi32>,
    %shift_left3A_711 = arith.constant 3 : i32
    %shift_left3A_712 = vector.broadcast %shift_left3A_711 : i32 to vector<16xi32>
    %shift_left3A_713 = arith.shli %gather3A_710, %shift_left3A_712 : vector<16xi32>
    %add3A_714 = arith.addi %shift_left3A_713, %add3A_25 : vector<16xi32>
    %swap3A_715 = arith.constant 7 : i32
    %swap3A_716 = arith.index_cast %swap3A_715 : i32 to index
    %swap3A_717 = arith.constant 16 : index
    %swap3A_718 = tpu.vector_load %arg6[%swap3A_716, %swap3A_717] {strides = array<i32>} : memref<16x128xi32, #tpu.memory_space<vmem>>, vector<16xi32>,
    tpu.vector_store %arg6[%swap3A_716, %swap3A_717], %add3A_714 {strides = array<i32>} : memref<16x128xi32, #tpu.memory_space<vmem>>, vector<16xi32>,
    %add3A_719 = arith.constant 116 : i32
    %add3A_720 = vector.broadcast %add3A_719 : i32 to vector<16xi32>
    %add3A_721 = arith.addi %shift_right_logical3A_18, %add3A_720 : vector<16xi32>
    %gather3A_722 = tpu.vector_load_idx %arg5[%add3A_721] : memref<256xi32, #tpu.memory_space<vmem>>[vector<16xi32>], vector<16xi32>,
    %shift_left3A_723 = arith.constant 3 : i32
    %shift_left3A_724 = vector.broadcast %shift_left3A_723 : i32 to vector<16xi32>
    %shift_left3A_725 = arith.shli %gather3A_722, %shift_left3A_724 : vector<16xi32>
    %add3A_726 = arith.addi %shift_left3A_725, %add3A_25 : vector<16xi32>
    %swap3A_727 = arith.constant 7 : i32
    %swap3A_728 = arith.index_cast %swap3A_727 : i32 to index
    %swap3A_729 = arith.constant 32 : index
    %swap3A_730 = tpu.vector_load %arg6[%swap3A_728, %swap3A_729] {strides = array<i32>} : memref<16x128xi32, #tpu.memory_space<vmem>>, vector<16xi32>,
    tpu.vector_store %arg6[%swap3A_728, %swap3A_729], %add3A_726 {strides = array<i32>} : memref<16x128xi32, #tpu.memory_space<vmem>>, vector<16xi32>,
    %add3A_731 = arith.constant 118 : i32
    %add3A_732 = vector.broadcast %add3A_731 : i32 to vector<16xi32>
    %add3A_733 = arith.addi %shift_right_logical3A_18, %add3A_732 : vector<16xi32>
    %gather3A_734 = tpu.vector_load_idx %arg5[%add3A_733] : memref<256xi32, #tpu.memory_space<vmem>>[vector<16xi32>], vector<16xi32>,
    %shift_left3A_735 = arith.constant 3 : i32
    %shift_left3A_736 = vector.broadcast %shift_left3A_735 : i32 to vector<16xi32>
    %shift_left3A_737 = arith.shli %gather3A_734, %shift_left3A_736 : vector<16xi32>
    %add3A_738 = arith.addi %shift_left3A_737, %add3A_25 : vector<16xi32>
    %swap3A_739 = arith.constant 7 : i32
    %swap3A_740 = arith.index_cast %swap3A_739 : i32 to index
    %swap3A_741 = arith.constant 48 : index
    %swap3A_742 = tpu.vector_load %arg6[%swap3A_740, %swap3A_741] {strides = array<i32>} : memref<16x128xi32, #tpu.memory_space<vmem>>, vector<16xi32>,
    tpu.vector_store %arg6[%swap3A_740, %swap3A_741], %add3A_738 {strides = array<i32>} : memref<16x128xi32, #tpu.memory_space<vmem>>, vector<16xi32>,
    %add3A_743 = arith.constant 120 : i32
    %add3A_744 = vector.broadcast %add3A_743 : i32 to vector<16xi32>
    %add3A_745 = arith.addi %shift_right_logical3A_18, %add3A_744 : vector<16xi32>
    %gather3A_746 = tpu.vector_load_idx %arg5[%add3A_745] : memref<256xi32, #tpu.memory_space<vmem>>[vector<16xi32>], vector<16xi32>,
    %shift_left3A_747 = arith.constant 3 : i32
    %shift_left3A_748 = vector.broadcast %shift_left3A_747 : i32 to vector<16xi32>
    %shift_left3A_749 = arith.shli %gather3A_746, %shift_left3A_748 : vector<16xi32>
    %add3A_750 = arith.addi %shift_left3A_749, %add3A_25 : vector<16xi32>
    %swap3A_751 = arith.constant 7 : i32
    %swap3A_752 = arith.index_cast %swap3A_751 : i32 to index
    %swap3A_753 = arith.constant 64 : index
    %swap3A_754 = tpu.vector_load %arg6[%swap3A_752, %swap3A_753] {strides = array<i32>} : memref<16x128xi32, #tpu.memory_space<vmem>>, vector<16xi32>,
    tpu.vector_store %arg6[%swap3A_752, %swap3A_753], %add3A_750 {strides = array<i32>} : memref<16x128xi32, #tpu.memory_space<vmem>>, vector<16xi32>,
    %add3A_755 = arith.constant 122 : i32
    %add3A_756 = vector.broadcast %add3A_755 : i32 to vector<16xi32>
    %add3A_757 = arith.addi %shift_right_logical3A_18, %add3A_756 : vector<16xi32>
    %gather3A_758 = tpu.vector_load_idx %arg5[%add3A_757] : memref<256xi32, #tpu.memory_space<vmem>>[vector<16xi32>], vector<16xi32>,
    %shift_left3A_759 = arith.constant 3 : i32
    %shift_left3A_760 = vector.broadcast %shift_left3A_759 : i32 to vector<16xi32>
    %shift_left3A_761 = arith.shli %gather3A_758, %shift_left3A_760 : vector<16xi32>
    %add3A_762 = arith.addi %shift_left3A_761, %add3A_25 : vector<16xi32>
    %swap3A_763 = arith.constant 7 : i32
    %swap3A_764 = arith.index_cast %swap3A_763 : i32 to index
    %swap3A_765 = arith.constant 80 : index
    %swap3A_766 = tpu.vector_load %arg6[%swap3A_764, %swap3A_765] {strides = array<i32>} : memref<16x128xi32, #tpu.memory_space<vmem>>, vector<16xi32>,
    tpu.vector_store %arg6[%swap3A_764, %swap3A_765], %add3A_762 {strides = array<i32>} : memref<16x128xi32, #tpu.memory_space<vmem>>, vector<16xi32>,
    %add3A_767 = arith.constant 124 : i32
    %add3A_768 = vector.broadcast %add3A_767 : i32 to vector<16xi32>
    %add3A_769 = arith.addi %shift_right_logical3A_18, %add3A_768 : vector<16xi32>
    %gather3A_770 = tpu.vector_load_idx %arg5[%add3A_769] : memref<256xi32, #tpu.memory_space<vmem>>[vector<16xi32>], vector<16xi32>,
    %shift_left3A_771 = arith.constant 3 : i32
    %shift_left3A_772 = vector.broadcast %shift_left3A_771 : i32 to vector<16xi32>
    %shift_left3A_773 = arith.shli %gather3A_770, %shift_left3A_772 : vector<16xi32>
    %add3A_774 = arith.addi %shift_left3A_773, %add3A_25 : vector<16xi32>
    %swap3A_775 = arith.constant 7 : i32
    %swap3A_776 = arith.index_cast %swap3A_775 : i32 to index
    %swap3A_777 = arith.constant 96 : index
    %swap3A_778 = tpu.vector_load %arg6[%swap3A_776, %swap3A_777] {strides = array<i32>} : memref<16x128xi32, #tpu.memory_space<vmem>>, vector<16xi32>,
    tpu.vector_store %arg6[%swap3A_776, %swap3A_777], %add3A_774 {strides = array<i32>} : memref<16x128xi32, #tpu.memory_space<vmem>>, vector<16xi32>,
    %add3A_779 = arith.constant 126 : i32
    %add3A_780 = vector.broadcast %add3A_779 : i32 to vector<16xi32>
    %add3A_781 = arith.addi %shift_right_logical3A_18, %add3A_780 : vector<16xi32>
    %gather3A_782 = tpu.vector_load_idx %arg5[%add3A_781] : memref<256xi32, #tpu.memory_space<vmem>>[vector<16xi32>], vector<16xi32>,
    %shift_left3A_783 = arith.constant 3 : i32
    %shift_left3A_784 = vector.broadcast %shift_left3A_783 : i32 to vector<16xi32>
    %shift_left3A_785 = arith.shli %gather3A_782, %shift_left3A_784 : vector<16xi32>
    %add3A_786 = arith.addi %shift_left3A_785, %add3A_25 : vector<16xi32>
    %swap3A_787 = arith.constant 7 : i32
    %swap3A_788 = arith.index_cast %swap3A_787 : i32 to index
    %swap3A_789 = arith.constant 112 : index
    %swap3A_790 = tpu.vector_load %arg6[%swap3A_788, %swap3A_789] {strides = array<i32>} : memref<16x128xi32, #tpu.memory_space<vmem>>, vector<16xi32>,
    tpu.vector_store %arg6[%swap3A_788, %swap3A_789], %add3A_786 {strides = array<i32>} : memref<16x128xi32, #tpu.memory_space<vmem>>, vector<16xi32>,
    %add3A_791 = arith.constant 128 : i32
    %add3A_792 = vector.broadcast %add3A_791 : i32 to vector<16xi32>
    %add3A_793 = arith.addi %shift_right_logical3A_18, %add3A_792 : vector<16xi32>
    %gather3A_794 = tpu.vector_load_idx %arg5[%add3A_793] : memref<256xi32, #tpu.memory_space<vmem>>[vector<16xi32>], vector<16xi32>,
    %shift_left3A_795 = arith.constant 3 : i32
    %shift_left3A_796 = vector.broadcast %shift_left3A_795 : i32 to vector<16xi32>
    %shift_left3A_797 = arith.shli %gather3A_794, %shift_left3A_796 : vector<16xi32>
    %add3A_798 = arith.addi %shift_left3A_797, %add3A_25 : vector<16xi32>
    %swap3A_799 = arith.constant 8 : i32
    %swap3A_800 = arith.index_cast %swap3A_799 : i32 to index
    %swap3A_801 = arith.constant 0 : index
    %swap3A_802 = tpu.vector_load %arg6[%swap3A_800, %swap3A_801] {strides = array<i32>} : memref<16x128xi32, #tpu.memory_space<vmem>>, vector<16xi32>,
    tpu.vector_store %arg6[%swap3A_800, %swap3A_801], %add3A_798 {strides = array<i32>} : memref<16x128xi32, #tpu.memory_space<vmem>>, vector<16xi32>,
    %add3A_803 = arith.constant 130 : i32
    %add3A_804 = vector.broadcast %add3A_803 : i32 to vector<16xi32>
    %add3A_805 = arith.addi %shift_right_logical3A_18, %add3A_804 : vector<16xi32>
    %gather3A_806 = tpu.vector_load_idx %arg5[%add3A_805] : memref<256xi32, #tpu.memory_space<vmem>>[vector<16xi32>], vector<16xi32>,
    %shift_left3A_807 = arith.constant 3 : i32
    %shift_left3A_808 = vector.broadcast %shift_left3A_807 : i32 to vector<16xi32>
    %shift_left3A_809 = arith.shli %gather3A_806, %shift_left3A_808 : vector<16xi32>
    %add3A_810 = arith.addi %shift_left3A_809, %add3A_25 : vector<16xi32>
    %swap3A_811 = arith.constant 8 : i32
    %swap3A_812 = arith.index_cast %swap3A_811 : i32 to index
    %swap3A_813 = arith.constant 16 : index
    %swap3A_814 = tpu.vector_load %arg6[%swap3A_812, %swap3A_813] {strides = array<i32>} : memref<16x128xi32, #tpu.memory_space<vmem>>, vector<16xi32>,
    tpu.vector_store %arg6[%swap3A_812, %swap3A_813], %add3A_810 {strides = array<i32>} : memref<16x128xi32, #tpu.memory_space<vmem>>, vector<16xi32>,
    %add3A_815 = arith.constant 132 : i32
    %add3A_816 = vector.broadcast %add3A_815 : i32 to vector<16xi32>
    %add3A_817 = arith.addi %shift_right_logical3A_18, %add3A_816 : vector<16xi32>
    %gather3A_818 = tpu.vector_load_idx %arg5[%add3A_817] : memref<256xi32, #tpu.memory_space<vmem>>[vector<16xi32>], vector<16xi32>,
    %shift_left3A_819 = arith.constant 3 : i32
    %shift_left3A_820 = vector.broadcast %shift_left3A_819 : i32 to vector<16xi32>
    %shift_left3A_821 = arith.shli %gather3A_818, %shift_left3A_820 : vector<16xi32>
    %add3A_822 = arith.addi %shift_left3A_821, %add3A_25 : vector<16xi32>
    %swap3A_823 = arith.constant 8 : i32
    %swap3A_824 = arith.index_cast %swap3A_823 : i32 to index
    %swap3A_825 = arith.constant 32 : index
    %swap3A_826 = tpu.vector_load %arg6[%swap3A_824, %swap3A_825] {strides = array<i32>} : memref<16x128xi32, #tpu.memory_space<vmem>>, vector<16xi32>,
    tpu.vector_store %arg6[%swap3A_824, %swap3A_825], %add3A_822 {strides = array<i32>} : memref<16x128xi32, #tpu.memory_space<vmem>>, vector<16xi32>,
    %add3A_827 = arith.constant 134 : i32
    %add3A_828 = vector.broadcast %add3A_827 : i32 to vector<16xi32>
    %add3A_829 = arith.addi %shift_right_logical3A_18, %add3A_828 : vector<16xi32>
    %gather3A_830 = tpu.vector_load_idx %arg5[%add3A_829] : memref<256xi32, #tpu.memory_space<vmem>>[vector<16xi32>], vector<16xi32>,
    %shift_left3A_831 = arith.constant 3 : i32
    %shift_left3A_832 = vector.broadcast %shift_left3A_831 : i32 to vector<16xi32>
    %shift_left3A_833 = arith.shli %gather3A_830, %shift_left3A_832 : vector<16xi32>
    %add3A_834 = arith.addi %shift_left3A_833, %add3A_25 : vector<16xi32>
    %swap3A_835 = arith.constant 8 : i32
    %swap3A_836 = arith.index_cast %swap3A_835 : i32 to index
    %swap3A_837 = arith.constant 48 : index
    %swap3A_838 = tpu.vector_load %arg6[%swap3A_836, %swap3A_837] {strides = array<i32>} : memref<16x128xi32, #tpu.memory_space<vmem>>, vector<16xi32>,
    tpu.vector_store %arg6[%swap3A_836, %swap3A_837], %add3A_834 {strides = array<i32>} : memref<16x128xi32, #tpu.memory_space<vmem>>, vector<16xi32>,
    %add3A_839 = arith.constant 136 : i32
    %add3A_840 = vector.broadcast %add3A_839 : i32 to vector<16xi32>
    %add3A_841 = arith.addi %shift_right_logical3A_18, %add3A_840 : vector<16xi32>
    %gather3A_842 = tpu.vector_load_idx %arg5[%add3A_841] : memref<256xi32, #tpu.memory_space<vmem>>[vector<16xi32>], vector<16xi32>,
    %shift_left3A_843 = arith.constant 3 : i32
    %shift_left3A_844 = vector.broadcast %shift_left3A_843 : i32 to vector<16xi32>
    %shift_left3A_845 = arith.shli %gather3A_842, %shift_left3A_844 : vector<16xi32>
    %add3A_846 = arith.addi %shift_left3A_845, %add3A_25 : vector<16xi32>
    %swap3A_847 = arith.constant 8 : i32
    %swap3A_848 = arith.index_cast %swap3A_847 : i32 to index
    %swap3A_849 = arith.constant 64 : index
    %swap3A_850 = tpu.vector_load %arg6[%swap3A_848, %swap3A_849] {strides = array<i32>} : memref<16x128xi32, #tpu.memory_space<vmem>>, vector<16xi32>,
    tpu.vector_store %arg6[%swap3A_848, %swap3A_849], %add3A_846 {strides = array<i32>} : memref<16x128xi32, #tpu.memory_space<vmem>>, vector<16xi32>,
    %add3A_851 = arith.constant 138 : i32
    %add3A_852 = vector.broadcast %add3A_851 : i32 to vector<16xi32>
    %add3A_853 = arith.addi %shift_right_logical3A_18, %add3A_852 : vector<16xi32>
    %gather3A_854 = tpu.vector_load_idx %arg5[%add3A_853] : memref<256xi32, #tpu.memory_space<vmem>>[vector<16xi32>], vector<16xi32>,
    %shift_left3A_855 = arith.constant 3 : i32
    %shift_left3A_856 = vector.broadcast %shift_left3A_855 : i32 to vector<16xi32>
    %shift_left3A_857 = arith.shli %gather3A_854, %shift_left3A_856 : vector<16xi32>
    %add3A_858 = arith.addi %shift_left3A_857, %add3A_25 : vector<16xi32>
    %swap3A_859 = arith.constant 8 : i32
    %swap3A_860 = arith.index_cast %swap3A_859 : i32 to index
    %swap3A_861 = arith.constant 80 : index
    %swap3A_862 = tpu.vector_load %arg6[%swap3A_860, %swap3A_861] {strides = array<i32>} : memref<16x128xi32, #tpu.memory_space<vmem>>, vector<16xi32>,
    tpu.vector_store %arg6[%swap3A_860, %swap3A_861], %add3A_858 {strides = array<i32>} : memref<16x128xi32, #tpu.memory_space<vmem>>, vector<16xi32>,
    %add3A_863 = arith.constant 140 : i32
    %add3A_864 = vector.broadcast %add3A_863 : i32 to vector<16xi32>
    %add3A_865 = arith.addi %shift_right_logical3A_18, %add3A_864 : vector<16xi32>
    %gather3A_866 = tpu.vector_load_idx %arg5[%add3A_865] : memref<256xi32, #tpu.memory_space<vmem>>[vector<16xi32>], vector<16xi32>,
    %shift_left3A_867 = arith.constant 3 : i32
    %shift_left3A_868 = vector.broadcast %shift_left3A_867 : i32 to vector<16xi32>
    %shift_left3A_869 = arith.shli %gather3A_866, %shift_left3A_868 : vector<16xi32>
    %add3A_870 = arith.addi %shift_left3A_869, %add3A_25 : vector<16xi32>
    %swap3A_871 = arith.constant 8 : i32
    %swap3A_872 = arith.index_cast %swap3A_871 : i32 to index
    %swap3A_873 = arith.constant 96 : index
    %swap3A_874 = tpu.vector_load %arg6[%swap3A_872, %swap3A_873] {strides = array<i32>} : memref<16x128xi32, #tpu.memory_space<vmem>>, vector<16xi32>,
    tpu.vector_store %arg6[%swap3A_872, %swap3A_873], %add3A_870 {strides = array<i32>} : memref<16x128xi32, #tpu.memory_space<vmem>>, vector<16xi32>,
    %add3A_875 = arith.constant 142 : i32
    %add3A_876 = vector.broadcast %add3A_875 : i32 to vector<16xi32>
    %add3A_877 = arith.addi %shift_right_logical3A_18, %add3A_876 : vector<16xi32>
    %gather3A_878 = tpu.vector_load_idx %arg5[%add3A_877] : memref<256xi32, #tpu.memory_space<vmem>>[vector<16xi32>], vector<16xi32>,
    %shift_left3A_879 = arith.constant 3 : i32
    %shift_left3A_880 = vector.broadcast %shift_left3A_879 : i32 to vector<16xi32>
    %shift_left3A_881 = arith.shli %gather3A_878, %shift_left3A_880 : vector<16xi32>
    %add3A_882 = arith.addi %shift_left3A_881, %add3A_25 : vector<16xi32>
    %swap3A_883 = arith.constant 8 : i32
    %swap3A_884 = arith.index_cast %swap3A_883 : i32 to index
    %swap3A_885 = arith.constant 112 : index
    %swap3A_886 = tpu.vector_load %arg6[%swap3A_884, %swap3A_885] {strides = array<i32>} : memref<16x128xi32, #tpu.memory_space<vmem>>, vector<16xi32>,
    tpu.vector_store %arg6[%swap3A_884, %swap3A_885], %add3A_882 {strides = array<i32>} : memref<16x128xi32, #tpu.memory_space<vmem>>, vector<16xi32>,
    %add3A_887 = arith.constant 144 : i32
    %add3A_888 = vector.broadcast %add3A_887 : i32 to vector<16xi32>
    %add3A_889 = arith.addi %shift_right_logical3A_18, %add3A_888 : vector<16xi32>
    %gather3A_890 = tpu.vector_load_idx %arg5[%add3A_889] : memref<256xi32, #tpu.memory_space<vmem>>[vector<16xi32>], vector<16xi32>,
    %shift_left3A_891 = arith.constant 3 : i32
    %shift_left3A_892 = vector.broadcast %shift_left3A_891 : i32 to vector<16xi32>
    %shift_left3A_893 = arith.shli %gather3A_890, %shift_left3A_892 : vector<16xi32>
    %add3A_894 = arith.addi %shift_left3A_893, %add3A_25 : vector<16xi32>
    %swap3A_895 = arith.constant 9 : i32
    %swap3A_896 = arith.index_cast %swap3A_895 : i32 to index
    %swap3A_897 = arith.constant 0 : index
    %swap3A_898 = tpu.vector_load %arg6[%swap3A_896, %swap3A_897] {strides = array<i32>} : memref<16x128xi32, #tpu.memory_space<vmem>>, vector<16xi32>,
    tpu.vector_store %arg6[%swap3A_896, %swap3A_897], %add3A_894 {strides = array<i32>} : memref<16x128xi32, #tpu.memory_space<vmem>>, vector<16xi32>,
    %add3A_899 = arith.constant 146 : i32
    %add3A_900 = vector.broadcast %add3A_899 : i32 to vector<16xi32>
    %add3A_901 = arith.addi %shift_right_logical3A_18, %add3A_900 : vector<16xi32>
    %gather3A_902 = tpu.vector_load_idx %arg5[%add3A_901] : memref<256xi32, #tpu.memory_space<vmem>>[vector<16xi32>], vector<16xi32>,
    %shift_left3A_903 = arith.constant 3 : i32
    %shift_left3A_904 = vector.broadcast %shift_left3A_903 : i32 to vector<16xi32>
    %shift_left3A_905 = arith.shli %gather3A_902, %shift_left3A_904 : vector<16xi32>
    %add3A_906 = arith.addi %shift_left3A_905, %add3A_25 : vector<16xi32>
    %swap3A_907 = arith.constant 9 : i32
    %swap3A_908 = arith.index_cast %swap3A_907 : i32 to index
    %swap3A_909 = arith.constant 16 : index
    %swap3A_910 = tpu.vector_load %arg6[%swap3A_908, %swap3A_909] {strides = array<i32>} : memref<16x128xi32, #tpu.memory_space<vmem>>, vector<16xi32>,
    tpu.vector_store %arg6[%swap3A_908, %swap3A_909], %add3A_906 {strides = array<i32>} : memref<16x128xi32, #tpu.memory_space<vmem>>, vector<16xi32>,
    %add3A_911 = arith.constant 148 : i32
    %add3A_912 = vector.broadcast %add3A_911 : i32 to vector<16xi32>
    %add3A_913 = arith.addi %shift_right_logical3A_18, %add3A_912 : vector<16xi32>
    %gather3A_914 = tpu.vector_load_idx %arg5[%add3A_913] : memref<256xi32, #tpu.memory_space<vmem>>[vector<16xi32>], vector<16xi32>,
    %shift_left3A_915 = arith.constant 3 : i32
    %shift_left3A_916 = vector.broadcast %shift_left3A_915 : i32 to vector<16xi32>
    %shift_left3A_917 = arith.shli %gather3A_914, %shift_left3A_916 : vector<16xi32>
    %add3A_918 = arith.addi %shift_left3A_917, %add3A_25 : vector<16xi32>
    %swap3A_919 = arith.constant 9 : i32
    %swap3A_920 = arith.index_cast %swap3A_919 : i32 to index
    %swap3A_921 = arith.constant 32 : index
    %swap3A_922 = tpu.vector_load %arg6[%swap3A_920, %swap3A_921] {strides = array<i32>} : memref<16x128xi32, #tpu.memory_space<vmem>>, vector<16xi32>,
    tpu.vector_store %arg6[%swap3A_920, %swap3A_921], %add3A_918 {strides = array<i32>} : memref<16x128xi32, #tpu.memory_space<vmem>>, vector<16xi32>,
    %add3A_923 = arith.constant 150 : i32
    %add3A_924 = vector.broadcast %add3A_923 : i32 to vector<16xi32>
    %add3A_925 = arith.addi %shift_right_logical3A_18, %add3A_924 : vector<16xi32>
    %gather3A_926 = tpu.vector_load_idx %arg5[%add3A_925] : memref<256xi32, #tpu.memory_space<vmem>>[vector<16xi32>], vector<16xi32>,
    %shift_left3A_927 = arith.constant 3 : i32
    %shift_left3A_928 = vector.broadcast %shift_left3A_927 : i32 to vector<16xi32>
    %shift_left3A_929 = arith.shli %gather3A_926, %shift_left3A_928 : vector<16xi32>
    %add3A_930 = arith.addi %shift_left3A_929, %add3A_25 : vector<16xi32>
    %swap3A_931 = arith.constant 9 : i32
    %swap3A_932 = arith.index_cast %swap3A_931 : i32 to index
    %swap3A_933 = arith.constant 48 : index
    %swap3A_934 = tpu.vector_load %arg6[%swap3A_932, %swap3A_933] {strides = array<i32>} : memref<16x128xi32, #tpu.memory_space<vmem>>, vector<16xi32>,
    tpu.vector_store %arg6[%swap3A_932, %swap3A_933], %add3A_930 {strides = array<i32>} : memref<16x128xi32, #tpu.memory_space<vmem>>, vector<16xi32>,
    %add3A_935 = arith.constant 152 : i32
    %add3A_936 = vector.broadcast %add3A_935 : i32 to vector<16xi32>
    %add3A_937 = arith.addi %shift_right_logical3A_18, %add3A_936 : vector<16xi32>
    %gather3A_938 = tpu.vector_load_idx %arg5[%add3A_937] : memref<256xi32, #tpu.memory_space<vmem>>[vector<16xi32>], vector<16xi32>,
    %shift_left3A_939 = arith.constant 3 : i32
    %shift_left3A_940 = vector.broadcast %shift_left3A_939 : i32 to vector<16xi32>
    %shift_left3A_941 = arith.shli %gather3A_938, %shift_left3A_940 : vector<16xi32>
    %add3A_942 = arith.addi %shift_left3A_941, %add3A_25 : vector<16xi32>
    %swap3A_943 = arith.constant 9 : i32
    %swap3A_944 = arith.index_cast %swap3A_943 : i32 to index
    %swap3A_945 = arith.constant 64 : index
    %swap3A_946 = tpu.vector_load %arg6[%swap3A_944, %swap3A_945] {strides = array<i32>} : memref<16x128xi32, #tpu.memory_space<vmem>>, vector<16xi32>,
    tpu.vector_store %arg6[%swap3A_944, %swap3A_945], %add3A_942 {strides = array<i32>} : memref<16x128xi32, #tpu.memory_space<vmem>>, vector<16xi32>,
    %add3A_947 = arith.constant 154 : i32
    %add3A_948 = vector.broadcast %add3A_947 : i32 to vector<16xi32>
    %add3A_949 = arith.addi %shift_right_logical3A_18, %add3A_948 : vector<16xi32>
    %gather3A_950 = tpu.vector_load_idx %arg5[%add3A_949] : memref<256xi32, #tpu.memory_space<vmem>>[vector<16xi32>], vector<16xi32>,
    %shift_left3A_951 = arith.constant 3 : i32
    %shift_left3A_952 = vector.broadcast %shift_left3A_951 : i32 to vector<16xi32>
    %shift_left3A_953 = arith.shli %gather3A_950, %shift_left3A_952 : vector<16xi32>
    %add3A_954 = arith.addi %shift_left3A_953, %add3A_25 : vector<16xi32>
    %swap3A_955 = arith.constant 9 : i32
    %swap3A_956 = arith.index_cast %swap3A_955 : i32 to index
    %swap3A_957 = arith.constant 80 : index
    %swap3A_958 = tpu.vector_load %arg6[%swap3A_956, %swap3A_957] {strides = array<i32>} : memref<16x128xi32, #tpu.memory_space<vmem>>, vector<16xi32>,
    tpu.vector_store %arg6[%swap3A_956, %swap3A_957], %add3A_954 {strides = array<i32>} : memref<16x128xi32, #tpu.memory_space<vmem>>, vector<16xi32>,
    %add3A_959 = arith.constant 156 : i32
    %add3A_960 = vector.broadcast %add3A_959 : i32 to vector<16xi32>
    %add3A_961 = arith.addi %shift_right_logical3A_18, %add3A_960 : vector<16xi32>
    %gather3A_962 = tpu.vector_load_idx %arg5[%add3A_961] : memref<256xi32, #tpu.memory_space<vmem>>[vector<16xi32>], vector<16xi32>,
    %shift_left3A_963 = arith.constant 3 : i32
    %shift_left3A_964 = vector.broadcast %shift_left3A_963 : i32 to vector<16xi32>
    %shift_left3A_965 = arith.shli %gather3A_962, %shift_left3A_964 : vector<16xi32>
    %add3A_966 = arith.addi %shift_left3A_965, %add3A_25 : vector<16xi32>
    %swap3A_967 = arith.constant 9 : i32
    %swap3A_968 = arith.index_cast %swap3A_967 : i32 to index
    %swap3A_969 = arith.constant 96 : index
    %swap3A_970 = tpu.vector_load %arg6[%swap3A_968, %swap3A_969] {strides = array<i32>} : memref<16x128xi32, #tpu.memory_space<vmem>>, vector<16xi32>,
    tpu.vector_store %arg6[%swap3A_968, %swap3A_969], %add3A_966 {strides = array<i32>} : memref<16x128xi32, #tpu.memory_space<vmem>>, vector<16xi32>,
    %add3A_971 = arith.constant 158 : i32
    %add3A_972 = vector.broadcast %add3A_971 : i32 to vector<16xi32>
    %add3A_973 = arith.addi %shift_right_logical3A_18, %add3A_972 : vector<16xi32>
    %gather3A_974 = tpu.vector_load_idx %arg5[%add3A_973] : memref<256xi32, #tpu.memory_space<vmem>>[vector<16xi32>], vector<16xi32>,
    %shift_left3A_975 = arith.constant 3 : i32
    %shift_left3A_976 = vector.broadcast %shift_left3A_975 : i32 to vector<16xi32>
    %shift_left3A_977 = arith.shli %gather3A_974, %shift_left3A_976 : vector<16xi32>
    %add3A_978 = arith.addi %shift_left3A_977, %add3A_25 : vector<16xi32>
    %swap3A_979 = arith.constant 9 : i32
    %swap3A_980 = arith.index_cast %swap3A_979 : i32 to index
    %swap3A_981 = arith.constant 112 : index
    %swap3A_982 = tpu.vector_load %arg6[%swap3A_980, %swap3A_981] {strides = array<i32>} : memref<16x128xi32, #tpu.memory_space<vmem>>, vector<16xi32>,
    tpu.vector_store %arg6[%swap3A_980, %swap3A_981], %add3A_978 {strides = array<i32>} : memref<16x128xi32, #tpu.memory_space<vmem>>, vector<16xi32>,
    %add3A_983 = arith.constant 160 : i32
    %add3A_984 = vector.broadcast %add3A_983 : i32 to vector<16xi32>
    %add3A_985 = arith.addi %shift_right_logical3A_18, %add3A_984 : vector<16xi32>
    %gather3A_986 = tpu.vector_load_idx %arg5[%add3A_985] : memref<256xi32, #tpu.memory_space<vmem>>[vector<16xi32>], vector<16xi32>,
    %shift_left3A_987 = arith.constant 3 : i32
    %shift_left3A_988 = vector.broadcast %shift_left3A_987 : i32 to vector<16xi32>
    %shift_left3A_989 = arith.shli %gather3A_986, %shift_left3A_988 : vector<16xi32>
    %add3A_990 = arith.addi %shift_left3A_989, %add3A_25 : vector<16xi32>
    %swap3A_991 = arith.constant 10 : i32
    %swap3A_992 = arith.index_cast %swap3A_991 : i32 to index
    %swap3A_993 = arith.constant 0 : index
    %swap3A_994 = tpu.vector_load %arg6[%swap3A_992, %swap3A_993] {strides = array<i32>} : memref<16x128xi32, #tpu.memory_space<vmem>>, vector<16xi32>,
    tpu.vector_store %arg6[%swap3A_992, %swap3A_993], %add3A_990 {strides = array<i32>} : memref<16x128xi32, #tpu.memory_space<vmem>>, vector<16xi32>,
    %add3A_995 = arith.constant 162 : i32
    %add3A_996 = vector.broadcast %add3A_995 : i32 to vector<16xi32>
    %add3A_997 = arith.addi %shift_right_logical3A_18, %add3A_996 : vector<16xi32>
    %gather3A_998 = tpu.vector_load_idx %arg5[%add3A_997] : memref<256xi32, #tpu.memory_space<vmem>>[vector<16xi32>], vector<16xi32>,
    %shift_left3A_999 = arith.constant 3 : i32
    %shift_left3A_1000 = vector.broadcast %shift_left3A_999 : i32 to vector<16xi32>
    %shift_left3A_1001 = arith.shli %gather3A_998, %shift_left3A_1000 : vector<16xi32>
    %add3A_1002 = arith.addi %shift_left3A_1001, %add3A_25 : vector<16xi32>
    %swap3A_1003 = arith.constant 10 : i32
    %swap3A_1004 = arith.index_cast %swap3A_1003 : i32 to index
    %swap3A_1005 = arith.constant 16 : index
    %swap3A_1006 = tpu.vector_load %arg6[%swap3A_1004, %swap3A_1005] {strides = array<i32>} : memref<16x128xi32, #tpu.memory_space<vmem>>, vector<16xi32>,
    tpu.vector_store %arg6[%swap3A_1004, %swap3A_1005], %add3A_1002 {strides = array<i32>} : memref<16x128xi32, #tpu.memory_space<vmem>>, vector<16xi32>,
    %add3A_1007 = arith.constant 164 : i32
    %add3A_1008 = vector.broadcast %add3A_1007 : i32 to vector<16xi32>
    %add3A_1009 = arith.addi %shift_right_logical3A_18, %add3A_1008 : vector<16xi32>
    %gather3A_1010 = tpu.vector_load_idx %arg5[%add3A_1009] : memref<256xi32, #tpu.memory_space<vmem>>[vector<16xi32>], vector<16xi32>,
    %shift_left3A_1011 = arith.constant 3 : i32
    %shift_left3A_1012 = vector.broadcast %shift_left3A_1011 : i32 to vector<16xi32>
    %shift_left3A_1013 = arith.shli %gather3A_1010, %shift_left3A_1012 : vector<16xi32>
    %add3A_1014 = arith.addi %shift_left3A_1013, %add3A_25 : vector<16xi32>
    %swap3A_1015 = arith.constant 10 : i32
    %swap3A_1016 = arith.index_cast %swap3A_1015 : i32 to index
    %swap3A_1017 = arith.constant 32 : index
    %swap3A_1018 = tpu.vector_load %arg6[%swap3A_1016, %swap3A_1017] {strides = array<i32>} : memref<16x128xi32, #tpu.memory_space<vmem>>, vector<16xi32>,
    tpu.vector_store %arg6[%swap3A_1016, %swap3A_1017], %add3A_1014 {strides = array<i32>} : memref<16x128xi32, #tpu.memory_space<vmem>>, vector<16xi32>,
    %add3A_1019 = arith.constant 166 : i32
    %add3A_1020 = vector.broadcast %add3A_1019 : i32 to vector<16xi32>
    %add3A_1021 = arith.addi %shift_right_logical3A_18, %add3A_1020 : vector<16xi32>
    %gather3A_1022 = tpu.vector_load_idx %arg5[%add3A_1021] : memref<256xi32, #tpu.memory_space<vmem>>[vector<16xi32>], vector<16xi32>,
    %shift_left3A_1023 = arith.constant 3 : i32
    %shift_left3A_1024 = vector.broadcast %shift_left3A_1023 : i32 to vector<16xi32>
    %shift_left3A_1025 = arith.shli %gather3A_1022, %shift_left3A_1024 : vector<16xi32>
    %add3A_1026 = arith.addi %shift_left3A_1025, %add3A_25 : vector<16xi32>
    %swap3A_1027 = arith.constant 10 : i32
    %swap3A_1028 = arith.index_cast %swap3A_1027 : i32 to index
    %swap3A_1029 = arith.constant 48 : index
    %swap3A_1030 = tpu.vector_load %arg6[%swap3A_1028, %swap3A_1029] {strides = array<i32>} : memref<16x128xi32, #tpu.memory_space<vmem>>, vector<16xi32>,
    tpu.vector_store %arg6[%swap3A_1028, %swap3A_1029], %add3A_1026 {strides = array<i32>} : memref<16x128xi32, #tpu.memory_space<vmem>>, vector<16xi32>,
    %add3A_1031 = arith.constant 168 : i32
    %add3A_1032 = vector.broadcast %add3A_1031 : i32 to vector<16xi32>
    %add3A_1033 = arith.addi %shift_right_logical3A_18, %add3A_1032 : vector<16xi32>
    %gather3A_1034 = tpu.vector_load_idx %arg5[%add3A_1033] : memref<256xi32, #tpu.memory_space<vmem>>[vector<16xi32>], vector<16xi32>,
    %shift_left3A_1035 = arith.constant 3 : i32
    %shift_left3A_1036 = vector.broadcast %shift_left3A_1035 : i32 to vector<16xi32>
    %shift_left3A_1037 = arith.shli %gather3A_1034, %shift_left3A_1036 : vector<16xi32>
    %add3A_1038 = arith.addi %shift_left3A_1037, %add3A_25 : vector<16xi32>
    %swap3A_1039 = arith.constant 10 : i32
    %swap3A_1040 = arith.index_cast %swap3A_1039 : i32 to index
    %swap3A_1041 = arith.constant 64 : index
    %swap3A_1042 = tpu.vector_load %arg6[%swap3A_1040, %swap3A_1041] {strides = array<i32>} : memref<16x128xi32, #tpu.memory_space<vmem>>, vector<16xi32>,
    tpu.vector_store %arg6[%swap3A_1040, %swap3A_1041], %add3A_1038 {strides = array<i32>} : memref<16x128xi32, #tpu.memory_space<vmem>>, vector<16xi32>,
    %add3A_1043 = arith.constant 170 : i32
    %add3A_1044 = vector.broadcast %add3A_1043 : i32 to vector<16xi32>
    %add3A_1045 = arith.addi %shift_right_logical3A_18, %add3A_1044 : vector<16xi32>
    %gather3A_1046 = tpu.vector_load_idx %arg5[%add3A_1045] : memref<256xi32, #tpu.memory_space<vmem>>[vector<16xi32>], vector<16xi32>,
    %shift_left3A_1047 = arith.constant 3 : i32
    %shift_left3A_1048 = vector.broadcast %shift_left3A_1047 : i32 to vector<16xi32>
    %shift_left3A_1049 = arith.shli %gather3A_1046, %shift_left3A_1048 : vector<16xi32>
    %add3A_1050 = arith.addi %shift_left3A_1049, %add3A_25 : vector<16xi32>
    %swap3A_1051 = arith.constant 10 : i32
    %swap3A_1052 = arith.index_cast %swap3A_1051 : i32 to index
    %swap3A_1053 = arith.constant 80 : index
    %swap3A_1054 = tpu.vector_load %arg6[%swap3A_1052, %swap3A_1053] {strides = array<i32>} : memref<16x128xi32, #tpu.memory_space<vmem>>, vector<16xi32>,
    tpu.vector_store %arg6[%swap3A_1052, %swap3A_1053], %add3A_1050 {strides = array<i32>} : memref<16x128xi32, #tpu.memory_space<vmem>>, vector<16xi32>,
    %add3A_1055 = arith.constant 172 : i32
    %add3A_1056 = vector.broadcast %add3A_1055 : i32 to vector<16xi32>
    %add3A_1057 = arith.addi %shift_right_logical3A_18, %add3A_1056 : vector<16xi32>
    %gather3A_1058 = tpu.vector_load_idx %arg5[%add3A_1057] : memref<256xi32, #tpu.memory_space<vmem>>[vector<16xi32>], vector<16xi32>,
    %shift_left3A_1059 = arith.constant 3 : i32
    %shift_left3A_1060 = vector.broadcast %shift_left3A_1059 : i32 to vector<16xi32>
    %shift_left3A_1061 = arith.shli %gather3A_1058, %shift_left3A_1060 : vector<16xi32>
    %add3A_1062 = arith.addi %shift_left3A_1061, %add3A_25 : vector<16xi32>
    %swap3A_1063 = arith.constant 10 : i32
    %swap3A_1064 = arith.index_cast %swap3A_1063 : i32 to index
    %swap3A_1065 = arith.constant 96 : index
    %swap3A_1066 = tpu.vector_load %arg6[%swap3A_1064, %swap3A_1065] {strides = array<i32>} : memref<16x128xi32, #tpu.memory_space<vmem>>, vector<16xi32>,
    tpu.vector_store %arg6[%swap3A_1064, %swap3A_1065], %add3A_1062 {strides = array<i32>} : memref<16x128xi32, #tpu.memory_space<vmem>>, vector<16xi32>,
    %add3A_1067 = arith.constant 174 : i32
    %add3A_1068 = vector.broadcast %add3A_1067 : i32 to vector<16xi32>
    %add3A_1069 = arith.addi %shift_right_logical3A_18, %add3A_1068 : vector<16xi32>
    %gather3A_1070 = tpu.vector_load_idx %arg5[%add3A_1069] : memref<256xi32, #tpu.memory_space<vmem>>[vector<16xi32>], vector<16xi32>,
    %shift_left3A_1071 = arith.constant 3 : i32
    %shift_left3A_1072 = vector.broadcast %shift_left3A_1071 : i32 to vector<16xi32>
    %shift_left3A_1073 = arith.shli %gather3A_1070, %shift_left3A_1072 : vector<16xi32>
    %add3A_1074 = arith.addi %shift_left3A_1073, %add3A_25 : vector<16xi32>
    %swap3A_1075 = arith.constant 10 : i32
    %swap3A_1076 = arith.index_cast %swap3A_1075 : i32 to index
    %swap3A_1077 = arith.constant 112 : index
    %swap3A_1078 = tpu.vector_load %arg6[%swap3A_1076, %swap3A_1077] {strides = array<i32>} : memref<16x128xi32, #tpu.memory_space<vmem>>, vector<16xi32>,
    tpu.vector_store %arg6[%swap3A_1076, %swap3A_1077], %add3A_1074 {strides = array<i32>} : memref<16x128xi32, #tpu.memory_space<vmem>>, vector<16xi32>,
    %add3A_1079 = arith.constant 176 : i32
    %add3A_1080 = vector.broadcast %add3A_1079 : i32 to vector<16xi32>
    %add3A_1081 = arith.addi %shift_right_logical3A_18, %add3A_1080 : vector<16xi32>
    %gather3A_1082 = tpu.vector_load_idx %arg5[%add3A_1081] : memref<256xi32, #tpu.memory_space<vmem>>[vector<16xi32>], vector<16xi32>,
    %shift_left3A_1083 = arith.constant 3 : i32
    %shift_left3A_1084 = vector.broadcast %shift_left3A_1083 : i32 to vector<16xi32>
    %shift_left3A_1085 = arith.shli %gather3A_1082, %shift_left3A_1084 : vector<16xi32>
    %add3A_1086 = arith.addi %shift_left3A_1085, %add3A_25 : vector<16xi32>
    %swap3A_1087 = arith.constant 11 : i32
    %swap3A_1088 = arith.index_cast %swap3A_1087 : i32 to index
    %swap3A_1089 = arith.constant 0 : index
    %swap3A_1090 = tpu.vector_load %arg6[%swap3A_1088, %swap3A_1089] {strides = array<i32>} : memref<16x128xi32, #tpu.memory_space<vmem>>, vector<16xi32>,
    tpu.vector_store %arg6[%swap3A_1088, %swap3A_1089], %add3A_1086 {strides = array<i32>} : memref<16x128xi32, #tpu.memory_space<vmem>>, vector<16xi32>,
    %add3A_1091 = arith.constant 178 : i32
    %add3A_1092 = vector.broadcast %add3A_1091 : i32 to vector<16xi32>
    %add3A_1093 = arith.addi %shift_right_logical3A_18, %add3A_1092 : vector<16xi32>
    %gather3A_1094 = tpu.vector_load_idx %arg5[%add3A_1093] : memref<256xi32, #tpu.memory_space<vmem>>[vector<16xi32>], vector<16xi32>,
    %shift_left3A_1095 = arith.constant 3 : i32
    %shift_left3A_1096 = vector.broadcast %shift_left3A_1095 : i32 to vector<16xi32>
    %shift_left3A_1097 = arith.shli %gather3A_1094, %shift_left3A_1096 : vector<16xi32>
    %add3A_1098 = arith.addi %shift_left3A_1097, %add3A_25 : vector<16xi32>
    %swap3A_1099 = arith.constant 11 : i32
    %swap3A_1100 = arith.index_cast %swap3A_1099 : i32 to index
    %swap3A_1101 = arith.constant 16 : index
    %swap3A_1102 = tpu.vector_load %arg6[%swap3A_1100, %swap3A_1101] {strides = array<i32>} : memref<16x128xi32, #tpu.memory_space<vmem>>, vector<16xi32>,
    tpu.vector_store %arg6[%swap3A_1100, %swap3A_1101], %add3A_1098 {strides = array<i32>} : memref<16x128xi32, #tpu.memory_space<vmem>>, vector<16xi32>,
    %add3A_1103 = arith.constant 180 : i32
    %add3A_1104 = vector.broadcast %add3A_1103 : i32 to vector<16xi32>
    %add3A_1105 = arith.addi %shift_right_logical3A_18, %add3A_1104 : vector<16xi32>
    %gather3A_1106 = tpu.vector_load_idx %arg5[%add3A_1105] : memref<256xi32, #tpu.memory_space<vmem>>[vector<16xi32>], vector<16xi32>,
    %shift_left3A_1107 = arith.constant 3 : i32
    %shift_left3A_1108 = vector.broadcast %shift_left3A_1107 : i32 to vector<16xi32>
    %shift_left3A_1109 = arith.shli %gather3A_1106, %shift_left3A_1108 : vector<16xi32>
    %add3A_1110 = arith.addi %shift_left3A_1109, %add3A_25 : vector<16xi32>
    %swap3A_1111 = arith.constant 11 : i32
    %swap3A_1112 = arith.index_cast %swap3A_1111 : i32 to index
    %swap3A_1113 = arith.constant 32 : index
    %swap3A_1114 = tpu.vector_load %arg6[%swap3A_1112, %swap3A_1113] {strides = array<i32>} : memref<16x128xi32, #tpu.memory_space<vmem>>, vector<16xi32>,
    tpu.vector_store %arg6[%swap3A_1112, %swap3A_1113], %add3A_1110 {strides = array<i32>} : memref<16x128xi32, #tpu.memory_space<vmem>>, vector<16xi32>,
    %add3A_1115 = arith.constant 182 : i32
    %add3A_1116 = vector.broadcast %add3A_1115 : i32 to vector<16xi32>
    %add3A_1117 = arith.addi %shift_right_logical3A_18, %add3A_1116 : vector<16xi32>
    %gather3A_1118 = tpu.vector_load_idx %arg5[%add3A_1117] : memref<256xi32, #tpu.memory_space<vmem>>[vector<16xi32>], vector<16xi32>,
    %shift_left3A_1119 = arith.constant 3 : i32
    %shift_left3A_1120 = vector.broadcast %shift_left3A_1119 : i32 to vector<16xi32>
    %shift_left3A_1121 = arith.shli %gather3A_1118, %shift_left3A_1120 : vector<16xi32>
    %add3A_1122 = arith.addi %shift_left3A_1121, %add3A_25 : vector<16xi32>
    %swap3A_1123 = arith.constant 11 : i32
    %swap3A_1124 = arith.index_cast %swap3A_1123 : i32 to index
    %swap3A_1125 = arith.constant 48 : index
    %swap3A_1126 = tpu.vector_load %arg6[%swap3A_1124, %swap3A_1125] {strides = array<i32>} : memref<16x128xi32, #tpu.memory_space<vmem>>, vector<16xi32>,
    tpu.vector_store %arg6[%swap3A_1124, %swap3A_1125], %add3A_1122 {strides = array<i32>} : memref<16x128xi32, #tpu.memory_space<vmem>>, vector<16xi32>,
    %add3A_1127 = arith.constant 184 : i32
    %add3A_1128 = vector.broadcast %add3A_1127 : i32 to vector<16xi32>
    %add3A_1129 = arith.addi %shift_right_logical3A_18, %add3A_1128 : vector<16xi32>
    %gather3A_1130 = tpu.vector_load_idx %arg5[%add3A_1129] : memref<256xi32, #tpu.memory_space<vmem>>[vector<16xi32>], vector<16xi32>,
    %shift_left3A_1131 = arith.constant 3 : i32
    %shift_left3A_1132 = vector.broadcast %shift_left3A_1131 : i32 to vector<16xi32>
    %shift_left3A_1133 = arith.shli %gather3A_1130, %shift_left3A_1132 : vector<16xi32>
    %add3A_1134 = arith.addi %shift_left3A_1133, %add3A_25 : vector<16xi32>
    %swap3A_1135 = arith.constant 11 : i32
    %swap3A_1136 = arith.index_cast %swap3A_1135 : i32 to index
    %swap3A_1137 = arith.constant 64 : index
    %swap3A_1138 = tpu.vector_load %arg6[%swap3A_1136, %swap3A_1137] {strides = array<i32>} : memref<16x128xi32, #tpu.memory_space<vmem>>, vector<16xi32>,
    tpu.vector_store %arg6[%swap3A_1136, %swap3A_1137], %add3A_1134 {strides = array<i32>} : memref<16x128xi32, #tpu.memory_space<vmem>>, vector<16xi32>,
    %add3A_1139 = arith.constant 186 : i32
    %add3A_1140 = vector.broadcast %add3A_1139 : i32 to vector<16xi32>
    %add3A_1141 = arith.addi %shift_right_logical3A_18, %add3A_1140 : vector<16xi32>
    %gather3A_1142 = tpu.vector_load_idx %arg5[%add3A_1141] : memref<256xi32, #tpu.memory_space<vmem>>[vector<16xi32>], vector<16xi32>,
    %shift_left3A_1143 = arith.constant 3 : i32
    %shift_left3A_1144 = vector.broadcast %shift_left3A_1143 : i32 to vector<16xi32>
    %shift_left3A_1145 = arith.shli %gather3A_1142, %shift_left3A_1144 : vector<16xi32>
    %add3A_1146 = arith.addi %shift_left3A_1145, %add3A_25 : vector<16xi32>
    %swap3A_1147 = arith.constant 11 : i32
    %swap3A_1148 = arith.index_cast %swap3A_1147 : i32 to index
    %swap3A_1149 = arith.constant 80 : index
    %swap3A_1150 = tpu.vector_load %arg6[%swap3A_1148, %swap3A_1149] {strides = array<i32>} : memref<16x128xi32, #tpu.memory_space<vmem>>, vector<16xi32>,
    tpu.vector_store %arg6[%swap3A_1148, %swap3A_1149], %add3A_1146 {strides = array<i32>} : memref<16x128xi32, #tpu.memory_space<vmem>>, vector<16xi32>,
    %add3A_1151 = arith.constant 188 : i32
    %add3A_1152 = vector.broadcast %add3A_1151 : i32 to vector<16xi32>
    %add3A_1153 = arith.addi %shift_right_logical3A_18, %add3A_1152 : vector<16xi32>
    %gather3A_1154 = tpu.vector_load_idx %arg5[%add3A_1153] : memref<256xi32, #tpu.memory_space<vmem>>[vector<16xi32>], vector<16xi32>,
    %shift_left3A_1155 = arith.constant 3 : i32
    %shift_left3A_1156 = vector.broadcast %shift_left3A_1155 : i32 to vector<16xi32>
    %shift_left3A_1157 = arith.shli %gather3A_1154, %shift_left3A_1156 : vector<16xi32>
    %add3A_1158 = arith.addi %shift_left3A_1157, %add3A_25 : vector<16xi32>
    %swap3A_1159 = arith.constant 11 : i32
    %swap3A_1160 = arith.index_cast %swap3A_1159 : i32 to index
    %swap3A_1161 = arith.constant 96 : index
    %swap3A_1162 = tpu.vector_load %arg6[%swap3A_1160, %swap3A_1161] {strides = array<i32>} : memref<16x128xi32, #tpu.memory_space<vmem>>, vector<16xi32>,
    tpu.vector_store %arg6[%swap3A_1160, %swap3A_1161], %add3A_1158 {strides = array<i32>} : memref<16x128xi32, #tpu.memory_space<vmem>>, vector<16xi32>,
    %add3A_1163 = arith.constant 190 : i32
    %add3A_1164 = vector.broadcast %add3A_1163 : i32 to vector<16xi32>
    %add3A_1165 = arith.addi %shift_right_logical3A_18, %add3A_1164 : vector<16xi32>
    %gather3A_1166 = tpu.vector_load_idx %arg5[%add3A_1165] : memref<256xi32, #tpu.memory_space<vmem>>[vector<16xi32>], vector<16xi32>,
    %shift_left3A_1167 = arith.constant 3 : i32
    %shift_left3A_1168 = vector.broadcast %shift_left3A_1167 : i32 to vector<16xi32>
    %shift_left3A_1169 = arith.shli %gather3A_1166, %shift_left3A_1168 : vector<16xi32>
    %add3A_1170 = arith.addi %shift_left3A_1169, %add3A_25 : vector<16xi32>
    %swap3A_1171 = arith.constant 11 : i32
    %swap3A_1172 = arith.index_cast %swap3A_1171 : i32 to index
    %swap3A_1173 = arith.constant 112 : index
    %swap3A_1174 = tpu.vector_load %arg6[%swap3A_1172, %swap3A_1173] {strides = array<i32>} : memref<16x128xi32, #tpu.memory_space<vmem>>, vector<16xi32>,
    tpu.vector_store %arg6[%swap3A_1172, %swap3A_1173], %add3A_1170 {strides = array<i32>} : memref<16x128xi32, #tpu.memory_space<vmem>>, vector<16xi32>,
    %add3A_1175 = arith.constant 192 : i32
    %add3A_1176 = vector.broadcast %add3A_1175 : i32 to vector<16xi32>
    %add3A_1177 = arith.addi %shift_right_logical3A_18, %add3A_1176 : vector<16xi32>
    %gather3A_1178 = tpu.vector_load_idx %arg5[%add3A_1177] : memref<256xi32, #tpu.memory_space<vmem>>[vector<16xi32>], vector<16xi32>,
    %shift_left3A_1179 = arith.constant 3 : i32
    %shift_left3A_1180 = vector.broadcast %shift_left3A_1179 : i32 to vector<16xi32>
    %shift_left3A_1181 = arith.shli %gather3A_1178, %shift_left3A_1180 : vector<16xi32>
    %add3A_1182 = arith.addi %shift_left3A_1181, %add3A_25 : vector<16xi32>
    %swap3A_1183 = arith.constant 12 : i32
    %swap3A_1184 = arith.index_cast %swap3A_1183 : i32 to index
    %swap3A_1185 = arith.constant 0 : index
    %swap3A_1186 = tpu.vector_load %arg6[%swap3A_1184, %swap3A_1185] {strides = array<i32>} : memref<16x128xi32, #tpu.memory_space<vmem>>, vector<16xi32>,
    tpu.vector_store %arg6[%swap3A_1184, %swap3A_1185], %add3A_1182 {strides = array<i32>} : memref<16x128xi32, #tpu.memory_space<vmem>>, vector<16xi32>,
    %add3A_1187 = arith.constant 194 : i32
    %add3A_1188 = vector.broadcast %add3A_1187 : i32 to vector<16xi32>
    %add3A_1189 = arith.addi %shift_right_logical3A_18, %add3A_1188 : vector<16xi32>
    %gather3A_1190 = tpu.vector_load_idx %arg5[%add3A_1189] : memref<256xi32, #tpu.memory_space<vmem>>[vector<16xi32>], vector<16xi32>,
    %shift_left3A_1191 = arith.constant 3 : i32
    %shift_left3A_1192 = vector.broadcast %shift_left3A_1191 : i32 to vector<16xi32>
    %shift_left3A_1193 = arith.shli %gather3A_1190, %shift_left3A_1192 : vector<16xi32>
    %add3A_1194 = arith.addi %shift_left3A_1193, %add3A_25 : vector<16xi32>
    %swap3A_1195 = arith.constant 12 : i32
    %swap3A_1196 = arith.index_cast %swap3A_1195 : i32 to index
    %swap3A_1197 = arith.constant 16 : index
    %swap3A_1198 = tpu.vector_load %arg6[%swap3A_1196, %swap3A_1197] {strides = array<i32>} : memref<16x128xi32, #tpu.memory_space<vmem>>, vector<16xi32>,
    tpu.vector_store %arg6[%swap3A_1196, %swap3A_1197], %add3A_1194 {strides = array<i32>} : memref<16x128xi32, #tpu.memory_space<vmem>>, vector<16xi32>,
    %add3A_1199 = arith.constant 196 : i32
    %add3A_1200 = vector.broadcast %add3A_1199 : i32 to vector<16xi32>
    %add3A_1201 = arith.addi %shift_right_logical3A_18, %add3A_1200 : vector<16xi32>
    %gather3A_1202 = tpu.vector_load_idx %arg5[%add3A_1201] : memref<256xi32, #tpu.memory_space<vmem>>[vector<16xi32>], vector<16xi32>,
    %shift_left3A_1203 = arith.constant 3 : i32
    %shift_left3A_1204 = vector.broadcast %shift_left3A_1203 : i32 to vector<16xi32>
    %shift_left3A_1205 = arith.shli %gather3A_1202, %shift_left3A_1204 : vector<16xi32>
    %add3A_1206 = arith.addi %shift_left3A_1205, %add3A_25 : vector<16xi32>
    %swap3A_1207 = arith.constant 12 : i32
    %swap3A_1208 = arith.index_cast %swap3A_1207 : i32 to index
    %swap3A_1209 = arith.constant 32 : index
    %swap3A_1210 = tpu.vector_load %arg6[%swap3A_1208, %swap3A_1209] {strides = array<i32>} : memref<16x128xi32, #tpu.memory_space<vmem>>, vector<16xi32>,
    tpu.vector_store %arg6[%swap3A_1208, %swap3A_1209], %add3A_1206 {strides = array<i32>} : memref<16x128xi32, #tpu.memory_space<vmem>>, vector<16xi32>,
    %add3A_1211 = arith.constant 198 : i32
    %add3A_1212 = vector.broadcast %add3A_1211 : i32 to vector<16xi32>
    %add3A_1213 = arith.addi %shift_right_logical3A_18, %add3A_1212 : vector<16xi32>
    %gather3A_1214 = tpu.vector_load_idx %arg5[%add3A_1213] : memref<256xi32, #tpu.memory_space<vmem>>[vector<16xi32>], vector<16xi32>,
    %shift_left3A_1215 = arith.constant 3 : i32
    %shift_left3A_1216 = vector.broadcast %shift_left3A_1215 : i32 to vector<16xi32>
    %shift_left3A_1217 = arith.shli %gather3A_1214, %shift_left3A_1216 : vector<16xi32>
    %add3A_1218 = arith.addi %shift_left3A_1217, %add3A_25 : vector<16xi32>
    %swap3A_1219 = arith.constant 12 : i32
    %swap3A_1220 = arith.index_cast %swap3A_1219 : i32 to index
    %swap3A_1221 = arith.constant 48 : index
    %swap3A_1222 = tpu.vector_load %arg6[%swap3A_1220, %swap3A_1221] {strides = array<i32>} : memref<16x128xi32, #tpu.memory_space<vmem>>, vector<16xi32>,
    tpu.vector_store %arg6[%swap3A_1220, %swap3A_1221], %add3A_1218 {strides = array<i32>} : memref<16x128xi32, #tpu.memory_space<vmem>>, vector<16xi32>,
    %add3A_1223 = arith.constant 200 : i32
    %add3A_1224 = vector.broadcast %add3A_1223 : i32 to vector<16xi32>
    %add3A_1225 = arith.addi %shift_right_logical3A_18, %add3A_1224 : vector<16xi32>
    %gather3A_1226 = tpu.vector_load_idx %arg5[%add3A_1225] : memref<256xi32, #tpu.memory_space<vmem>>[vector<16xi32>], vector<16xi32>,
    %shift_left3A_1227 = arith.constant 3 : i32
    %shift_left3A_1228 = vector.broadcast %shift_left3A_1227 : i32 to vector<16xi32>
    %shift_left3A_1229 = arith.shli %gather3A_1226, %shift_left3A_1228 : vector<16xi32>
    %add3A_1230 = arith.addi %shift_left3A_1229, %add3A_25 : vector<16xi32>
    %swap3A_1231 = arith.constant 12 : i32
    %swap3A_1232 = arith.index_cast %swap3A_1231 : i32 to index
    %swap3A_1233 = arith.constant 64 : index
    %swap3A_1234 = tpu.vector_load %arg6[%swap3A_1232, %swap3A_1233] {strides = array<i32>} : memref<16x128xi32, #tpu.memory_space<vmem>>, vector<16xi32>,
    tpu.vector_store %arg6[%swap3A_1232, %swap3A_1233], %add3A_1230 {strides = array<i32>} : memref<16x128xi32, #tpu.memory_space<vmem>>, vector<16xi32>,
    %add3A_1235 = arith.constant 202 : i32
    %add3A_1236 = vector.broadcast %add3A_1235 : i32 to vector<16xi32>
    %add3A_1237 = arith.addi %shift_right_logical3A_18, %add3A_1236 : vector<16xi32>
    %gather3A_1238 = tpu.vector_load_idx %arg5[%add3A_1237] : memref<256xi32, #tpu.memory_space<vmem>>[vector<16xi32>], vector<16xi32>,
    %shift_left3A_1239 = arith.constant 3 : i32
    %shift_left3A_1240 = vector.broadcast %shift_left3A_1239 : i32 to vector<16xi32>
    %shift_left3A_1241 = arith.shli %gather3A_1238, %shift_left3A_1240 : vector<16xi32>
    %add3A_1242 = arith.addi %shift_left3A_1241, %add3A_25 : vector<16xi32>
    %swap3A_1243 = arith.constant 12 : i32
    %swap3A_1244 = arith.index_cast %swap3A_1243 : i32 to index
    %swap3A_1245 = arith.constant 80 : index
    %swap3A_1246 = tpu.vector_load %arg6[%swap3A_1244, %swap3A_1245] {strides = array<i32>} : memref<16x128xi32, #tpu.memory_space<vmem>>, vector<16xi32>,
    tpu.vector_store %arg6[%swap3A_1244, %swap3A_1245], %add3A_1242 {strides = array<i32>} : memref<16x128xi32, #tpu.memory_space<vmem>>, vector<16xi32>,
    %add3A_1247 = arith.constant 204 : i32
    %add3A_1248 = vector.broadcast %add3A_1247 : i32 to vector<16xi32>
    %add3A_1249 = arith.addi %shift_right_logical3A_18, %add3A_1248 : vector<16xi32>
    %gather3A_1250 = tpu.vector_load_idx %arg5[%add3A_1249] : memref<256xi32, #tpu.memory_space<vmem>>[vector<16xi32>], vector<16xi32>,
    %shift_left3A_1251 = arith.constant 3 : i32
    %shift_left3A_1252 = vector.broadcast %shift_left3A_1251 : i32 to vector<16xi32>
    %shift_left3A_1253 = arith.shli %gather3A_1250, %shift_left3A_1252 : vector<16xi32>
    %add3A_1254 = arith.addi %shift_left3A_1253, %add3A_25 : vector<16xi32>
    %swap3A_1255 = arith.constant 12 : i32
    %swap3A_1256 = arith.index_cast %swap3A_1255 : i32 to index
    %swap3A_1257 = arith.constant 96 : index
    %swap3A_1258 = tpu.vector_load %arg6[%swap3A_1256, %swap3A_1257] {strides = array<i32>} : memref<16x128xi32, #tpu.memory_space<vmem>>, vector<16xi32>,
    tpu.vector_store %arg6[%swap3A_1256, %swap3A_1257], %add3A_1254 {strides = array<i32>} : memref<16x128xi32, #tpu.memory_space<vmem>>, vector<16xi32>,
    %add3A_1259 = arith.constant 206 : i32
    %add3A_1260 = vector.broadcast %add3A_1259 : i32 to vector<16xi32>
    %add3A_1261 = arith.addi %shift_right_logical3A_18, %add3A_1260 : vector<16xi32>
    %gather3A_1262 = tpu.vector_load_idx %arg5[%add3A_1261] : memref<256xi32, #tpu.memory_space<vmem>>[vector<16xi32>], vector<16xi32>,
    %shift_left3A_1263 = arith.constant 3 : i32
    %shift_left3A_1264 = vector.broadcast %shift_left3A_1263 : i32 to vector<16xi32>
    %shift_left3A_1265 = arith.shli %gather3A_1262, %shift_left3A_1264 : vector<16xi32>
    %add3A_1266 = arith.addi %shift_left3A_1265, %add3A_25 : vector<16xi32>
    %swap3A_1267 = arith.constant 12 : i32
    %swap3A_1268 = arith.index_cast %swap3A_1267 : i32 to index
    %swap3A_1269 = arith.constant 112 : index
    %swap3A_1270 = tpu.vector_load %arg6[%swap3A_1268, %swap3A_1269] {strides = array<i32>} : memref<16x128xi32, #tpu.memory_space<vmem>>, vector<16xi32>,
    tpu.vector_store %arg6[%swap3A_1268, %swap3A_1269], %add3A_1266 {strides = array<i32>} : memref<16x128xi32, #tpu.memory_space<vmem>>, vector<16xi32>,
    %add3A_1271 = arith.constant 208 : i32
    %add3A_1272 = vector.broadcast %add3A_1271 : i32 to vector<16xi32>
    %add3A_1273 = arith.addi %shift_right_logical3A_18, %add3A_1272 : vector<16xi32>
    %gather3A_1274 = tpu.vector_load_idx %arg5[%add3A_1273] : memref<256xi32, #tpu.memory_space<vmem>>[vector<16xi32>], vector<16xi32>,
    %shift_left3A_1275 = arith.constant 3 : i32
    %shift_left3A_1276 = vector.broadcast %shift_left3A_1275 : i32 to vector<16xi32>
    %shift_left3A_1277 = arith.shli %gather3A_1274, %shift_left3A_1276 : vector<16xi32>
    %add3A_1278 = arith.addi %shift_left3A_1277, %add3A_25 : vector<16xi32>
    %swap3A_1279 = arith.constant 13 : i32
    %swap3A_1280 = arith.index_cast %swap3A_1279 : i32 to index
    %swap3A_1281 = arith.constant 0 : index
    %swap3A_1282 = tpu.vector_load %arg6[%swap3A_1280, %swap3A_1281] {strides = array<i32>} : memref<16x128xi32, #tpu.memory_space<vmem>>, vector<16xi32>,
    tpu.vector_store %arg6[%swap3A_1280, %swap3A_1281], %add3A_1278 {strides = array<i32>} : memref<16x128xi32, #tpu.memory_space<vmem>>, vector<16xi32>,
    %add3A_1283 = arith.constant 210 : i32
    %add3A_1284 = vector.broadcast %add3A_1283 : i32 to vector<16xi32>
    %add3A_1285 = arith.addi %shift_right_logical3A_18, %add3A_1284 : vector<16xi32>
    %gather3A_1286 = tpu.vector_load_idx %arg5[%add3A_1285] : memref<256xi32, #tpu.memory_space<vmem>>[vector<16xi32>], vector<16xi32>,
    %shift_left3A_1287 = arith.constant 3 : i32
    %shift_left3A_1288 = vector.broadcast %shift_left3A_1287 : i32 to vector<16xi32>
    %shift_left3A_1289 = arith.shli %gather3A_1286, %shift_left3A_1288 : vector<16xi32>
    %add3A_1290 = arith.addi %shift_left3A_1289, %add3A_25 : vector<16xi32>
    %swap3A_1291 = arith.constant 13 : i32
    %swap3A_1292 = arith.index_cast %swap3A_1291 : i32 to index
    %swap3A_1293 = arith.constant 16 : index
    %swap3A_1294 = tpu.vector_load %arg6[%swap3A_1292, %swap3A_1293] {strides = array<i32>} : memref<16x128xi32, #tpu.memory_space<vmem>>, vector<16xi32>,
    tpu.vector_store %arg6[%swap3A_1292, %swap3A_1293], %add3A_1290 {strides = array<i32>} : memref<16x128xi32, #tpu.memory_space<vmem>>, vector<16xi32>,
    %add3A_1295 = arith.constant 212 : i32
    %add3A_1296 = vector.broadcast %add3A_1295 : i32 to vector<16xi32>
    %add3A_1297 = arith.addi %shift_right_logical3A_18, %add3A_1296 : vector<16xi32>
    %gather3A_1298 = tpu.vector_load_idx %arg5[%add3A_1297] : memref<256xi32, #tpu.memory_space<vmem>>[vector<16xi32>], vector<16xi32>,
    %shift_left3A_1299 = arith.constant 3 : i32
    %shift_left3A_1300 = vector.broadcast %shift_left3A_1299 : i32 to vector<16xi32>
    %shift_left3A_1301 = arith.shli %gather3A_1298, %shift_left3A_1300 : vector<16xi32>
    %add3A_1302 = arith.addi %shift_left3A_1301, %add3A_25 : vector<16xi32>
    %swap3A_1303 = arith.constant 13 : i32
    %swap3A_1304 = arith.index_cast %swap3A_1303 : i32 to index
    %swap3A_1305 = arith.constant 32 : index
    %swap3A_1306 = tpu.vector_load %arg6[%swap3A_1304, %swap3A_1305] {strides = array<i32>} : memref<16x128xi32, #tpu.memory_space<vmem>>, vector<16xi32>,
    tpu.vector_store %arg6[%swap3A_1304, %swap3A_1305], %add3A_1302 {strides = array<i32>} : memref<16x128xi32, #tpu.memory_space<vmem>>, vector<16xi32>,
    %add3A_1307 = arith.constant 214 : i32
    %add3A_1308 = vector.broadcast %add3A_1307 : i32 to vector<16xi32>
    %add3A_1309 = arith.addi %shift_right_logical3A_18, %add3A_1308 : vector<16xi32>
    %gather3A_1310 = tpu.vector_load_idx %arg5[%add3A_1309] : memref<256xi32, #tpu.memory_space<vmem>>[vector<16xi32>], vector<16xi32>,
    %shift_left3A_1311 = arith.constant 3 : i32
    %shift_left3A_1312 = vector.broadcast %shift_left3A_1311 : i32 to vector<16xi32>
    %shift_left3A_1313 = arith.shli %gather3A_1310, %shift_left3A_1312 : vector<16xi32>
    %add3A_1314 = arith.addi %shift_left3A_1313, %add3A_25 : vector<16xi32>
    %swap3A_1315 = arith.constant 13 : i32
    %swap3A_1316 = arith.index_cast %swap3A_1315 : i32 to index
    %swap3A_1317 = arith.constant 48 : index
    %swap3A_1318 = tpu.vector_load %arg6[%swap3A_1316, %swap3A_1317] {strides = array<i32>} : memref<16x128xi32, #tpu.memory_space<vmem>>, vector<16xi32>,
    tpu.vector_store %arg6[%swap3A_1316, %swap3A_1317], %add3A_1314 {strides = array<i32>} : memref<16x128xi32, #tpu.memory_space<vmem>>, vector<16xi32>,
    %add3A_1319 = arith.constant 216 : i32
    %add3A_1320 = vector.broadcast %add3A_1319 : i32 to vector<16xi32>
    %add3A_1321 = arith.addi %shift_right_logical3A_18, %add3A_1320 : vector<16xi32>
    %gather3A_1322 = tpu.vector_load_idx %arg5[%add3A_1321] : memref<256xi32, #tpu.memory_space<vmem>>[vector<16xi32>], vector<16xi32>,
    %shift_left3A_1323 = arith.constant 3 : i32
    %shift_left3A_1324 = vector.broadcast %shift_left3A_1323 : i32 to vector<16xi32>
    %shift_left3A_1325 = arith.shli %gather3A_1322, %shift_left3A_1324 : vector<16xi32>
    %add3A_1326 = arith.addi %shift_left3A_1325, %add3A_25 : vector<16xi32>
    %swap3A_1327 = arith.constant 13 : i32
    %swap3A_1328 = arith.index_cast %swap3A_1327 : i32 to index
    %swap3A_1329 = arith.constant 64 : index
    %swap3A_1330 = tpu.vector_load %arg6[%swap3A_1328, %swap3A_1329] {strides = array<i32>} : memref<16x128xi32, #tpu.memory_space<vmem>>, vector<16xi32>,
    tpu.vector_store %arg6[%swap3A_1328, %swap3A_1329], %add3A_1326 {strides = array<i32>} : memref<16x128xi32, #tpu.memory_space<vmem>>, vector<16xi32>,
    %add3A_1331 = arith.constant 218 : i32
    %add3A_1332 = vector.broadcast %add3A_1331 : i32 to vector<16xi32>
    %add3A_1333 = arith.addi %shift_right_logical3A_18, %add3A_1332 : vector<16xi32>
    %gather3A_1334 = tpu.vector_load_idx %arg5[%add3A_1333] : memref<256xi32, #tpu.memory_space<vmem>>[vector<16xi32>], vector<16xi32>,
    %shift_left3A_1335 = arith.constant 3 : i32
    %shift_left3A_1336 = vector.broadcast %shift_left3A_1335 : i32 to vector<16xi32>
    %shift_left3A_1337 = arith.shli %gather3A_1334, %shift_left3A_1336 : vector<16xi32>
    %add3A_1338 = arith.addi %shift_left3A_1337, %add3A_25 : vector<16xi32>
    %swap3A_1339 = arith.constant 13 : i32
    %swap3A_1340 = arith.index_cast %swap3A_1339 : i32 to index
    %swap3A_1341 = arith.constant 80 : index
    %swap3A_1342 = tpu.vector_load %arg6[%swap3A_1340, %swap3A_1341] {strides = array<i32>} : memref<16x128xi32, #tpu.memory_space<vmem>>, vector<16xi32>,
    tpu.vector_store %arg6[%swap3A_1340, %swap3A_1341], %add3A_1338 {strides = array<i32>} : memref<16x128xi32, #tpu.memory_space<vmem>>, vector<16xi32>,
    %add3A_1343 = arith.constant 220 : i32
    %add3A_1344 = vector.broadcast %add3A_1343 : i32 to vector<16xi32>
    %add3A_1345 = arith.addi %shift_right_logical3A_18, %add3A_1344 : vector<16xi32>
    %gather3A_1346 = tpu.vector_load_idx %arg5[%add3A_1345] : memref<256xi32, #tpu.memory_space<vmem>>[vector<16xi32>], vector<16xi32>,
    %shift_left3A_1347 = arith.constant 3 : i32
    %shift_left3A_1348 = vector.broadcast %shift_left3A_1347 : i32 to vector<16xi32>
    %shift_left3A_1349 = arith.shli %gather3A_1346, %shift_left3A_1348 : vector<16xi32>
    %add3A_1350 = arith.addi %shift_left3A_1349, %add3A_25 : vector<16xi32>
    %swap3A_1351 = arith.constant 13 : i32
    %swap3A_1352 = arith.index_cast %swap3A_1351 : i32 to index
    %swap3A_1353 = arith.constant 96 : index
    %swap3A_1354 = tpu.vector_load %arg6[%swap3A_1352, %swap3A_1353] {strides = array<i32>} : memref<16x128xi32, #tpu.memory_space<vmem>>, vector<16xi32>,
    tpu.vector_store %arg6[%swap3A_1352, %swap3A_1353], %add3A_1350 {strides = array<i32>} : memref<16x128xi32, #tpu.memory_space<vmem>>, vector<16xi32>,
    %add3A_1355 = arith.constant 222 : i32
    %add3A_1356 = vector.broadcast %add3A_1355 : i32 to vector<16xi32>
    %add3A_1357 = arith.addi %shift_right_logical3A_18, %add3A_1356 : vector<16xi32>
    %gather3A_1358 = tpu.vector_load_idx %arg5[%add3A_1357] : memref<256xi32, #tpu.memory_space<vmem>>[vector<16xi32>], vector<16xi32>,
    %shift_left3A_1359 = arith.constant 3 : i32
    %shift_left3A_1360 = vector.broadcast %shift_left3A_1359 : i32 to vector<16xi32>
    %shift_left3A_1361 = arith.shli %gather3A_1358, %shift_left3A_1360 : vector<16xi32>
    %add3A_1362 = arith.addi %shift_left3A_1361, %add3A_25 : vector<16xi32>
    %swap3A_1363 = arith.constant 13 : i32
    %swap3A_1364 = arith.index_cast %swap3A_1363 : i32 to index
    %swap3A_1365 = arith.constant 112 : index
    %swap3A_1366 = tpu.vector_load %arg6[%swap3A_1364, %swap3A_1365] {strides = array<i32>} : memref<16x128xi32, #tpu.memory_space<vmem>>, vector<16xi32>,
    tpu.vector_store %arg6[%swap3A_1364, %swap3A_1365], %add3A_1362 {strides = array<i32>} : memref<16x128xi32, #tpu.memory_space<vmem>>, vector<16xi32>,
    %add3A_1367 = arith.constant 224 : i32
    %add3A_1368 = vector.broadcast %add3A_1367 : i32 to vector<16xi32>
    %add3A_1369 = arith.addi %shift_right_logical3A_18, %add3A_1368 : vector<16xi32>
    %gather3A_1370 = tpu.vector_load_idx %arg5[%add3A_1369] : memref<256xi32, #tpu.memory_space<vmem>>[vector<16xi32>], vector<16xi32>,
    %shift_left3A_1371 = arith.constant 3 : i32
    %shift_left3A_1372 = vector.broadcast %shift_left3A_1371 : i32 to vector<16xi32>
    %shift_left3A_1373 = arith.shli %gather3A_1370, %shift_left3A_1372 : vector<16xi32>
    %add3A_1374 = arith.addi %shift_left3A_1373, %add3A_25 : vector<16xi32>
    %swap3A_1375 = arith.constant 14 : i32
    %swap3A_1376 = arith.index_cast %swap3A_1375 : i32 to index
    %swap3A_1377 = arith.constant 0 : index
    %swap3A_1378 = tpu.vector_load %arg6[%swap3A_1376, %swap3A_1377] {strides = array<i32>} : memref<16x128xi32, #tpu.memory_space<vmem>>, vector<16xi32>,
    tpu.vector_store %arg6[%swap3A_1376, %swap3A_1377], %add3A_1374 {strides = array<i32>} : memref<16x128xi32, #tpu.memory_space<vmem>>, vector<16xi32>,
    %add3A_1379 = arith.constant 226 : i32
    %add3A_1380 = vector.broadcast %add3A_1379 : i32 to vector<16xi32>
    %add3A_1381 = arith.addi %shift_right_logical3A_18, %add3A_1380 : vector<16xi32>
    %gather3A_1382 = tpu.vector_load_idx %arg5[%add3A_1381] : memref<256xi32, #tpu.memory_space<vmem>>[vector<16xi32>], vector<16xi32>,
    %shift_left3A_1383 = arith.constant 3 : i32
    %shift_left3A_1384 = vector.broadcast %shift_left3A_1383 : i32 to vector<16xi32>
    %shift_left3A_1385 = arith.shli %gather3A_1382, %shift_left3A_1384 : vector<16xi32>
    %add3A_1386 = arith.addi %shift_left3A_1385, %add3A_25 : vector<16xi32>
    %swap3A_1387 = arith.constant 14 : i32
    %swap3A_1388 = arith.index_cast %swap3A_1387 : i32 to index
    %swap3A_1389 = arith.constant 16 : index
    %swap3A_1390 = tpu.vector_load %arg6[%swap3A_1388, %swap3A_1389] {strides = array<i32>} : memref<16x128xi32, #tpu.memory_space<vmem>>, vector<16xi32>,
    tpu.vector_store %arg6[%swap3A_1388, %swap3A_1389], %add3A_1386 {strides = array<i32>} : memref<16x128xi32, #tpu.memory_space<vmem>>, vector<16xi32>,
    %add3A_1391 = arith.constant 228 : i32
    %add3A_1392 = vector.broadcast %add3A_1391 : i32 to vector<16xi32>
    %add3A_1393 = arith.addi %shift_right_logical3A_18, %add3A_1392 : vector<16xi32>
    %gather3A_1394 = tpu.vector_load_idx %arg5[%add3A_1393] : memref<256xi32, #tpu.memory_space<vmem>>[vector<16xi32>], vector<16xi32>,
    %shift_left3A_1395 = arith.constant 3 : i32
    %shift_left3A_1396 = vector.broadcast %shift_left3A_1395 : i32 to vector<16xi32>
    %shift_left3A_1397 = arith.shli %gather3A_1394, %shift_left3A_1396 : vector<16xi32>
    %add3A_1398 = arith.addi %shift_left3A_1397, %add3A_25 : vector<16xi32>
    %swap3A_1399 = arith.constant 14 : i32
    %swap3A_1400 = arith.index_cast %swap3A_1399 : i32 to index
    %swap3A_1401 = arith.constant 32 : index
    %swap3A_1402 = tpu.vector_load %arg6[%swap3A_1400, %swap3A_1401] {strides = array<i32>} : memref<16x128xi32, #tpu.memory_space<vmem>>, vector<16xi32>,
    tpu.vector_store %arg6[%swap3A_1400, %swap3A_1401], %add3A_1398 {strides = array<i32>} : memref<16x128xi32, #tpu.memory_space<vmem>>, vector<16xi32>,
    %add3A_1403 = arith.constant 230 : i32
    %add3A_1404 = vector.broadcast %add3A_1403 : i32 to vector<16xi32>
    %add3A_1405 = arith.addi %shift_right_logical3A_18, %add3A_1404 : vector<16xi32>
    %gather3A_1406 = tpu.vector_load_idx %arg5[%add3A_1405] : memref<256xi32, #tpu.memory_space<vmem>>[vector<16xi32>], vector<16xi32>,
    %shift_left3A_1407 = arith.constant 3 : i32
    %shift_left3A_1408 = vector.broadcast %shift_left3A_1407 : i32 to vector<16xi32>
    %shift_left3A_1409 = arith.shli %gather3A_1406, %shift_left3A_1408 : vector<16xi32>
    %add3A_1410 = arith.addi %shift_left3A_1409, %add3A_25 : vector<16xi32>
    %swap3A_1411 = arith.constant 14 : i32
    %swap3A_1412 = arith.index_cast %swap3A_1411 : i32 to index
    %swap3A_1413 = arith.constant 48 : index
    %swap3A_1414 = tpu.vector_load %arg6[%swap3A_1412, %swap3A_1413] {strides = array<i32>} : memref<16x128xi32, #tpu.memory_space<vmem>>, vector<16xi32>,
    tpu.vector_store %arg6[%swap3A_1412, %swap3A_1413], %add3A_1410 {strides = array<i32>} : memref<16x128xi32, #tpu.memory_space<vmem>>, vector<16xi32>,
    %add3A_1415 = arith.constant 232 : i32
    %add3A_1416 = vector.broadcast %add3A_1415 : i32 to vector<16xi32>
    %add3A_1417 = arith.addi %shift_right_logical3A_18, %add3A_1416 : vector<16xi32>
    %gather3A_1418 = tpu.vector_load_idx %arg5[%add3A_1417] : memref<256xi32, #tpu.memory_space<vmem>>[vector<16xi32>], vector<16xi32>,
    %shift_left3A_1419 = arith.constant 3 : i32
    %shift_left3A_1420 = vector.broadcast %shift_left3A_1419 : i32 to vector<16xi32>
    %shift_left3A_1421 = arith.shli %gather3A_1418, %shift_left3A_1420 : vector<16xi32>
    %add3A_1422 = arith.addi %shift_left3A_1421, %add3A_25 : vector<16xi32>
    %swap3A_1423 = arith.constant 14 : i32
    %swap3A_1424 = arith.index_cast %swap3A_1423 : i32 to index
    %swap3A_1425 = arith.constant 64 : index
    %swap3A_1426 = tpu.vector_load %arg6[%swap3A_1424, %swap3A_1425] {strides = array<i32>} : memref<16x128xi32, #tpu.memory_space<vmem>>, vector<16xi32>,
    tpu.vector_store %arg6[%swap3A_1424, %swap3A_1425], %add3A_1422 {strides = array<i32>} : memref<16x128xi32, #tpu.memory_space<vmem>>, vector<16xi32>,
    %add3A_1427 = arith.constant 234 : i32
    %add3A_1428 = vector.broadcast %add3A_1427 : i32 to vector<16xi32>
    %add3A_1429 = arith.addi %shift_right_logical3A_18, %add3A_1428 : vector<16xi32>
    %gather3A_1430 = tpu.vector_load_idx %arg5[%add3A_1429] : memref<256xi32, #tpu.memory_space<vmem>>[vector<16xi32>], vector<16xi32>,
    %shift_left3A_1431 = arith.constant 3 : i32
    %shift_left3A_1432 = vector.broadcast %shift_left3A_1431 : i32 to vector<16xi32>
    %shift_left3A_1433 = arith.shli %gather3A_1430, %shift_left3A_1432 : vector<16xi32>
    %add3A_1434 = arith.addi %shift_left3A_1433, %add3A_25 : vector<16xi32>
    %swap3A_1435 = arith.constant 14 : i32
    %swap3A_1436 = arith.index_cast %swap3A_1435 : i32 to index
    %swap3A_1437 = arith.constant 80 : index
    %swap3A_1438 = tpu.vector_load %arg6[%swap3A_1436, %swap3A_1437] {strides = array<i32>} : memref<16x128xi32, #tpu.memory_space<vmem>>, vector<16xi32>,
    tpu.vector_store %arg6[%swap3A_1436, %swap3A_1437], %add3A_1434 {strides = array<i32>} : memref<16x128xi32, #tpu.memory_space<vmem>>, vector<16xi32>,
    %add3A_1439 = arith.constant 236 : i32
    %add3A_1440 = vector.broadcast %add3A_1439 : i32 to vector<16xi32>
    %add3A_1441 = arith.addi %shift_right_logical3A_18, %add3A_1440 : vector<16xi32>
    %gather3A_1442 = tpu.vector_load_idx %arg5[%add3A_1441] : memref<256xi32, #tpu.memory_space<vmem>>[vector<16xi32>], vector<16xi32>,
    %shift_left3A_1443 = arith.constant 3 : i32
    %shift_left3A_1444 = vector.broadcast %shift_left3A_1443 : i32 to vector<16xi32>
    %shift_left3A_1445 = arith.shli %gather3A_1442, %shift_left3A_1444 : vector<16xi32>
    %add3A_1446 = arith.addi %shift_left3A_1445, %add3A_25 : vector<16xi32>
    %swap3A_1447 = arith.constant 14 : i32
    %swap3A_1448 = arith.index_cast %swap3A_1447 : i32 to index
    %swap3A_1449 = arith.constant 96 : index
    %swap3A_1450 = tpu.vector_load %arg6[%swap3A_1448, %swap3A_1449] {strides = array<i32>} : memref<16x128xi32, #tpu.memory_space<vmem>>, vector<16xi32>,
    tpu.vector_store %arg6[%swap3A_1448, %swap3A_1449], %add3A_1446 {strides = array<i32>} : memref<16x128xi32, #tpu.memory_space<vmem>>, vector<16xi32>,
    %add3A_1451 = arith.constant 238 : i32
    %add3A_1452 = vector.broadcast %add3A_1451 : i32 to vector<16xi32>
    %add3A_1453 = arith.addi %shift_right_logical3A_18, %add3A_1452 : vector<16xi32>
    %gather3A_1454 = tpu.vector_load_idx %arg5[%add3A_1453] : memref<256xi32, #tpu.memory_space<vmem>>[vector<16xi32>], vector<16xi32>,
    %shift_left3A_1455 = arith.constant 3 : i32
    %shift_left3A_1456 = vector.broadcast %shift_left3A_1455 : i32 to vector<16xi32>
    %shift_left3A_1457 = arith.shli %gather3A_1454, %shift_left3A_1456 : vector<16xi32>
    %add3A_1458 = arith.addi %shift_left3A_1457, %add3A_25 : vector<16xi32>
    %swap3A_1459 = arith.constant 14 : i32
    %swap3A_1460 = arith.index_cast %swap3A_1459 : i32 to index
    %swap3A_1461 = arith.constant 112 : index
    %swap3A_1462 = tpu.vector_load %arg6[%swap3A_1460, %swap3A_1461] {strides = array<i32>} : memref<16x128xi32, #tpu.memory_space<vmem>>, vector<16xi32>,
    tpu.vector_store %arg6[%swap3A_1460, %swap3A_1461], %add3A_1458 {strides = array<i32>} : memref<16x128xi32, #tpu.memory_space<vmem>>, vector<16xi32>,
    %add3A_1463 = arith.constant 240 : i32
    %add3A_1464 = vector.broadcast %add3A_1463 : i32 to vector<16xi32>
    %add3A_1465 = arith.addi %shift_right_logical3A_18, %add3A_1464 : vector<16xi32>
    %gather3A_1466 = tpu.vector_load_idx %arg5[%add3A_1465] : memref<256xi32, #tpu.memory_space<vmem>>[vector<16xi32>], vector<16xi32>,
    %shift_left3A_1467 = arith.constant 3 : i32
    %shift_left3A_1468 = vector.broadcast %shift_left3A_1467 : i32 to vector<16xi32>
    %shift_left3A_1469 = arith.shli %gather3A_1466, %shift_left3A_1468 : vector<16xi32>
    %add3A_1470 = arith.addi %shift_left3A_1469, %add3A_25 : vector<16xi32>
    %swap3A_1471 = arith.constant 15 : i32
    %swap3A_1472 = arith.index_cast %swap3A_1471 : i32 to index
    %swap3A_1473 = arith.constant 0 : index
    %swap3A_1474 = tpu.vector_load %arg6[%swap3A_1472, %swap3A_1473] {strides = array<i32>} : memref<16x128xi32, #tpu.memory_space<vmem>>, vector<16xi32>,
    tpu.vector_store %arg6[%swap3A_1472, %swap3A_1473], %add3A_1470 {strides = array<i32>} : memref<16x128xi32, #tpu.memory_space<vmem>>, vector<16xi32>,
    %add3A_1475 = arith.constant 242 : i32
    %add3A_1476 = vector.broadcast %add3A_1475 : i32 to vector<16xi32>
    %add3A_1477 = arith.addi %shift_right_logical3A_18, %add3A_1476 : vector<16xi32>
    %gather3A_1478 = tpu.vector_load_idx %arg5[%add3A_1477] : memref<256xi32, #tpu.memory_space<vmem>>[vector<16xi32>], vector<16xi32>,
    %shift_left3A_1479 = arith.constant 3 : i32
    %shift_left3A_1480 = vector.broadcast %shift_left3A_1479 : i32 to vector<16xi32>
    %shift_left3A_1481 = arith.shli %gather3A_1478, %shift_left3A_1480 : vector<16xi32>
    %add3A_1482 = arith.addi %shift_left3A_1481, %add3A_25 : vector<16xi32>
    %swap3A_1483 = arith.constant 15 : i32
    %swap3A_1484 = arith.index_cast %swap3A_1483 : i32 to index
    %swap3A_1485 = arith.constant 16 : index
    %swap3A_1486 = tpu.vector_load %arg6[%swap3A_1484, %swap3A_1485] {strides = array<i32>} : memref<16x128xi32, #tpu.memory_space<vmem>>, vector<16xi32>,
    tpu.vector_store %arg6[%swap3A_1484, %swap3A_1485], %add3A_1482 {strides = array<i32>} : memref<16x128xi32, #tpu.memory_space<vmem>>, vector<16xi32>,
    %add3A_1487 = arith.constant 244 : i32
    %add3A_1488 = vector.broadcast %add3A_1487 : i32 to vector<16xi32>
    %add3A_1489 = arith.addi %shift_right_logical3A_18, %add3A_1488 : vector<16xi32>
    %gather3A_1490 = tpu.vector_load_idx %arg5[%add3A_1489] : memref<256xi32, #tpu.memory_space<vmem>>[vector<16xi32>], vector<16xi32>,
    %shift_left3A_1491 = arith.constant 3 : i32
    %shift_left3A_1492 = vector.broadcast %shift_left3A_1491 : i32 to vector<16xi32>
    %shift_left3A_1493 = arith.shli %gather3A_1490, %shift_left3A_1492 : vector<16xi32>
    %add3A_1494 = arith.addi %shift_left3A_1493, %add3A_25 : vector<16xi32>
    %swap3A_1495 = arith.constant 15 : i32
    %swap3A_1496 = arith.index_cast %swap3A_1495 : i32 to index
    %swap3A_1497 = arith.constant 32 : index
    %swap3A_1498 = tpu.vector_load %arg6[%swap3A_1496, %swap3A_1497] {strides = array<i32>} : memref<16x128xi32, #tpu.memory_space<vmem>>, vector<16xi32>,
    tpu.vector_store %arg6[%swap3A_1496, %swap3A_1497], %add3A_1494 {strides = array<i32>} : memref<16x128xi32, #tpu.memory_space<vmem>>, vector<16xi32>,
    %add3A_1499 = arith.constant 246 : i32
    %add3A_1500 = vector.broadcast %add3A_1499 : i32 to vector<16xi32>
    %add3A_1501 = arith.addi %shift_right_logical3A_18, %add3A_1500 : vector<16xi32>
    %gather3A_1502 = tpu.vector_load_idx %arg5[%add3A_1501] : memref<256xi32, #tpu.memory_space<vmem>>[vector<16xi32>], vector<16xi32>,
    %shift_left3A_1503 = arith.constant 3 : i32
    %shift_left3A_1504 = vector.broadcast %shift_left3A_1503 : i32 to vector<16xi32>
    %shift_left3A_1505 = arith.shli %gather3A_1502, %shift_left3A_1504 : vector<16xi32>
    %add3A_1506 = arith.addi %shift_left3A_1505, %add3A_25 : vector<16xi32>
    %swap3A_1507 = arith.constant 15 : i32
    %swap3A_1508 = arith.index_cast %swap3A_1507 : i32 to index
    %swap3A_1509 = arith.constant 48 : index
    %swap3A_1510 = tpu.vector_load %arg6[%swap3A_1508, %swap3A_1509] {strides = array<i32>} : memref<16x128xi32, #tpu.memory_space<vmem>>, vector<16xi32>,
    tpu.vector_store %arg6[%swap3A_1508, %swap3A_1509], %add3A_1506 {strides = array<i32>} : memref<16x128xi32, #tpu.memory_space<vmem>>, vector<16xi32>,
    %add3A_1511 = arith.constant 248 : i32
    %add3A_1512 = vector.broadcast %add3A_1511 : i32 to vector<16xi32>
    %add3A_1513 = arith.addi %shift_right_logical3A_18, %add3A_1512 : vector<16xi32>
    %gather3A_1514 = tpu.vector_load_idx %arg5[%add3A_1513] : memref<256xi32, #tpu.memory_space<vmem>>[vector<16xi32>], vector<16xi32>,
    %shift_left3A_1515 = arith.constant 3 : i32
    %shift_left3A_1516 = vector.broadcast %shift_left3A_1515 : i32 to vector<16xi32>
    %shift_left3A_1517 = arith.shli %gather3A_1514, %shift_left3A_1516 : vector<16xi32>
    %add3A_1518 = arith.addi %shift_left3A_1517, %add3A_25 : vector<16xi32>
    %swap3A_1519 = arith.constant 15 : i32
    %swap3A_1520 = arith.index_cast %swap3A_1519 : i32 to index
    %swap3A_1521 = arith.constant 64 : index
    %swap3A_1522 = tpu.vector_load %arg6[%swap3A_1520, %swap3A_1521] {strides = array<i32>} : memref<16x128xi32, #tpu.memory_space<vmem>>, vector<16xi32>,
    tpu.vector_store %arg6[%swap3A_1520, %swap3A_1521], %add3A_1518 {strides = array<i32>} : memref<16x128xi32, #tpu.memory_space<vmem>>, vector<16xi32>,
    %add3A_1523 = arith.constant 250 : i32
    %add3A_1524 = vector.broadcast %add3A_1523 : i32 to vector<16xi32>
    %add3A_1525 = arith.addi %shift_right_logical3A_18, %add3A_1524 : vector<16xi32>
    %gather3A_1526 = tpu.vector_load_idx %arg5[%add3A_1525] : memref<256xi32, #tpu.memory_space<vmem>>[vector<16xi32>], vector<16xi32>,
    %shift_left3A_1527 = arith.constant 3 : i32
    %shift_left3A_1528 = vector.broadcast %shift_left3A_1527 : i32 to vector<16xi32>
    %shift_left3A_1529 = arith.shli %gather3A_1526, %shift_left3A_1528 : vector<16xi32>
    %add3A_1530 = arith.addi %shift_left3A_1529, %add3A_25 : vector<16xi32>
    %swap3A_1531 = arith.constant 15 : i32
    %swap3A_1532 = arith.index_cast %swap3A_1531 : i32 to index
    %swap3A_1533 = arith.constant 80 : index
    %swap3A_1534 = tpu.vector_load %arg6[%swap3A_1532, %swap3A_1533] {strides = array<i32>} : memref<16x128xi32, #tpu.memory_space<vmem>>, vector<16xi32>,
    tpu.vector_store %arg6[%swap3A_1532, %swap3A_1533], %add3A_1530 {strides = array<i32>} : memref<16x128xi32, #tpu.memory_space<vmem>>, vector<16xi32>,
    %add3A_1535 = arith.constant 252 : i32
    %add3A_1536 = vector.broadcast %add3A_1535 : i32 to vector<16xi32>
    %add3A_1537 = arith.addi %shift_right_logical3A_18, %add3A_1536 : vector<16xi32>
    %gather3A_1538 = tpu.vector_load_idx %arg5[%add3A_1537] : memref<256xi32, #tpu.memory_space<vmem>>[vector<16xi32>], vector<16xi32>,
    %shift_left3A_1539 = arith.constant 3 : i32
    %shift_left3A_1540 = vector.broadcast %shift_left3A_1539 : i32 to vector<16xi32>
    %shift_left3A_1541 = arith.shli %gather3A_1538, %shift_left3A_1540 : vector<16xi32>
    %add3A_1542 = arith.addi %shift_left3A_1541, %add3A_25 : vector<16xi32>
    %swap3A_1543 = arith.constant 15 : i32
    %swap3A_1544 = arith.index_cast %swap3A_1543 : i32 to index
    %swap3A_1545 = arith.constant 96 : index
    %swap3A_1546 = tpu.vector_load %arg6[%swap3A_1544, %swap3A_1545] {strides = array<i32>} : memref<16x128xi32, #tpu.memory_space<vmem>>, vector<16xi32>,
    tpu.vector_store %arg6[%swap3A_1544, %swap3A_1545], %add3A_1542 {strides = array<i32>} : memref<16x128xi32, #tpu.memory_space<vmem>>, vector<16xi32>,
    %add3A_1547 = arith.constant 254 : i32
    %add3A_1548 = vector.broadcast %add3A_1547 : i32 to vector<16xi32>
    %add3A_1549 = arith.addi %shift_right_logical3A_18, %add3A_1548 : vector<16xi32>
    %gather3A_1550 = tpu.vector_load_idx %arg5[%add3A_1549] : memref<256xi32, #tpu.memory_space<vmem>>[vector<16xi32>], vector<16xi32>,
    %shift_left3A_1551 = arith.constant 3 : i32
    %shift_left3A_1552 = vector.broadcast %shift_left3A_1551 : i32 to vector<16xi32>
    %shift_left3A_1553 = arith.shli %gather3A_1550, %shift_left3A_1552 : vector<16xi32>
    %add3A_1554 = arith.addi %shift_left3A_1553, %add3A_25 : vector<16xi32>
    %swap3A_1555 = arith.constant 15 : i32
    %swap3A_1556 = arith.index_cast %swap3A_1555 : i32 to index
    %swap3A_1557 = arith.constant 112 : index
    %swap3A_1558 = tpu.vector_load %arg6[%swap3A_1556, %swap3A_1557] {strides = array<i32>} : memref<16x128xi32, #tpu.memory_space<vmem>>, vector<16xi32>,
    tpu.vector_store %arg6[%swap3A_1556, %swap3A_1557], %add3A_1554 {strides = array<i32>} : memref<16x128xi32, #tpu.memory_space<vmem>>, vector<16xi32>,
    %dma_start3A = arith.constant 0 : i32
    %dma_start3A_1559 = arith.constant 0 : i32
    %dma_start3A_1560 = tpu.memref_slice %arg7[%dma_start3A_1559] : memref<2048xf32, #tpu.memory_space<vmem>> -> memref<128xf32, #tpu.memory_space<vmem>>
    %dma_start3A_1561 = arith.constant 0 : i32
    %dma_start3A_1562 = tpu.memref_slice %arg6[%dma_start3A, %dma_start3A_1561] : memref<16x128xi32, #tpu.memory_space<vmem>> -> memref<1x128xi32, #tpu.memory_space<vmem>>
    %dma_start3A_1563 = tpu.memref_squeeze %dma_start3A_1562 : memref<1x128xi32, #tpu.memory_space<vmem>> -> memref<128xi32, #tpu.memory_space<vmem>>
    %dma_start3A_1564 = arith.constant 0 : i32
    %dma_start3A_1565 = tpu.memref_slice %arg2[%dma_start3A_1564] : memref<33554432xf32, #tpu.memory_space<hbm>> -> memref<33554432xf32, #tpu.memory_space<hbm>>
    tpu.enqueue_indirect_dma source(%dma_start3A_1565 : memref<33554432xf32, #tpu.memory_space<hbm>>) target(%dma_start3A_1560 : memref<128xf32, #tpu.memory_space<vmem>>) offsets(%dma_start3A_1563 : memref<128xi32, #tpu.memory_space<vmem>>) semaphore(%arg8 : memref<!tpu.dma_semaphore, #tpu.memory_space<semaphore_mem>>)
    %dma_start3A_1566 = arith.constant 1 : i32
    %dma_start3A_1567 = arith.constant 128 : i32
    %dma_start3A_1568 = tpu.memref_slice %arg7[%dma_start3A_1567] : memref<2048xf32, #tpu.memory_space<vmem>> -> memref<128xf32, #tpu.memory_space<vmem>>
    %dma_start3A_1569 = arith.constant 0 : i32
    %dma_start3A_1570 = tpu.memref_slice %arg6[%dma_start3A_1566, %dma_start3A_1569] : memref<16x128xi32, #tpu.memory_space<vmem>> -> memref<1x128xi32, #tpu.memory_space<vmem>>
    %dma_start3A_1571 = tpu.memref_squeeze %dma_start3A_1570 : memref<1x128xi32, #tpu.memory_space<vmem>> -> memref<128xi32, #tpu.memory_space<vmem>>
    %dma_start3A_1572 = arith.constant 0 : i32
    %dma_start3A_1573 = tpu.memref_slice %arg2[%dma_start3A_1572] : memref<33554432xf32, #tpu.memory_space<hbm>> -> memref<33554432xf32, #tpu.memory_space<hbm>>
    tpu.enqueue_indirect_dma source(%dma_start3A_1573 : memref<33554432xf32, #tpu.memory_space<hbm>>) target(%dma_start3A_1568 : memref<128xf32, #tpu.memory_space<vmem>>) offsets(%dma_start3A_1571 : memref<128xi32, #tpu.memory_space<vmem>>) semaphore(%arg8 : memref<!tpu.dma_semaphore, #tpu.memory_space<semaphore_mem>>)
    %dma_start3A_1574 = arith.constant 2 : i32
    %dma_start3A_1575 = arith.constant 256 : i32
    %dma_start3A_1576 = tpu.memref_slice %arg7[%dma_start3A_1575] : memref<2048xf32, #tpu.memory_space<vmem>> -> memref<128xf32, #tpu.memory_space<vmem>>
    %dma_start3A_1577 = arith.constant 0 : i32
    %dma_start3A_1578 = tpu.memref_slice %arg6[%dma_start3A_1574, %dma_start3A_1577] : memref<16x128xi32, #tpu.memory_space<vmem>> -> memref<1x128xi32, #tpu.memory_space<vmem>>
    %dma_start3A_1579 = tpu.memref_squeeze %dma_start3A_1578 : memref<1x128xi32, #tpu.memory_space<vmem>> -> memref<128xi32, #tpu.memory_space<vmem>>
    %dma_start3A_1580 = arith.constant 0 : i32
    %dma_start3A_1581 = tpu.memref_slice %arg2[%dma_start3A_1580] : memref<33554432xf32, #tpu.memory_space<hbm>> -> memref<33554432xf32, #tpu.memory_space<hbm>>
    tpu.enqueue_indirect_dma source(%dma_start3A_1581 : memref<33554432xf32, #tpu.memory_space<hbm>>) target(%dma_start3A_1576 : memref<128xf32, #tpu.memory_space<vmem>>) offsets(%dma_start3A_1579 : memref<128xi32, #tpu.memory_space<vmem>>) semaphore(%arg8 : memref<!tpu.dma_semaphore, #tpu.memory_space<semaphore_mem>>)
    %dma_start3A_1582 = arith.constant 3 : i32
    %dma_start3A_1583 = arith.constant 384 : i32
    %dma_start3A_1584 = tpu.memref_slice %arg7[%dma_start3A_1583] : memref<2048xf32, #tpu.memory_space<vmem>> -> memref<128xf32, #tpu.memory_space<vmem>>
    %dma_start3A_1585 = arith.constant 0 : i32
    %dma_start3A_1586 = tpu.memref_slice %arg6[%dma_start3A_1582, %dma_start3A_1585] : memref<16x128xi32, #tpu.memory_space<vmem>> -> memref<1x128xi32, #tpu.memory_space<vmem>>
    %dma_start3A_1587 = tpu.memref_squeeze %dma_start3A_1586 : memref<1x128xi32, #tpu.memory_space<vmem>> -> memref<128xi32, #tpu.memory_space<vmem>>
    %dma_start3A_1588 = arith.constant 0 : i32
    %dma_start3A_1589 = tpu.memref_slice %arg2[%dma_start3A_1588] : memref<33554432xf32, #tpu.memory_space<hbm>> -> memref<33554432xf32, #tpu.memory_space<hbm>>
    tpu.enqueue_indirect_dma source(%dma_start3A_1589 : memref<33554432xf32, #tpu.memory_space<hbm>>) target(%dma_start3A_1584 : memref<128xf32, #tpu.memory_space<vmem>>) offsets(%dma_start3A_1587 : memref<128xi32, #tpu.memory_space<vmem>>) semaphore(%arg8 : memref<!tpu.dma_semaphore, #tpu.memory_space<semaphore_mem>>)
    %dma_start3A_1590 = arith.constant 4 : i32
    %dma_start3A_1591 = arith.constant 512 : i32
    %dma_start3A_1592 = tpu.memref_slice %arg7[%dma_start3A_1591] : memref<2048xf32, #tpu.memory_space<vmem>> -> memref<128xf32, #tpu.memory_space<vmem>>
    %dma_start3A_1593 = arith.constant 0 : i32
    %dma_start3A_1594 = tpu.memref_slice %arg6[%dma_start3A_1590, %dma_start3A_1593] : memref<16x128xi32, #tpu.memory_space<vmem>> -> memref<1x128xi32, #tpu.memory_space<vmem>>
    %dma_start3A_1595 = tpu.memref_squeeze %dma_start3A_1594 : memref<1x128xi32, #tpu.memory_space<vmem>> -> memref<128xi32, #tpu.memory_space<vmem>>
    %dma_start3A_1596 = arith.constant 0 : i32
    %dma_start3A_1597 = tpu.memref_slice %arg2[%dma_start3A_1596] : memref<33554432xf32, #tpu.memory_space<hbm>> -> memref<33554432xf32, #tpu.memory_space<hbm>>
    tpu.enqueue_indirect_dma source(%dma_start3A_1597 : memref<33554432xf32, #tpu.memory_space<hbm>>) target(%dma_start3A_1592 : memref<128xf32, #tpu.memory_space<vmem>>) offsets(%dma_start3A_1595 : memref<128xi32, #tpu.memory_space<vmem>>) semaphore(%arg8 : memref<!tpu.dma_semaphore, #tpu.memory_space<semaphore_mem>>)
    %dma_start3A_1598 = arith.constant 5 : i32
    %dma_start3A_1599 = arith.constant 640 : i32
    %dma_start3A_1600 = tpu.memref_slice %arg7[%dma_start3A_1599] : memref<2048xf32, #tpu.memory_space<vmem>> -> memref<128xf32, #tpu.memory_space<vmem>>
    %dma_start3A_1601 = arith.constant 0 : i32
    %dma_start3A_1602 = tpu.memref_slice %arg6[%dma_start3A_1598, %dma_start3A_1601] : memref<16x128xi32, #tpu.memory_space<vmem>> -> memref<1x128xi32, #tpu.memory_space<vmem>>
    %dma_start3A_1603 = tpu.memref_squeeze %dma_start3A_1602 : memref<1x128xi32, #tpu.memory_space<vmem>> -> memref<128xi32, #tpu.memory_space<vmem>>
    %dma_start3A_1604 = arith.constant 0 : i32
    %dma_start3A_1605 = tpu.memref_slice %arg2[%dma_start3A_1604] : memref<33554432xf32, #tpu.memory_space<hbm>> -> memref<33554432xf32, #tpu.memory_space<hbm>>
    tpu.enqueue_indirect_dma source(%dma_start3A_1605 : memref<33554432xf32, #tpu.memory_space<hbm>>) target(%dma_start3A_1600 : memref<128xf32, #tpu.memory_space<vmem>>) offsets(%dma_start3A_1603 : memref<128xi32, #tpu.memory_space<vmem>>) semaphore(%arg8 : memref<!tpu.dma_semaphore, #tpu.memory_space<semaphore_mem>>)
    %dma_start3A_1606 = arith.constant 6 : i32
    %dma_start3A_1607 = arith.constant 768 : i32
    %dma_start3A_1608 = tpu.memref_slice %arg7[%dma_start3A_1607] : memref<2048xf32, #tpu.memory_space<vmem>> -> memref<128xf32, #tpu.memory_space<vmem>>
    %dma_start3A_1609 = arith.constant 0 : i32
    %dma_start3A_1610 = tpu.memref_slice %arg6[%dma_start3A_1606, %dma_start3A_1609] : memref<16x128xi32, #tpu.memory_space<vmem>> -> memref<1x128xi32, #tpu.memory_space<vmem>>
    %dma_start3A_1611 = tpu.memref_squeeze %dma_start3A_1610 : memref<1x128xi32, #tpu.memory_space<vmem>> -> memref<128xi32, #tpu.memory_space<vmem>>
    %dma_start3A_1612 = arith.constant 0 : i32
    %dma_start3A_1613 = tpu.memref_slice %arg2[%dma_start3A_1612] : memref<33554432xf32, #tpu.memory_space<hbm>> -> memref<33554432xf32, #tpu.memory_space<hbm>>
    tpu.enqueue_indirect_dma source(%dma_start3A_1613 : memref<33554432xf32, #tpu.memory_space<hbm>>) target(%dma_start3A_1608 : memref<128xf32, #tpu.memory_space<vmem>>) offsets(%dma_start3A_1611 : memref<128xi32, #tpu.memory_space<vmem>>) semaphore(%arg8 : memref<!tpu.dma_semaphore, #tpu.memory_space<semaphore_mem>>)
    %dma_start3A_1614 = arith.constant 7 : i32
    %dma_start3A_1615 = arith.constant 896 : i32
    %dma_start3A_1616 = tpu.memref_slice %arg7[%dma_start3A_1615] : memref<2048xf32, #tpu.memory_space<vmem>> -> memref<128xf32, #tpu.memory_space<vmem>>
    %dma_start3A_1617 = arith.constant 0 : i32
    %dma_start3A_1618 = tpu.memref_slice %arg6[%dma_start3A_1614, %dma_start3A_1617] : memref<16x128xi32, #tpu.memory_space<vmem>> -> memref<1x128xi32, #tpu.memory_space<vmem>>
    %dma_start3A_1619 = tpu.memref_squeeze %dma_start3A_1618 : memref<1x128xi32, #tpu.memory_space<vmem>> -> memref<128xi32, #tpu.memory_space<vmem>>
    %dma_start3A_1620 = arith.constant 0 : i32
    %dma_start3A_1621 = tpu.memref_slice %arg2[%dma_start3A_1620] : memref<33554432xf32, #tpu.memory_space<hbm>> -> memref<33554432xf32, #tpu.memory_space<hbm>>
    tpu.enqueue_indirect_dma source(%dma_start3A_1621 : memref<33554432xf32, #tpu.memory_space<hbm>>) target(%dma_start3A_1616 : memref<128xf32, #tpu.memory_space<vmem>>) offsets(%dma_start3A_1619 : memref<128xi32, #tpu.memory_space<vmem>>) semaphore(%arg8 : memref<!tpu.dma_semaphore, #tpu.memory_space<semaphore_mem>>)
    %dma_start3A_1622 = arith.constant 8 : i32
    %dma_start3A_1623 = arith.constant 1024 : i32
    %dma_start3A_1624 = tpu.memref_slice %arg7[%dma_start3A_1623] : memref<2048xf32, #tpu.memory_space<vmem>> -> memref<128xf32, #tpu.memory_space<vmem>>
    %dma_start3A_1625 = arith.constant 0 : i32
    %dma_start3A_1626 = tpu.memref_slice %arg6[%dma_start3A_1622, %dma_start3A_1625] : memref<16x128xi32, #tpu.memory_space<vmem>> -> memref<1x128xi32, #tpu.memory_space<vmem>>
    %dma_start3A_1627 = tpu.memref_squeeze %dma_start3A_1626 : memref<1x128xi32, #tpu.memory_space<vmem>> -> memref<128xi32, #tpu.memory_space<vmem>>
    %dma_start3A_1628 = arith.constant 0 : i32
    %dma_start3A_1629 = tpu.memref_slice %arg2[%dma_start3A_1628] : memref<33554432xf32, #tpu.memory_space<hbm>> -> memref<33554432xf32, #tpu.memory_space<hbm>>
    tpu.enqueue_indirect_dma source(%dma_start3A_1629 : memref<33554432xf32, #tpu.memory_space<hbm>>) target(%dma_start3A_1624 : memref<128xf32, #tpu.memory_space<vmem>>) offsets(%dma_start3A_1627 : memref<128xi32, #tpu.memory_space<vmem>>) semaphore(%arg8 : memref<!tpu.dma_semaphore, #tpu.memory_space<semaphore_mem>>)
    %dma_start3A_1630 = arith.constant 9 : i32
    %dma_start3A_1631 = arith.constant 1152 : i32
    %dma_start3A_1632 = tpu.memref_slice %arg7[%dma_start3A_1631] : memref<2048xf32, #tpu.memory_space<vmem>> -> memref<128xf32, #tpu.memory_space<vmem>>
    %dma_start3A_1633 = arith.constant 0 : i32
    %dma_start3A_1634 = tpu.memref_slice %arg6[%dma_start3A_1630, %dma_start3A_1633] : memref<16x128xi32, #tpu.memory_space<vmem>> -> memref<1x128xi32, #tpu.memory_space<vmem>>
    %dma_start3A_1635 = tpu.memref_squeeze %dma_start3A_1634 : memref<1x128xi32, #tpu.memory_space<vmem>> -> memref<128xi32, #tpu.memory_space<vmem>>
    %dma_start3A_1636 = arith.constant 0 : i32
    %dma_start3A_1637 = tpu.memref_slice %arg2[%dma_start3A_1636] : memref<33554432xf32, #tpu.memory_space<hbm>> -> memref<33554432xf32, #tpu.memory_space<hbm>>
    tpu.enqueue_indirect_dma source(%dma_start3A_1637 : memref<33554432xf32, #tpu.memory_space<hbm>>) target(%dma_start3A_1632 : memref<128xf32, #tpu.memory_space<vmem>>) offsets(%dma_start3A_1635 : memref<128xi32, #tpu.memory_space<vmem>>) semaphore(%arg8 : memref<!tpu.dma_semaphore, #tpu.memory_space<semaphore_mem>>)
    %dma_start3A_1638 = arith.constant 10 : i32
    %dma_start3A_1639 = arith.constant 1280 : i32
    %dma_start3A_1640 = tpu.memref_slice %arg7[%dma_start3A_1639] : memref<2048xf32, #tpu.memory_space<vmem>> -> memref<128xf32, #tpu.memory_space<vmem>>
    %dma_start3A_1641 = arith.constant 0 : i32
    %dma_start3A_1642 = tpu.memref_slice %arg6[%dma_start3A_1638, %dma_start3A_1641] : memref<16x128xi32, #tpu.memory_space<vmem>> -> memref<1x128xi32, #tpu.memory_space<vmem>>
    %dma_start3A_1643 = tpu.memref_squeeze %dma_start3A_1642 : memref<1x128xi32, #tpu.memory_space<vmem>> -> memref<128xi32, #tpu.memory_space<vmem>>
    %dma_start3A_1644 = arith.constant 0 : i32
    %dma_start3A_1645 = tpu.memref_slice %arg2[%dma_start3A_1644] : memref<33554432xf32, #tpu.memory_space<hbm>> -> memref<33554432xf32, #tpu.memory_space<hbm>>
    tpu.enqueue_indirect_dma source(%dma_start3A_1645 : memref<33554432xf32, #tpu.memory_space<hbm>>) target(%dma_start3A_1640 : memref<128xf32, #tpu.memory_space<vmem>>) offsets(%dma_start3A_1643 : memref<128xi32, #tpu.memory_space<vmem>>) semaphore(%arg8 : memref<!tpu.dma_semaphore, #tpu.memory_space<semaphore_mem>>)
    %dma_start3A_1646 = arith.constant 11 : i32
    %dma_start3A_1647 = arith.constant 1408 : i32
    %dma_start3A_1648 = tpu.memref_slice %arg7[%dma_start3A_1647] : memref<2048xf32, #tpu.memory_space<vmem>> -> memref<128xf32, #tpu.memory_space<vmem>>
    %dma_start3A_1649 = arith.constant 0 : i32
    %dma_start3A_1650 = tpu.memref_slice %arg6[%dma_start3A_1646, %dma_start3A_1649] : memref<16x128xi32, #tpu.memory_space<vmem>> -> memref<1x128xi32, #tpu.memory_space<vmem>>
    %dma_start3A_1651 = tpu.memref_squeeze %dma_start3A_1650 : memref<1x128xi32, #tpu.memory_space<vmem>> -> memref<128xi32, #tpu.memory_space<vmem>>
    %dma_start3A_1652 = arith.constant 0 : i32
    %dma_start3A_1653 = tpu.memref_slice %arg2[%dma_start3A_1652] : memref<33554432xf32, #tpu.memory_space<hbm>> -> memref<33554432xf32, #tpu.memory_space<hbm>>
    tpu.enqueue_indirect_dma source(%dma_start3A_1653 : memref<33554432xf32, #tpu.memory_space<hbm>>) target(%dma_start3A_1648 : memref<128xf32, #tpu.memory_space<vmem>>) offsets(%dma_start3A_1651 : memref<128xi32, #tpu.memory_space<vmem>>) semaphore(%arg8 : memref<!tpu.dma_semaphore, #tpu.memory_space<semaphore_mem>>)
    %dma_start3A_1654 = arith.constant 12 : i32
    %dma_start3A_1655 = arith.constant 1536 : i32
    %dma_start3A_1656 = tpu.memref_slice %arg7[%dma_start3A_1655] : memref<2048xf32, #tpu.memory_space<vmem>> -> memref<128xf32, #tpu.memory_space<vmem>>
    %dma_start3A_1657 = arith.constant 0 : i32
    %dma_start3A_1658 = tpu.memref_slice %arg6[%dma_start3A_1654, %dma_start3A_1657] : memref<16x128xi32, #tpu.memory_space<vmem>> -> memref<1x128xi32, #tpu.memory_space<vmem>>
    %dma_start3A_1659 = tpu.memref_squeeze %dma_start3A_1658 : memref<1x128xi32, #tpu.memory_space<vmem>> -> memref<128xi32, #tpu.memory_space<vmem>>
    %dma_start3A_1660 = arith.constant 0 : i32
    %dma_start3A_1661 = tpu.memref_slice %arg2[%dma_start3A_1660] : memref<33554432xf32, #tpu.memory_space<hbm>> -> memref<33554432xf32, #tpu.memory_space<hbm>>
    tpu.enqueue_indirect_dma source(%dma_start3A_1661 : memref<33554432xf32, #tpu.memory_space<hbm>>) target(%dma_start3A_1656 : memref<128xf32, #tpu.memory_space<vmem>>) offsets(%dma_start3A_1659 : memref<128xi32, #tpu.memory_space<vmem>>) semaphore(%arg8 : memref<!tpu.dma_semaphore, #tpu.memory_space<semaphore_mem>>)
    %dma_start3A_1662 = arith.constant 13 : i32
    %dma_start3A_1663 = arith.constant 1664 : i32
    %dma_start3A_1664 = tpu.memref_slice %arg7[%dma_start3A_1663] : memref<2048xf32, #tpu.memory_space<vmem>> -> memref<128xf32, #tpu.memory_space<vmem>>
    %dma_start3A_1665 = arith.constant 0 : i32
    %dma_start3A_1666 = tpu.memref_slice %arg6[%dma_start3A_1662, %dma_start3A_1665] : memref<16x128xi32, #tpu.memory_space<vmem>> -> memref<1x128xi32, #tpu.memory_space<vmem>>
    %dma_start3A_1667 = tpu.memref_squeeze %dma_start3A_1666 : memref<1x128xi32, #tpu.memory_space<vmem>> -> memref<128xi32, #tpu.memory_space<vmem>>
    %dma_start3A_1668 = arith.constant 0 : i32
    %dma_start3A_1669 = tpu.memref_slice %arg2[%dma_start3A_1668] : memref<33554432xf32, #tpu.memory_space<hbm>> -> memref<33554432xf32, #tpu.memory_space<hbm>>
    tpu.enqueue_indirect_dma source(%dma_start3A_1669 : memref<33554432xf32, #tpu.memory_space<hbm>>) target(%dma_start3A_1664 : memref<128xf32, #tpu.memory_space<vmem>>) offsets(%dma_start3A_1667 : memref<128xi32, #tpu.memory_space<vmem>>) semaphore(%arg8 : memref<!tpu.dma_semaphore, #tpu.memory_space<semaphore_mem>>)
    %dma_start3A_1670 = arith.constant 14 : i32
    %dma_start3A_1671 = arith.constant 1792 : i32
    %dma_start3A_1672 = tpu.memref_slice %arg7[%dma_start3A_1671] : memref<2048xf32, #tpu.memory_space<vmem>> -> memref<128xf32, #tpu.memory_space<vmem>>
    %dma_start3A_1673 = arith.constant 0 : i32
    %dma_start3A_1674 = tpu.memref_slice %arg6[%dma_start3A_1670, %dma_start3A_1673] : memref<16x128xi32, #tpu.memory_space<vmem>> -> memref<1x128xi32, #tpu.memory_space<vmem>>
    %dma_start3A_1675 = tpu.memref_squeeze %dma_start3A_1674 : memref<1x128xi32, #tpu.memory_space<vmem>> -> memref<128xi32, #tpu.memory_space<vmem>>
    %dma_start3A_1676 = arith.constant 0 : i32
    %dma_start3A_1677 = tpu.memref_slice %arg2[%dma_start3A_1676] : memref<33554432xf32, #tpu.memory_space<hbm>> -> memref<33554432xf32, #tpu.memory_space<hbm>>
    tpu.enqueue_indirect_dma source(%dma_start3A_1677 : memref<33554432xf32, #tpu.memory_space<hbm>>) target(%dma_start3A_1672 : memref<128xf32, #tpu.memory_space<vmem>>) offsets(%dma_start3A_1675 : memref<128xi32, #tpu.memory_space<vmem>>) semaphore(%arg8 : memref<!tpu.dma_semaphore, #tpu.memory_space<semaphore_mem>>)
    %dma_start3A_1678 = arith.constant 15 : i32
    %dma_start3A_1679 = arith.constant 1920 : i32
    %dma_start3A_1680 = tpu.memref_slice %arg7[%dma_start3A_1679] : memref<2048xf32, #tpu.memory_space<vmem>> -> memref<128xf32, #tpu.memory_space<vmem>>
    %dma_start3A_1681 = arith.constant 0 : i32
    %dma_start3A_1682 = tpu.memref_slice %arg6[%dma_start3A_1678, %dma_start3A_1681] : memref<16x128xi32, #tpu.memory_space<vmem>> -> memref<1x128xi32, #tpu.memory_space<vmem>>
    %dma_start3A_1683 = tpu.memref_squeeze %dma_start3A_1682 : memref<1x128xi32, #tpu.memory_space<vmem>> -> memref<128xi32, #tpu.memory_space<vmem>>
    %dma_start3A_1684 = arith.constant 0 : i32
    %dma_start3A_1685 = tpu.memref_slice %arg2[%dma_start3A_1684] : memref<33554432xf32, #tpu.memory_space<hbm>> -> memref<33554432xf32, #tpu.memory_space<hbm>>
    tpu.enqueue_indirect_dma source(%dma_start3A_1685 : memref<33554432xf32, #tpu.memory_space<hbm>>) target(%dma_start3A_1680 : memref<128xf32, #tpu.memory_space<vmem>>) offsets(%dma_start3A_1683 : memref<128xi32, #tpu.memory_space<vmem>>) semaphore(%arg8 : memref<!tpu.dma_semaphore, #tpu.memory_space<semaphore_mem>>)
    %dma_wait3A = arith.constant 0 : i32
    %dma_wait3A_1686 = arith.constant 0 : i32
    %dma_wait3A_1687 = tpu.memref_slice %arg7[%dma_wait3A_1686] : memref<2048xf32, #tpu.memory_space<vmem>> -> memref<128xf32, #tpu.memory_space<vmem>>
    %dma_wait3A_1688 = arith.constant 0 : i32
    %dma_wait3A_1689 = tpu.memref_slice %arg6[%dma_wait3A, %dma_wait3A_1688] : memref<16x128xi32, #tpu.memory_space<vmem>> -> memref<1x128xi32, #tpu.memory_space<vmem>>
    %dma_wait3A_1690 = tpu.memref_squeeze %dma_wait3A_1689 : memref<1x128xi32, #tpu.memory_space<vmem>> -> memref<128xi32, #tpu.memory_space<vmem>>
    %dma_wait3A_1691 = arith.constant 0 : i32
    %dma_wait3A_1692 = tpu.memref_slice %arg2[%dma_wait3A_1691] : memref<33554432xf32, #tpu.memory_space<hbm>> -> memref<33554432xf32, #tpu.memory_space<hbm>>
    tpu.wait_indirect_dma semaphore(%arg8 : memref<!tpu.dma_semaphore, #tpu.memory_space<semaphore_mem>>) src(%dma_wait3A_1692 : memref<33554432xf32, #tpu.memory_space<hbm>>) dst(%dma_wait3A_1687 : memref<128xf32, #tpu.memory_space<vmem>>)
    %dma_wait3A_1693 = arith.constant 1 : i32
    %dma_wait3A_1694 = arith.constant 128 : i32
    %dma_wait3A_1695 = tpu.memref_slice %arg7[%dma_wait3A_1694] : memref<2048xf32, #tpu.memory_space<vmem>> -> memref<128xf32, #tpu.memory_space<vmem>>
    %dma_wait3A_1696 = arith.constant 0 : i32
    %dma_wait3A_1697 = tpu.memref_slice %arg6[%dma_wait3A_1693, %dma_wait3A_1696] : memref<16x128xi32, #tpu.memory_space<vmem>> -> memref<1x128xi32, #tpu.memory_space<vmem>>
    %dma_wait3A_1698 = tpu.memref_squeeze %dma_wait3A_1697 : memref<1x128xi32, #tpu.memory_space<vmem>> -> memref<128xi32, #tpu.memory_space<vmem>>
    %dma_wait3A_1699 = arith.constant 0 : i32
    %dma_wait3A_1700 = tpu.memref_slice %arg2[%dma_wait3A_1699] : memref<33554432xf32, #tpu.memory_space<hbm>> -> memref<33554432xf32, #tpu.memory_space<hbm>>
    tpu.wait_indirect_dma semaphore(%arg8 : memref<!tpu.dma_semaphore, #tpu.memory_space<semaphore_mem>>) src(%dma_wait3A_1700 : memref<33554432xf32, #tpu.memory_space<hbm>>) dst(%dma_wait3A_1695 : memref<128xf32, #tpu.memory_space<vmem>>)
    %dma_wait3A_1701 = arith.constant 2 : i32
    %dma_wait3A_1702 = arith.constant 256 : i32
    %dma_wait3A_1703 = tpu.memref_slice %arg7[%dma_wait3A_1702] : memref<2048xf32, #tpu.memory_space<vmem>> -> memref<128xf32, #tpu.memory_space<vmem>>
    %dma_wait3A_1704 = arith.constant 0 : i32
    %dma_wait3A_1705 = tpu.memref_slice %arg6[%dma_wait3A_1701, %dma_wait3A_1704] : memref<16x128xi32, #tpu.memory_space<vmem>> -> memref<1x128xi32, #tpu.memory_space<vmem>>
    %dma_wait3A_1706 = tpu.memref_squeeze %dma_wait3A_1705 : memref<1x128xi32, #tpu.memory_space<vmem>> -> memref<128xi32, #tpu.memory_space<vmem>>
    %dma_wait3A_1707 = arith.constant 0 : i32
    %dma_wait3A_1708 = tpu.memref_slice %arg2[%dma_wait3A_1707] : memref<33554432xf32, #tpu.memory_space<hbm>> -> memref<33554432xf32, #tpu.memory_space<hbm>>
    tpu.wait_indirect_dma semaphore(%arg8 : memref<!tpu.dma_semaphore, #tpu.memory_space<semaphore_mem>>) src(%dma_wait3A_1708 : memref<33554432xf32, #tpu.memory_space<hbm>>) dst(%dma_wait3A_1703 : memref<128xf32, #tpu.memory_space<vmem>>)
    %dma_wait3A_1709 = arith.constant 3 : i32
    %dma_wait3A_1710 = arith.constant 384 : i32
    %dma_wait3A_1711 = tpu.memref_slice %arg7[%dma_wait3A_1710] : memref<2048xf32, #tpu.memory_space<vmem>> -> memref<128xf32, #tpu.memory_space<vmem>>
    %dma_wait3A_1712 = arith.constant 0 : i32
    %dma_wait3A_1713 = tpu.memref_slice %arg6[%dma_wait3A_1709, %dma_wait3A_1712] : memref<16x128xi32, #tpu.memory_space<vmem>> -> memref<1x128xi32, #tpu.memory_space<vmem>>
    %dma_wait3A_1714 = tpu.memref_squeeze %dma_wait3A_1713 : memref<1x128xi32, #tpu.memory_space<vmem>> -> memref<128xi32, #tpu.memory_space<vmem>>
    %dma_wait3A_1715 = arith.constant 0 : i32
    %dma_wait3A_1716 = tpu.memref_slice %arg2[%dma_wait3A_1715] : memref<33554432xf32, #tpu.memory_space<hbm>> -> memref<33554432xf32, #tpu.memory_space<hbm>>
    tpu.wait_indirect_dma semaphore(%arg8 : memref<!tpu.dma_semaphore, #tpu.memory_space<semaphore_mem>>) src(%dma_wait3A_1716 : memref<33554432xf32, #tpu.memory_space<hbm>>) dst(%dma_wait3A_1711 : memref<128xf32, #tpu.memory_space<vmem>>)
    %dma_wait3A_1717 = arith.constant 4 : i32
    %dma_wait3A_1718 = arith.constant 512 : i32
    %dma_wait3A_1719 = tpu.memref_slice %arg7[%dma_wait3A_1718] : memref<2048xf32, #tpu.memory_space<vmem>> -> memref<128xf32, #tpu.memory_space<vmem>>
    %dma_wait3A_1720 = arith.constant 0 : i32
    %dma_wait3A_1721 = tpu.memref_slice %arg6[%dma_wait3A_1717, %dma_wait3A_1720] : memref<16x128xi32, #tpu.memory_space<vmem>> -> memref<1x128xi32, #tpu.memory_space<vmem>>
    %dma_wait3A_1722 = tpu.memref_squeeze %dma_wait3A_1721 : memref<1x128xi32, #tpu.memory_space<vmem>> -> memref<128xi32, #tpu.memory_space<vmem>>
    %dma_wait3A_1723 = arith.constant 0 : i32
    %dma_wait3A_1724 = tpu.memref_slice %arg2[%dma_wait3A_1723] : memref<33554432xf32, #tpu.memory_space<hbm>> -> memref<33554432xf32, #tpu.memory_space<hbm>>
    tpu.wait_indirect_dma semaphore(%arg8 : memref<!tpu.dma_semaphore, #tpu.memory_space<semaphore_mem>>) src(%dma_wait3A_1724 : memref<33554432xf32, #tpu.memory_space<hbm>>) dst(%dma_wait3A_1719 : memref<128xf32, #tpu.memory_space<vmem>>)
    %dma_wait3A_1725 = arith.constant 5 : i32
    %dma_wait3A_1726 = arith.constant 640 : i32
    %dma_wait3A_1727 = tpu.memref_slice %arg7[%dma_wait3A_1726] : memref<2048xf32, #tpu.memory_space<vmem>> -> memref<128xf32, #tpu.memory_space<vmem>>
    %dma_wait3A_1728 = arith.constant 0 : i32
    %dma_wait3A_1729 = tpu.memref_slice %arg6[%dma_wait3A_1725, %dma_wait3A_1728] : memref<16x128xi32, #tpu.memory_space<vmem>> -> memref<1x128xi32, #tpu.memory_space<vmem>>
    %dma_wait3A_1730 = tpu.memref_squeeze %dma_wait3A_1729 : memref<1x128xi32, #tpu.memory_space<vmem>> -> memref<128xi32, #tpu.memory_space<vmem>>
    %dma_wait3A_1731 = arith.constant 0 : i32
    %dma_wait3A_1732 = tpu.memref_slice %arg2[%dma_wait3A_1731] : memref<33554432xf32, #tpu.memory_space<hbm>> -> memref<33554432xf32, #tpu.memory_space<hbm>>
    tpu.wait_indirect_dma semaphore(%arg8 : memref<!tpu.dma_semaphore, #tpu.memory_space<semaphore_mem>>) src(%dma_wait3A_1732 : memref<33554432xf32, #tpu.memory_space<hbm>>) dst(%dma_wait3A_1727 : memref<128xf32, #tpu.memory_space<vmem>>)
    %dma_wait3A_1733 = arith.constant 6 : i32
    %dma_wait3A_1734 = arith.constant 768 : i32
    %dma_wait3A_1735 = tpu.memref_slice %arg7[%dma_wait3A_1734] : memref<2048xf32, #tpu.memory_space<vmem>> -> memref<128xf32, #tpu.memory_space<vmem>>
    %dma_wait3A_1736 = arith.constant 0 : i32
    %dma_wait3A_1737 = tpu.memref_slice %arg6[%dma_wait3A_1733, %dma_wait3A_1736] : memref<16x128xi32, #tpu.memory_space<vmem>> -> memref<1x128xi32, #tpu.memory_space<vmem>>
    %dma_wait3A_1738 = tpu.memref_squeeze %dma_wait3A_1737 : memref<1x128xi32, #tpu.memory_space<vmem>> -> memref<128xi32, #tpu.memory_space<vmem>>
    %dma_wait3A_1739 = arith.constant 0 : i32
    %dma_wait3A_1740 = tpu.memref_slice %arg2[%dma_wait3A_1739] : memref<33554432xf32, #tpu.memory_space<hbm>> -> memref<33554432xf32, #tpu.memory_space<hbm>>
    tpu.wait_indirect_dma semaphore(%arg8 : memref<!tpu.dma_semaphore, #tpu.memory_space<semaphore_mem>>) src(%dma_wait3A_1740 : memref<33554432xf32, #tpu.memory_space<hbm>>) dst(%dma_wait3A_1735 : memref<128xf32, #tpu.memory_space<vmem>>)
    %dma_wait3A_1741 = arith.constant 7 : i32
    %dma_wait3A_1742 = arith.constant 896 : i32
    %dma_wait3A_1743 = tpu.memref_slice %arg7[%dma_wait3A_1742] : memref<2048xf32, #tpu.memory_space<vmem>> -> memref<128xf32, #tpu.memory_space<vmem>>
    %dma_wait3A_1744 = arith.constant 0 : i32
    %dma_wait3A_1745 = tpu.memref_slice %arg6[%dma_wait3A_1741, %dma_wait3A_1744] : memref<16x128xi32, #tpu.memory_space<vmem>> -> memref<1x128xi32, #tpu.memory_space<vmem>>
    %dma_wait3A_1746 = tpu.memref_squeeze %dma_wait3A_1745 : memref<1x128xi32, #tpu.memory_space<vmem>> -> memref<128xi32, #tpu.memory_space<vmem>>
    %dma_wait3A_1747 = arith.constant 0 : i32
    %dma_wait3A_1748 = tpu.memref_slice %arg2[%dma_wait3A_1747] : memref<33554432xf32, #tpu.memory_space<hbm>> -> memref<33554432xf32, #tpu.memory_space<hbm>>
    tpu.wait_indirect_dma semaphore(%arg8 : memref<!tpu.dma_semaphore, #tpu.memory_space<semaphore_mem>>) src(%dma_wait3A_1748 : memref<33554432xf32, #tpu.memory_space<hbm>>) dst(%dma_wait3A_1743 : memref<128xf32, #tpu.memory_space<vmem>>)
    %dma_wait3A_1749 = arith.constant 8 : i32
    %dma_wait3A_1750 = arith.constant 1024 : i32
    %dma_wait3A_1751 = tpu.memref_slice %arg7[%dma_wait3A_1750] : memref<2048xf32, #tpu.memory_space<vmem>> -> memref<128xf32, #tpu.memory_space<vmem>>
    %dma_wait3A_1752 = arith.constant 0 : i32
    %dma_wait3A_1753 = tpu.memref_slice %arg6[%dma_wait3A_1749, %dma_wait3A_1752] : memref<16x128xi32, #tpu.memory_space<vmem>> -> memref<1x128xi32, #tpu.memory_space<vmem>>
    %dma_wait3A_1754 = tpu.memref_squeeze %dma_wait3A_1753 : memref<1x128xi32, #tpu.memory_space<vmem>> -> memref<128xi32, #tpu.memory_space<vmem>>
    %dma_wait3A_1755 = arith.constant 0 : i32
    %dma_wait3A_1756 = tpu.memref_slice %arg2[%dma_wait3A_1755] : memref<33554432xf32, #tpu.memory_space<hbm>> -> memref<33554432xf32, #tpu.memory_space<hbm>>
    tpu.wait_indirect_dma semaphore(%arg8 : memref<!tpu.dma_semaphore, #tpu.memory_space<semaphore_mem>>) src(%dma_wait3A_1756 : memref<33554432xf32, #tpu.memory_space<hbm>>) dst(%dma_wait3A_1751 : memref<128xf32, #tpu.memory_space<vmem>>)
    %dma_wait3A_1757 = arith.constant 9 : i32
    %dma_wait3A_1758 = arith.constant 1152 : i32
    %dma_wait3A_1759 = tpu.memref_slice %arg7[%dma_wait3A_1758] : memref<2048xf32, #tpu.memory_space<vmem>> -> memref<128xf32, #tpu.memory_space<vmem>>
    %dma_wait3A_1760 = arith.constant 0 : i32
    %dma_wait3A_1761 = tpu.memref_slice %arg6[%dma_wait3A_1757, %dma_wait3A_1760] : memref<16x128xi32, #tpu.memory_space<vmem>> -> memref<1x128xi32, #tpu.memory_space<vmem>>
    %dma_wait3A_1762 = tpu.memref_squeeze %dma_wait3A_1761 : memref<1x128xi32, #tpu.memory_space<vmem>> -> memref<128xi32, #tpu.memory_space<vmem>>
    %dma_wait3A_1763 = arith.constant 0 : i32
    %dma_wait3A_1764 = tpu.memref_slice %arg2[%dma_wait3A_1763] : memref<33554432xf32, #tpu.memory_space<hbm>> -> memref<33554432xf32, #tpu.memory_space<hbm>>
    tpu.wait_indirect_dma semaphore(%arg8 : memref<!tpu.dma_semaphore, #tpu.memory_space<semaphore_mem>>) src(%dma_wait3A_1764 : memref<33554432xf32, #tpu.memory_space<hbm>>) dst(%dma_wait3A_1759 : memref<128xf32, #tpu.memory_space<vmem>>)
    %dma_wait3A_1765 = arith.constant 10 : i32
    %dma_wait3A_1766 = arith.constant 1280 : i32
    %dma_wait3A_1767 = tpu.memref_slice %arg7[%dma_wait3A_1766] : memref<2048xf32, #tpu.memory_space<vmem>> -> memref<128xf32, #tpu.memory_space<vmem>>
    %dma_wait3A_1768 = arith.constant 0 : i32
    %dma_wait3A_1769 = tpu.memref_slice %arg6[%dma_wait3A_1765, %dma_wait3A_1768] : memref<16x128xi32, #tpu.memory_space<vmem>> -> memref<1x128xi32, #tpu.memory_space<vmem>>
    %dma_wait3A_1770 = tpu.memref_squeeze %dma_wait3A_1769 : memref<1x128xi32, #tpu.memory_space<vmem>> -> memref<128xi32, #tpu.memory_space<vmem>>
    %dma_wait3A_1771 = arith.constant 0 : i32
    %dma_wait3A_1772 = tpu.memref_slice %arg2[%dma_wait3A_1771] : memref<33554432xf32, #tpu.memory_space<hbm>> -> memref<33554432xf32, #tpu.memory_space<hbm>>
    tpu.wait_indirect_dma semaphore(%arg8 : memref<!tpu.dma_semaphore, #tpu.memory_space<semaphore_mem>>) src(%dma_wait3A_1772 : memref<33554432xf32, #tpu.memory_space<hbm>>) dst(%dma_wait3A_1767 : memref<128xf32, #tpu.memory_space<vmem>>)
    %dma_wait3A_1773 = arith.constant 11 : i32
    %dma_wait3A_1774 = arith.constant 1408 : i32
    %dma_wait3A_1775 = tpu.memref_slice %arg7[%dma_wait3A_1774] : memref<2048xf32, #tpu.memory_space<vmem>> -> memref<128xf32, #tpu.memory_space<vmem>>
    %dma_wait3A_1776 = arith.constant 0 : i32
    %dma_wait3A_1777 = tpu.memref_slice %arg6[%dma_wait3A_1773, %dma_wait3A_1776] : memref<16x128xi32, #tpu.memory_space<vmem>> -> memref<1x128xi32, #tpu.memory_space<vmem>>
    %dma_wait3A_1778 = tpu.memref_squeeze %dma_wait3A_1777 : memref<1x128xi32, #tpu.memory_space<vmem>> -> memref<128xi32, #tpu.memory_space<vmem>>
    %dma_wait3A_1779 = arith.constant 0 : i32
    %dma_wait3A_1780 = tpu.memref_slice %arg2[%dma_wait3A_1779] : memref<33554432xf32, #tpu.memory_space<hbm>> -> memref<33554432xf32, #tpu.memory_space<hbm>>
    tpu.wait_indirect_dma semaphore(%arg8 : memref<!tpu.dma_semaphore, #tpu.memory_space<semaphore_mem>>) src(%dma_wait3A_1780 : memref<33554432xf32, #tpu.memory_space<hbm>>) dst(%dma_wait3A_1775 : memref<128xf32, #tpu.memory_space<vmem>>)
    %dma_wait3A_1781 = arith.constant 12 : i32
    %dma_wait3A_1782 = arith.constant 1536 : i32
    %dma_wait3A_1783 = tpu.memref_slice %arg7[%dma_wait3A_1782] : memref<2048xf32, #tpu.memory_space<vmem>> -> memref<128xf32, #tpu.memory_space<vmem>>
    %dma_wait3A_1784 = arith.constant 0 : i32
    %dma_wait3A_1785 = tpu.memref_slice %arg6[%dma_wait3A_1781, %dma_wait3A_1784] : memref<16x128xi32, #tpu.memory_space<vmem>> -> memref<1x128xi32, #tpu.memory_space<vmem>>
    %dma_wait3A_1786 = tpu.memref_squeeze %dma_wait3A_1785 : memref<1x128xi32, #tpu.memory_space<vmem>> -> memref<128xi32, #tpu.memory_space<vmem>>
    %dma_wait3A_1787 = arith.constant 0 : i32
    %dma_wait3A_1788 = tpu.memref_slice %arg2[%dma_wait3A_1787] : memref<33554432xf32, #tpu.memory_space<hbm>> -> memref<33554432xf32, #tpu.memory_space<hbm>>
    tpu.wait_indirect_dma semaphore(%arg8 : memref<!tpu.dma_semaphore, #tpu.memory_space<semaphore_mem>>) src(%dma_wait3A_1788 : memref<33554432xf32, #tpu.memory_space<hbm>>) dst(%dma_wait3A_1783 : memref<128xf32, #tpu.memory_space<vmem>>)
    %dma_wait3A_1789 = arith.constant 13 : i32
    %dma_wait3A_1790 = arith.constant 1664 : i32
    %dma_wait3A_1791 = tpu.memref_slice %arg7[%dma_wait3A_1790] : memref<2048xf32, #tpu.memory_space<vmem>> -> memref<128xf32, #tpu.memory_space<vmem>>
    %dma_wait3A_1792 = arith.constant 0 : i32
    %dma_wait3A_1793 = tpu.memref_slice %arg6[%dma_wait3A_1789, %dma_wait3A_1792] : memref<16x128xi32, #tpu.memory_space<vmem>> -> memref<1x128xi32, #tpu.memory_space<vmem>>
    %dma_wait3A_1794 = tpu.memref_squeeze %dma_wait3A_1793 : memref<1x128xi32, #tpu.memory_space<vmem>> -> memref<128xi32, #tpu.memory_space<vmem>>
    %dma_wait3A_1795 = arith.constant 0 : i32
    %dma_wait3A_1796 = tpu.memref_slice %arg2[%dma_wait3A_1795] : memref<33554432xf32, #tpu.memory_space<hbm>> -> memref<33554432xf32, #tpu.memory_space<hbm>>
    tpu.wait_indirect_dma semaphore(%arg8 : memref<!tpu.dma_semaphore, #tpu.memory_space<semaphore_mem>>) src(%dma_wait3A_1796 : memref<33554432xf32, #tpu.memory_space<hbm>>) dst(%dma_wait3A_1791 : memref<128xf32, #tpu.memory_space<vmem>>)
    %dma_wait3A_1797 = arith.constant 14 : i32
    %dma_wait3A_1798 = arith.constant 1792 : i32
    %dma_wait3A_1799 = tpu.memref_slice %arg7[%dma_wait3A_1798] : memref<2048xf32, #tpu.memory_space<vmem>> -> memref<128xf32, #tpu.memory_space<vmem>>
    %dma_wait3A_1800 = arith.constant 0 : i32
    %dma_wait3A_1801 = tpu.memref_slice %arg6[%dma_wait3A_1797, %dma_wait3A_1800] : memref<16x128xi32, #tpu.memory_space<vmem>> -> memref<1x128xi32, #tpu.memory_space<vmem>>
    %dma_wait3A_1802 = tpu.memref_squeeze %dma_wait3A_1801 : memref<1x128xi32, #tpu.memory_space<vmem>> -> memref<128xi32, #tpu.memory_space<vmem>>
    %dma_wait3A_1803 = arith.constant 0 : i32
    %dma_wait3A_1804 = tpu.memref_slice %arg2[%dma_wait3A_1803] : memref<33554432xf32, #tpu.memory_space<hbm>> -> memref<33554432xf32, #tpu.memory_space<hbm>>
    tpu.wait_indirect_dma semaphore(%arg8 : memref<!tpu.dma_semaphore, #tpu.memory_space<semaphore_mem>>) src(%dma_wait3A_1804 : memref<33554432xf32, #tpu.memory_space<hbm>>) dst(%dma_wait3A_1799 : memref<128xf32, #tpu.memory_space<vmem>>)
    %dma_wait3A_1805 = arith.constant 15 : i32
    %dma_wait3A_1806 = arith.constant 1920 : i32
    %dma_wait3A_1807 = tpu.memref_slice %arg7[%dma_wait3A_1806] : memref<2048xf32, #tpu.memory_space<vmem>> -> memref<128xf32, #tpu.memory_space<vmem>>
    %dma_wait3A_1808 = arith.constant 0 : i32
    %dma_wait3A_1809 = tpu.memref_slice %arg6[%dma_wait3A_1805, %dma_wait3A_1808] : memref<16x128xi32, #tpu.memory_space<vmem>> -> memref<1x128xi32, #tpu.memory_space<vmem>>
    %dma_wait3A_1810 = tpu.memref_squeeze %dma_wait3A_1809 : memref<1x128xi32, #tpu.memory_space<vmem>> -> memref<128xi32, #tpu.memory_space<vmem>>
    %dma_wait3A_1811 = arith.constant 0 : i32
    %dma_wait3A_1812 = tpu.memref_slice %arg2[%dma_wait3A_1811] : memref<33554432xf32, #tpu.memory_space<hbm>> -> memref<33554432xf32, #tpu.memory_space<hbm>>
    tpu.wait_indirect_dma semaphore(%arg8 : memref<!tpu.dma_semaphore, #tpu.memory_space<semaphore_mem>>) src(%dma_wait3A_1812 : memref<33554432xf32, #tpu.memory_space<hbm>>) dst(%dma_wait3A_1807 : memref<128xf32, #tpu.memory_space<vmem>>)
    %mul3A_1813 = arith.constant 2048 : i32
    %mul3A_1814 = arith.muli %add3A, %mul3A_1813 : i32
    "tpu.region"() ({
      %run_scoped3A = tpu.sem_alloc : memref<!tpu.dma_semaphore, #tpu.memory_space<semaphore_mem>>
      %dma_start3A_1815 = tpu.memref_slice %arg4[%mul3A_1814] : memref<65536xf32, #tpu.memory_space<hbm>> -> memref<2048xf32, #tpu.memory_space<hbm>>
      %dma_start3A_1816 = tpu.memref_slice %arg4[%mul3A_1814] : memref<65536xf32, #tpu.memory_space<hbm>> -> memref<2048xf32, #tpu.memory_space<hbm>>
      tpu.enqueue_dma source(%arg7 : memref<2048xf32, #tpu.memory_space<vmem>>) target(%dma_start3A_1816 : memref<2048xf32, #tpu.memory_space<hbm>>) target_semaphore(%run_scoped3A : memref<!tpu.dma_semaphore, #tpu.memory_space<semaphore_mem>>)
      %dma_wait3A_1817 = tpu.memref_slice %arg4[%mul3A_1814] : memref<65536xf32, #tpu.memory_space<hbm>> -> memref<2048xf32, #tpu.memory_space<hbm>>
      %dma_wait3A_1818 = tpu.memref_slice %arg4[%mul3A_1814] : memref<65536xf32, #tpu.memory_space<hbm>> -> memref<2048xf32, #tpu.memory_space<hbm>>
      tpu.wait_dma2 semaphore(%run_scoped3A : memref<!tpu.dma_semaphore, #tpu.memory_space<semaphore_mem>>) src(%arg7 : memref<2048xf32, #tpu.memory_space<vmem>>) dst(%dma_wait3A_1818 : memref<2048xf32, #tpu.memory_space<hbm>>)
      tpu.yield
    }) : () -> ()
    return
  }
}

</mosaic_0001>

<sc_bundles>
// kernel: kernel.3.cloned.1.call-start
scs
__scs_entry_jumppad:
0x0: {  	(pc) =	sbr.rel $0x88, $3  }
0x1: {  	(tag) =	ssettag $0x0;
	lr =	simm.s32 $0x1  }
0x2: {  	[smem:$0x3F9F] =	sst lr;
	_ =	strace $0xD0000000  }
0x3: {  	_ = 	snop  }
0x4: {  	_ = 	snop  }
0x5: {  	_ = 	snop  }
0x6: {  	_ = 	snop  }
0x7: {  	_ = 	snop  }
__scs_overlays_trampoline_lowered:
0x8: {  	[smem:$0x3FAE] =	sst s0  }
0x9: {  	[smem:$0x3FAF] =	sst s1  }
0xa: {  	[smem:$0x3FB0] =	sst s2  }
0xb: {  	[smem:$0x3FB1] =	sst s3  }
0xc: {  	[smem:$0x3FB2] =	sst s4  }
0xd: {  	[smem:$0x3FB3] =	sst s5  }
0xe: {  	[smem:$0x3FB4] =	sst s6  }
0xf: {  	[smem:$0x3FB5] =	sst s7  }
0x10: {  	[smem:$0x3FB6] =	sst s8  }
0x11: {  	[smem:$0x3FB7] =	sst s9;
	s0 =	simm.s32 @!p0 $0x0  }
0x12: {  	s1 =	sld [smem:$0x3F9D];
	s0 =	simm.s32 @p0 $0x1  }
0x13: {  	[smem:$0x3FB8] =	sst s0;
	s0 =	simm.s32 @!p1 $0x0  }
0x14: {  	s2 =	sld [smem:$0x3F9C];
	s0 =	simm.s32 @p1 $0x1  }
0x15: {  	[smem:$0x3FB9] =	sst s0;
	s0 =	simm.s32 @!p2 $0x0  }
0x16: {  	s3 =	sld [smem:$0x3FDB];
	s0 =	simm.s32 @p2 $0x1  }
0x17: {  	s4 =	simm.s32 $0x1BF5;
	[smem:$0x3FBB] =	sst s0  }
0x18: {  	s0 =	sld [smem:$0x3F9E];
	_ =	swait.ge [sflag:s4], $0x0  }
0x19: {  	s7 =	sld [smem:$0x3F9F]  }
0x1a: {  	s8 =	sadd.s32 $0xFFFFE003, lr  }
0x1b: {  	s9 =	sadd.s32 $0xFFFFFEF7, lr;
	s5 =	simm.s32 $0xFFFFFFFF;
	p2 =	slt.u32 s8, $0xFFFFF086  }
0x1c: {  	p1 =	slt.u32 s9, $0xF7A;
	s5 =	simm.s32 @!p2 $0x0  }
0x1d: {  	s5 =	simm.s32 @p1 $0x1;
	p0 =	seq.s32 s7, s2  }
0x1e: {  	s7 =	smul.u32 @!p0 $0xF7A, s2;
	p2 =	seq.s32 @!p0 s5, $0x0  }
0x1f: {  	s9 =	smul.u32 $0xF7A, s1;
	s8 =	simm.s32 @!p0 $0x1BF5;
	p2 =	por !p2, p0  }
0x20: {  	[sflag:s8] =	ssyncset.s32 @!p0 $0xFFFFF086;
	s6 =	sadd.s32 @!p0 s3, s7;
	s7 =	simm.s32 @!p0 $0x108  }
0x21: {  	s3 =	sadd.s32 s3, s9;
	s6 =	sadd.s32 @!p0 $0x88, s6;
	s7 =	simm.s32 @p2 $0x1082  }
0x22: {  	[simem:s7], [sflag:s8] =	dma.local @!p0 [hbm:s6], $0xF7A  }
0x23: {  	s9 =	sor.u32 $0xD0000000, s2;
	s6 =	simm.s32 $0x108;
	_ =	swait.ge @!p0 [sflag:s8], $0x0  }
0x24: {  	s3 =	sadd.s32 $0x88, s3;
	s6 =	simm.s32 @!p1 $0x1082;
	[sflag:s4] =	ssyncset.s32 $0xFFFFF086  }
0x25: {  	[simem:s6], [sflag:s4] =	dma.local [hbm:s3], $0xF7A  }
0x26: {  	[smem:$0x3F9F] =	sst s1;
	(tag) =	ssettag s2;
	_ =	strace s9  }
0x27: {  	s1 =	sld [smem:$0x3FAF]  }
0x28: {  	s2 =	sld [smem:$0x3FB0]  }
0x29: {  	s4 =	sld [smem:$0x3FB2]  }
0x2a: {  	p0 =	seq.s32 s5, $0x0;
	s5 =	sld [smem:$0x3FB3]  }
0x2b: {  	s6 =	sld [smem:$0x3FB4]  }
0x2c: {  	s7 =	sld [smem:$0x3FB5]  }
0x2d: {  	s3 =	simm.s32 $0x108;
	s8 =	sld [smem:$0x3FB6]  }
0x2e: {  	s3 =	simm.s32 @!p0 $0x1082;
	s9 =	sld [smem:$0x3FB7]  }
0x2f: {  	lr =	sadd.s32 s0, s3;
	s0 =	sld [smem:$0x3FAE]  }
0x30: {  	s3 =	sld [smem:$0x3FB1]  }
0x31: {  	[smem:$0x3FBA] =	sst s10  }
0x32: {  	s10 =	sld [smem:$0x3FB8];
	_ =	sdelay $0x3  }
0x33: {  	p0 =	seq.s32 s10, $0x1;
	s10 =	sld [smem:$0x3FBA];
	_ =	sdelay $0x3  }
0x34: {  	[smem:$0x3FBA] =	sst s10  }
0x35: {  	s10 =	sld [smem:$0x3FB9];
	_ =	sdelay $0x3  }
0x36: {  	p1 =	seq.s32 s10, $0x1;
	s10 =	sld [smem:$0x3FBA];
	_ =	sdelay $0x3  }
0x37: {  	[smem:$0x3FBA] =	sst s10  }
0x38: {  	s10 =	sld [smem:$0x3FBB]  }
0x39: {  	_ = 	snop;
	(pc) =	sbr.ind lr, $3  }
0x3a: {  	_ = 	snop  }
0x3b: {  	_ = 	snop  }
0x3c: {  	p2 =	seq.s32 s10, $0x1;
	s10 =	sld [smem:$0x3FBA]  }
0x3d: {  	_ =	shalt  }
0x3e: {  	_ =	shalt  }
0x3f: {  	_ =	shalt  }
0x40: {  	_ =	shalt  }
0x41: {  	_ =	shalt  }
0x42: {  	_ =	shalt  }
0x43: {  	_ =	shalt  }
0x44: {  	_ =	shalt  }
0x45: {  	_ =	shalt  }
0x46: {  	_ =	shalt  }
0x47: {  	_ =	shalt  }
0x48: {  	_ =	shalt  }
0x49: {  	_ =	shalt  }
0x4a: {  	_ =	shalt  }
0x4b: {  	_ =	shalt  }
0x4c: {  	_ =	shalt  }
0x4d: {  	_ =	shalt  }
0x4e: {  	_ =	shalt  }
0x4f: {  	_ =	shalt  }
0x50: {  	_ =	shalt  }
0x51: {  	_ =	shalt  }
0x52: {  	_ =	shalt  }
0x53: {  	_ =	shalt  }
0x54: {  	_ =	shalt  }
0x55: {  	_ =	shalt  }
0x56: {  	_ =	shalt  }
0x57: {  	_ =	shalt  }
0x58: {  	_ =	shalt  }
0x59: {  	_ =	shalt  }
0x5a: {  	_ =	shalt  }
0x5b: {  	_ =	shalt  }
0x5c: {  	_ =	shalt  }
0x5d: {  	_ =	shalt  }
0x5e: {  	_ =	shalt  }
0x5f: {  	_ =	shalt  }
0x60: {  	_ =	shalt  }
0x61: {  	_ =	shalt  }
0x62: {  	_ =	shalt  }
0x63: {  	_ =	shalt  }
0x64: {  	_ =	shalt  }
0x65: {  	_ =	shalt  }
0x66: {  	_ =	shalt  }
0x67: {  	_ =	shalt  }
0x68: {  	_ =	shalt  }
0x69: {  	_ =	shalt  }
0x6a: {  	_ =	shalt  }
0x6b: {  	_ =	shalt  }
0x6c: {  	_ =	shalt  }
0x6d: {  	_ =	shalt  }
0x6e: {  	_ =	shalt  }
0x6f: {  	_ =	shalt  }
0x70: {  	_ =	shalt  }
0x71: {  	_ =	shalt  }
0x72: {  	_ =	shalt  }
0x73: {  	_ =	shalt  }
0x74: {  	_ =	shalt  }
0x75: {  	_ =	shalt  }
0x76: {  	_ =	shalt  }
0x77: {  	_ =	shalt  }
0x78: {  	_ =	shalt  }
0x79: {  	_ =	shalt  }
0x7a: {  	_ =	shalt  }
0x7b: {  	_ =	shalt  }
0x7c: {  	_ =	shalt  }
0x7d: {  	_ =	shalt  }
0x7e: {  	_ =	shalt  }
0x7f: {  	_ =	shalt  }
0x80: {  	_ =	shalt  }
0x81: {  	_ =	shalt  }
0x82: {  	_ =	shalt  }
0x83: {  	_ =	shalt  }
0x84: {  	_ =	shalt  }
0x85: {  	_ =	shalt  }
0x86: {  	_ =	shalt  }
0x87: {  	_ =	shalt  }
.Lfunc_end0:
.L_simem_size_0:
called_computation_lowered:
.L_overlay_start_0:
0x88: {  	s2 =	sld [smem:$0x3FD9]  }
0x89: {  	s3 =	sld [smem:$0x3FFE];
	_ =	sdelay $0x1  }
0x8a: {  	s1 =	srdreg.scid  }
0x8b: {  	s0 =	sand.u32 $0x1, s1  }
0x8c: {  	s17 =	sshll.u32 s0, $0xA;
	s2 =	sadd.s32 s3, s2  }
0x8d: {  	s2 =	sadd.s32 s2, s17  }
0x8e: {  	[smem:$0x3FC6] =	sst s2  }
0x8f: {  	_ = 	snop  }
0x90: {  	s2 =	sld [smem:$0x3FD0];
	(tm) =	ssettm $0x1  }
0x91: {  	s18 =	sld [smem:$0x3FFB];
	_ =	sdelay $0x3  }
0x92: {  	_ =	strace s18  }
0x93: {  	s3 =	sld [smem:$0x3FFC];
	_ =	sdelay $0x3  }
0x94: {  	_ =	strace s3  }
0x95: {  	s3 =	sld [smem:$0x3FFD];
	_ =	sdelay $0x3  }
0x96: {  	_ =	strace s3  }
0x97: {  	_ =	strace $0x8FFFFFFF  }
0x98: {  	s19 =	sld [smem:$0x3FDB];
	_ =	sdelay $0x1  }
0x99: {  	s4 =	simm.s32 $_scs_section_size  }
0x9a: {  	s5 =	simm.s32 $_size__tile_overlayer_lowered;
	s6 =	simm.s32 $_tile_overlayer_lowered  }
0x9b: {  	s22 =	simm.s32 $0x1BFF;
	s21 =	sshll.u32 s6, $0x1;
	s3 =	sadd.s32 s4, s19  }
0x9c: {  	s7 =	simm.s32 $0x0;
	s20 =	sshll.u32 s5, $0x1;
	s5 =	sadd.s32 s21, s3  }
0x9d: {  	[timem:s7], [sflag:s22] =	dma.local [hbm:s5], s20  }
0x9e: {  	_ =	swait.ge [sflag:s22], s20  }
0x9f: {  	s4 =	ssub.s32 $0x0, s20;
	[sflag:s22] =	ssyncset.done $0x0  }
0xa0: {  	[sflag:s22] =	ssyncadd.s32 s4;
	_ =	sdelay $0x1  }
0xa1: {  	s23 =	simm.s32 $0x1B8B  }
0xa2: {  	_ =	swait.ge [sflag:s23], $0x1  }
0xa3: {  	[sflag:s23] =	ssyncset.done $0x0  }
0xa4: {  	s25 =	simm.s32 $0x1B8E;
	s24 =	sld [smem:$0x3FFE];
	[sflag:s23] =	ssyncadd.s32 $0xFFFFFFFF  }
0xa5: {  	s26 =	simm.s32 $execute0_lowered;
	[smem:$0x3FD2] =	sst s25  }
0xa6: {  	s5 =	sshll.u32 s26, $0x1;
	_ =	strace $0x80000046;
	[dreg:$0x1] =	wrdreg $0xFFFFFFFF  }
0xa7: {  	s28 =	simm.s32 $_size_execute0_lowered;
	s3 =	sadd.s32 s3, s5;
	[dreg:$0x0] =	wrdreg $0x0  }
0xa8: {  	s5 =	sshll.u32 s28, $0x1;
	[dreg:$0x2] =	wrdreg s3  }
0xa9: {  	[dreg:$0x3] =	wrdreg s5  }
0xaa: {  	[dreg:$0x4] =	wrdreg $0xC0  }
0xab: {  	_ =	task [dreg:s7], $0x5FFFF  }
0xac: {  	[dreg:$0x1] =	wrdreg $0xFFFFFFFF  }
0xad: {  	[dreg:$0x0] =	wrdreg $0x60  }
0xae: {  	[dreg:$0x2] =	wrdreg s24  }
0xaf: {  	[dreg:$0x3] =	wrdreg s2  }
0xb0: {  	[dreg:$0x4] =	wrdreg $0x9  }
0xb1: {  	_ =	task.clear_ibuf [dreg:s7], $0x5FFFF;
	_ =	strace $0x90000046  }
0xb2: {  	s29 =	simm.s32 $0x9;
	_ =	strace $0x80000048  }
0xb3: {  	_ =	swait.ge [sflag:s29], $0x1  }
0xb4: {  	[sflag:s29] =	ssyncadd.s32 $0xFFFFFFFF  }
0xb5: {  	_ =	strace $0x90000048  }
0xb6: {  	_ =	sfence  }
0xb7: {  	s30 =	sld [smem:$0x0];
	_ =	sdelay $0x2  }
0xb8: {  	s31 =	sshll.u32 s1, $0xD;
	s1 =	sshrl.u32 s1, $0x2  }
0xb9: {  	s3 =	sand.u32 $0x4000, s31;
	s1 =	sadd.s32 s1, s30  }
0xba: {  	s0 =	sor.u32 s3, s0;
	s1 =	sshll.u32 s1, $0x11  }
0xbb: {  	s0 =	sor.u32 s1, s0  }
0xbc: {  	s0 =	sadd.s32 $0x8F2B, s0  }
0xbd: {  	[sflag:s0] =	ssyncadd.remote.s32 $0x1  }
0xbe: {  	_ =	sfence.sel $0xFFFF  }
0xbf: {  	[dreg:$0x0] =	wrdreg $0xFFFFFFFF;
	(pc) =	sbr.abs _section_cstart, $3  }
0xc0: {  	[dreg:$0x1] =	wrdreg $0xFFFFFFFF  }
0xc1: {  	_ =	task.clear_ibuf [dreg:s7], $0x2FFFF;
	_ =	strace $0x9FFFFFFF  }
0xc2: {  	(tm) =	ssettm $0x7FFFFFFF  }
0xc3: {  	_ =	shalt  }
tec
execute0_lowered:
.L_overlay_start_1:
0x0: {  	(tag) =	ssettag $0x1  }
0x1: {  	s1 =	srdreg.scid;
	s4 =	rddreg [dreg:$0x0]  }
0x2: {  	s0 =	stileid.u32;
	s3 =	simm.s32 $0x1;
	s7 =	rddreg [dreg:$0x1]  }
0x3: {  	v0 =	vlaneseq.u32;
	s18 =	simm.s32 $0x100;
	s20 =	simm.s32 $0x180;
	s21 =	simm.s32 $0x980  }
0x4: {  	s22 =	simm.s32 $0x200;
	s23 =	simm.s32 $0xA00;
	s24 =	simm.s32 $0x280;
	v1 =	vand.u32 $0x7, v0;
	v0 =	vshrl.u32 v0, $0x3  }
0x5: {  	s25 =	simm.s32 $0xA80;
	s8 =	simm.s32 $0x2;
	s26 =	simm.s32 $0x300;
	v2 =	vor.u32 $0x2, v0;
	v4 =	vor.u32 $0x6, v0;
	v5 =	vor.u32 $0x8, v0  }
0x6: {  	s9 =	simm.s32 $0x900;
	s1 =	sand.u32 $0x1, s1;
	s2 =	sshll.u32 s0, $0x1;
	v6 =	vor.u32 $0xA, v0;
	v7 =	vor.u32 $0xC, v0;
	v8 =	vor.u32 $0xE, v0  }
0x7: {  	s13 =	simm.s32 $0xC00;
	s14 =	simm.s32 $0x480;
	s2 =	sor.u32 s1, s2;
	v9 =	vor.u32 $0x10, v0;
	v10 =	vor.u32 $0x12, v0;
	v11 =	vor.u32 $0x14, v0  }
0x8: {  	v12 =	vor.u32 $0x16, v0;
	v13 =	vor.u32 $0x18, v0;
	v14 =	vor.u32 $0x1A, v0;
	p0 =	seq.s32 s2, $0x0;
	s5 =	sshll.u32 s2, $0x8;
	s2 =	sshll.u32 s2, $0x7  }
0x9: {  	s28 =	simm.s32 $0xF80;
	v15 =	vor.u32 $0x1C, v0;
	v16 =	vor.u32 $0x1E, v0;
	v17 =	vor.u32 $0x20, v0;
	s6 =	sand.u32 $0x1800, s5;
	s2 =	sand.u32 $0x380, s2  }
0xa: {  	s29 =	simm.s32 $0x800;
	v18 =	vor.u32 $0x22, v0;
	v19 =	vor.u32 $0x24, v0;
	[tilespmem:$0x1FFE0] =	vst v2;
	v2 =	vor.u32 $0x4, v0;
	s6 =	sor.u32 s2, s6;
	s2 =	simm.s32 $0x0  }
0xb: {  	s30 =	simm.s32 $0x1000;
	v20 =	vor.u32 $0x26, v0;
	v21 =	vor.u32 $0x28, v0;
	v22 =	vor.u32 $0x2A, v0;
	[tilespmem:$0x1FFF0] =	vst v2;
	s17 =	sadd.s32 s7, s5;
	[smem:$0x7FF] =	sst s2  }
0xc: {  	s31 =	simm.s32 $0x880;
	v23 =	vor.u32 $0x2C, v0;
	v24 =	vor.u32 $0x2E, v0;
	v25 =	vor.u32 $0x30, v0;
	_ =	strace $0x80000047;
	[dreg:$0x4] =	wrdreg s17  }
0xd: {  	p1 =	seq.s32 s1, $0x1;
	s1 =	ssub.s32 $0x2, s1;
	v26 =	vor.u32 $0x32, v0;
	v27 =	vor.u32 $0x34, v0;
	v28 =	vor.u32 $0x36, v0;
	[dreg:$0x5] =	wrdreg s18  }
0xe: {  	v29 =	vor.u32 $0x38, v0;
	v30 =	vor.u32 $0x3A, v0;
	v31 =	vor.u32 $0x3C, v0;
	s19 =	sshrl.u32 s1, $0x1;
	p0 =	por !p0, !p1;
	[dreg:$0x6] =	wrdreg s20  }
0xf: {  	v32 =	vor.u32 $0x3E, v0;
	v33 =	vor.u32 $0x40, v0;
	v34 =	vor.u32 $0x42, v0;
	s1 =	ssub.s32 s1, s19;
	s7 =	simm.s32 $0x400;
	[dreg:$0x7] =	wrdreg s21  }
0x10: {  	v35 =	vor.u32 $0x44, v0;
	v36 =	vor.u32 $0x46, v0;
	v37 =	vor.u32 $0x48, v0;
	s19 =	simm.s32 $0xD80;
	p0 =	por !p0, !p0;
	[dreg:$0x8] =	wrdreg s22  }
0x11: {  	v38 =	vor.u32 $0x4A, v0;
	v39 =	vor.u32 $0x4C, v0;
	v40 =	vor.u32 $0x4E, v0;
	s5 =	smax.u32 s1, $0x1;
	s1 =	simm.s32 $0x1080;
	[dreg:$0x9] =	wrdreg s23  }
0x12: {  	v41 =	vor.u32 $0x50, v0;
	v42 =	vor.u32 $0x52, v0;
	v43 =	vor.u32 $0x54, v0;
	s3 =	simm.s32 @!p0 $0x0;
	s15 =	sshrl.u32 s6, $0x3;
	[dreg:$0xa] =	wrdreg s24  }
0x13: {  	v44 =	vor.u32 $0x56, v0;
	v45 =	vor.u32 $0x58, v0;
	v46 =	vor.u32 $0x5A, v0;
	s6 =	simm.s32 $0x80;
	s3 =	ssub.s32 s0, s3;
	[dreg:$0xb] =	wrdreg s25  }
0x14: {  	v47 =	vor.u32 $0x5C, v0;
	v48 =	vor.u32 $0x5E, v0;
	v49 =	vor.u32 $0x60, v0;
	[dreg:$0xc] =	wrdreg s26;
	s17 =	simm.s32 $0xD00;
	s18 =	simm.s32 $0x580  }
0x15: {  	v50 =	vor.u32 $0x62, v0;
	v51 =	vor.u32 $0x64, v0;
	v52 =	vor.u32 $0x66, v0;
	s20 =	simm.s32 $0x600;
	s21 =	simm.s32 $0xE00;
	s22 =	simm.s32 $0x680  }
0x16: {  	v53 =	vor.u32 $0x68, v0;
	v54 =	vor.u32 $0x6A, v0;
	v55 =	vor.u32 $0x6C, v0;
	s23 =	simm.s32 $0xE80;
	s24 =	simm.s32 $0x700;
	s3 =	sshll.u32 s3, $0x15  }
0x17: {  	v56 =	vor.u32 $0x6E, v0;
	v57 =	vor.u32 $0x70, v0;
	s25 =	simm.s32 $0xF00;
	s26 =	simm.s32 $0x780;
	v1 =	vor.u32 s3, v1;
	s3 =	sadd.s32 s15, s4  }
0x18: {  	v58 =	vor.u32 $0x72, v0;
	v59 =	vor.u32 $0x74, v0;
	v60 =	vor.u32 $0x76, v0;
	s15 =	simm.s32 $0xC80;
	s16 =	sadd.s32 $0x600, s3;
	s3 =	sadd.s32 $0x4000600, s4  }
0x19: {  	v61 =	vor.u32 $0x78, v0;
	v62 =	vor.u32 $0x7A, v0;
	v63 =	vor.u32 $0x7C, v0;
	s4 =	simm.s32 $0x1;
	[dreg:$0x3] =	wrdreg s16;
	s16 =	simm.s32 $0x500  }
.LBB2_1:
0x1a: {  	s0 =	rddreg [dreg:$0x3]  }
0x1b: {  	[tilespmem:s2], [sflag:$0x2] =	stream.strided.gather [hbm4b:s0+s6], $0x100, s7, s6, $0x38;
	[tilespmem:$0x1100] =	vst v63  }
0x1c: {  	_ =	swait.ge [sflag:s8], $0x100  }
0x1d: {  	[sflag:s8] =	ssyncset.done $0x0  }
0x1e: {  	[sflag:s8] =	ssyncadd.s32 $0xFFFFFF00  }
0x1f: {  	v2 =	vld.idx.msk [tilespmem:v0+s2+$0x0], $0xffff;
	_ =	sdelay $0x4  }
0x20: {  	v2 =	vshll.u32 v2, $0x3  }
0x21: {  	v2 =	vadd.s32 v1, v2  }
0x22: {  	[tilespmem:$0x100] =	vst v2;
	v2 =	vld [tilespmem:$0x1FFE0];
	_ =	sdelay $0x7  }
0x23: {  	v2 =	vld.idx.msk [tilespmem:v2+s2+$0x0], $0xffff;
	_ =	sdelay $0x4  }
0x24: {  	v2 =	vshll.u32 v2, $0x3  }
0x25: {  	v2 =	vadd.s32 v1, v2  }
0x26: {  	[tilespmem:$0x110] =	vst v2;
	v2 =	vld [tilespmem:$0x1FFF0];
	_ =	sdelay $0x7  }
0x27: {  	v2 =	vld.idx.msk [tilespmem:v2+s2+$0x0], $0xffff;
	_ =	sdelay $0x4  }
0x28: {  	v2 =	vshll.u32 v2, $0x3  }
0x29: {  	v2 =	vadd.s32 v1, v2  }
0x2a: {  	[tilespmem:$0x120] =	vst v2  }
0x2b: {  	v2 =	vld.idx.msk [tilespmem:v4+s2+$0x0], $0xffff;
	_ =	sdelay $0x4  }
0x2c: {  	v2 =	vshll.u32 v2, $0x3  }
0x2d: {  	v2 =	vadd.s32 v1, v2  }
0x2e: {  	[tilespmem:$0x130] =	vst v2  }
0x2f: {  	v2 =	vld.idx.msk [tilespmem:v5+s2+$0x0], $0xffff;
	_ =	sdelay $0x4  }
0x30: {  	v2 =	vshll.u32 v2, $0x3  }
0x31: {  	v2 =	vadd.s32 v1, v2  }
0x32: {  	[tilespmem:$0x140] =	vst v2  }
0x33: {  	v2 =	vld.idx.msk [tilespmem:v6+s2+$0x0], $0xffff;
	_ =	sdelay $0x4  }
0x34: {  	v2 =	vshll.u32 v2, $0x3  }
0x35: {  	v2 =	vadd.s32 v1, v2  }
0x36: {  	[tilespmem:$0x150] =	vst v2  }
0x37: {  	v2 =	vld.idx.msk [tilespmem:v7+s2+$0x0], $0xffff;
	_ =	sdelay $0x4  }
0x38: {  	v2 =	vshll.u32 v2, $0x3  }
0x39: {  	v2 =	vadd.s32 v1, v2  }
0x3a: {  	[tilespmem:$0x160] =	vst v2  }
0x3b: {  	v2 =	vld.idx.msk [tilespmem:v8+s2+$0x0], $0xffff;
	_ =	sdelay $0x4  }
0x3c: {  	v2 =	vshll.u32 v2, $0x3  }
0x3d: {  	v2 =	vadd.s32 v1, v2  }
0x3e: {  	[tilespmem:$0x170] =	vst v2  }
0x3f: {  	v2 =	vld.idx.msk [tilespmem:v9+s2+$0x0], $0xffff;
	_ =	sdelay $0x4  }
0x40: {  	v2 =	vshll.u32 v2, $0x3  }
0x41: {  	v2 =	vadd.s32 v1, v2  }
0x42: {  	[tilespmem:$0x180] =	vst v2  }
0x43: {  	v2 =	vld.idx.msk [tilespmem:v10+s2+$0x0], $0xffff;
	_ =	sdelay $0x4  }
0x44: {  	v2 =	vshll.u32 v2, $0x3  }
0x45: {  	v2 =	vadd.s32 v1, v2  }
0x46: {  	[tilespmem:$0x190] =	vst v2  }
0x47: {  	v2 =	vld.idx.msk [tilespmem:v11+s2+$0x0], $0xffff;
	_ =	sdelay $0x4  }
0x48: {  	v2 =	vshll.u32 v2, $0x3  }
0x49: {  	v2 =	vadd.s32 v1, v2  }
0x4a: {  	[tilespmem:$0x1A0] =	vst v2  }
0x4b: {  	v2 =	vld.idx.msk [tilespmem:v12+s2+$0x0], $0xffff;
	_ =	sdelay $0x4  }
0x4c: {  	v2 =	vshll.u32 v2, $0x3  }
0x4d: {  	v2 =	vadd.s32 v1, v2  }
0x4e: {  	[tilespmem:$0x1B0] =	vst v2  }
0x4f: {  	v2 =	vld.idx.msk [tilespmem:v13+s2+$0x0], $0xffff;
	_ =	sdelay $0x4  }
0x50: {  	v2 =	vshll.u32 v2, $0x3  }
0x51: {  	v2 =	vadd.s32 v1, v2  }
0x52: {  	[tilespmem:$0x1C0] =	vst v2  }
0x53: {  	v2 =	vld.idx.msk [tilespmem:v14+s2+$0x0], $0xffff;
	_ =	sdelay $0x4  }
0x54: {  	v2 =	vshll.u32 v2, $0x3  }
0x55: {  	v2 =	vadd.s32 v1, v2  }
0x56: {  	[tilespmem:$0x1D0] =	vst v2  }
0x57: {  	v2 =	vld.idx.msk [tilespmem:v15+s2+$0x0], $0xffff;
	_ =	sdelay $0x4  }
0x58: {  	v2 =	vshll.u32 v2, $0x3  }
0x59: {  	v2 =	vadd.s32 v1, v2  }
0x5a: {  	[tilespmem:$0x1E0] =	vst v2  }
0x5b: {  	v2 =	vld.idx.msk [tilespmem:v16+s2+$0x0], $0xffff;
	_ =	sdelay $0x4  }
0x5c: {  	v2 =	vshll.u32 v2, $0x3  }
0x5d: {  	v2 =	vadd.s32 v1, v2  }
0x5e: {  	[tilespmem:$0x1F0] =	vst v2  }
0x5f: {  	v2 =	vld.idx.msk [tilespmem:v17+s2+$0x0], $0xffff;
	_ =	sdelay $0x4  }
0x60: {  	v2 =	vshll.u32 v2, $0x3  }
0x61: {  	v2 =	vadd.s32 v1, v2  }
0x62: {  	[tilespmem:$0x200] =	vst v2  }
0x63: {  	v2 =	vld.idx.msk [tilespmem:v18+s2+$0x0], $0xffff;
	_ =	sdelay $0x4  }
0x64: {  	v2 =	vshll.u32 v2, $0x3  }
0x65: {  	v2 =	vadd.s32 v1, v2  }
0x66: {  	[tilespmem:$0x210] =	vst v2  }
0x67: {  	v2 =	vld.idx.msk [tilespmem:v19+s2+$0x0], $0xffff;
	_ =	sdelay $0x4  }
0x68: {  	v2 =	vshll.u32 v2, $0x3  }
0x69: {  	v2 =	vadd.s32 v1, v2  }
0x6a: {  	[tilespmem:$0x220] =	vst v2  }
0x6b: {  	v2 =	vld.idx.msk [tilespmem:v20+s2+$0x0], $0xffff;
	_ =	sdelay $0x4  }
0x6c: {  	v2 =	vshll.u32 v2, $0x3  }
0x6d: {  	v2 =	vadd.s32 v1, v2  }
0x6e: {  	[tilespmem:$0x230] =	vst v2  }
0x6f: {  	v2 =	vld.idx.msk [tilespmem:v21+s2+$0x0], $0xffff;
	_ =	sdelay $0x4  }
0x70: {  	v2 =	vshll.u32 v2, $0x3  }
0x71: {  	v2 =	vadd.s32 v1, v2  }
0x72: {  	[tilespmem:$0x240] =	vst v2  }
0x73: {  	v2 =	vld.idx.msk [tilespmem:v22+s2+$0x0], $0xffff;
	_ =	sdelay $0x4  }
0x74: {  	v2 =	vshll.u32 v2, $0x3  }
0x75: {  	v2 =	vadd.s32 v1, v2  }
0x76: {  	[tilespmem:$0x250] =	vst v2  }
0x77: {  	v2 =	vld.idx.msk [tilespmem:v23+s2+$0x0], $0xffff;
	_ =	sdelay $0x4  }
0x78: {  	v2 =	vshll.u32 v2, $0x3  }
0x79: {  	v2 =	vadd.s32 v1, v2  }
0x7a: {  	[tilespmem:$0x260] =	vst v2  }
0x7b: {  	v2 =	vld.idx.msk [tilespmem:v24+s2+$0x0], $0xffff;
	_ =	sdelay $0x4  }
0x7c: {  	v2 =	vshll.u32 v2, $0x3  }
0x7d: {  	v2 =	vadd.s32 v1, v2  }
0x7e: {  	[tilespmem:$0x270] =	vst v2  }
0x7f: {  	v2 =	vld.idx.msk [tilespmem:v25+s2+$0x0], $0xffff;
	_ =	sdelay $0x4  }
0x80: {  	v2 =	vshll.u32 v2, $0x3  }
0x81: {  	v2 =	vadd.s32 v1, v2  }
0x82: {  	[tilespmem:$0x280] =	vst v2  }
0x83: {  	v2 =	vld.idx.msk [tilespmem:v26+s2+$0x0], $0xffff;
	_ =	sdelay $0x4  }
0x84: {  	v2 =	vshll.u32 v2, $0x3  }
0x85: {  	v2 =	vadd.s32 v1, v2  }
0x86: {  	[tilespmem:$0x290] =	vst v2  }
0x87: {  	v2 =	vld.idx.msk [tilespmem:v27+s2+$0x0], $0xffff;
	_ =	sdelay $0x4  }
0x88: {  	v2 =	vshll.u32 v2, $0x3  }
0x89: {  	v2 =	vadd.s32 v1, v2  }
0x8a: {  	[tilespmem:$0x2A0] =	vst v2  }
0x8b: {  	v2 =	vld.idx.msk [tilespmem:v28+s2+$0x0], $0xffff;
	_ =	sdelay $0x4  }
0x8c: {  	v2 =	vshll.u32 v2, $0x3  }
0x8d: {  	v2 =	vadd.s32 v1, v2  }
0x8e: {  	[tilespmem:$0x2B0] =	vst v2  }
0x8f: {  	v2 =	vld.idx.msk [tilespmem:v29+s2+$0x0], $0xffff;
	_ =	sdelay $0x4  }
0x90: {  	v2 =	vshll.u32 v2, $0x3  }
0x91: {  	v2 =	vadd.s32 v1, v2  }
0x92: {  	[tilespmem:$0x2C0] =	vst v2  }
0x93: {  	v2 =	vld.idx.msk [tilespmem:v30+s2+$0x0], $0xffff;
	_ =	sdelay $0x4  }
0x94: {  	v2 =	vshll.u32 v2, $0x3  }
0x95: {  	v2 =	vadd.s32 v1, v2  }
0x96: {  	[tilespmem:$0x2D0] =	vst v2  }
0x97: {  	v2 =	vld.idx.msk [tilespmem:v31+s2+$0x0], $0xffff;
	_ =	sdelay $0x4  }
0x98: {  	v2 =	vshll.u32 v2, $0x3  }
0x99: {  	v2 =	vadd.s32 v1, v2  }
0x9a: {  	[tilespmem:$0x2E0] =	vst v2  }
0x9b: {  	v2 =	vld.idx.msk [tilespmem:v32+s2+$0x0], $0xffff;
	_ =	sdelay $0x4  }
0x9c: {  	v2 =	vshll.u32 v2, $0x3  }
0x9d: {  	v2 =	vadd.s32 v1, v2  }
0x9e: {  	[tilespmem:$0x2F0] =	vst v2  }
0x9f: {  	v2 =	vld.idx.msk [tilespmem:v33+s2+$0x0], $0xffff;
	_ =	sdelay $0x4  }
0xa0: {  	v2 =	vshll.u32 v2, $0x3  }
0xa1: {  	v2 =	vadd.s32 v1, v2  }
0xa2: {  	[tilespmem:$0x300] =	vst v2  }
0xa3: {  	v2 =	vld.idx.msk [tilespmem:v34+s2+$0x0], $0xffff;
	_ =	sdelay $0x4  }
0xa4: {  	v2 =	vshll.u32 v2, $0x3  }
0xa5: {  	v2 =	vadd.s32 v1, v2  }
0xa6: {  	[tilespmem:$0x310] =	vst v2  }
0xa7: {  	v2 =	vld.idx.msk [tilespmem:v35+s2+$0x0], $0xffff;
	_ =	sdelay $0x4  }
0xa8: {  	v2 =	vshll.u32 v2, $0x3  }
0xa9: {  	v2 =	vadd.s32 v1, v2  }
0xaa: {  	[tilespmem:$0x320] =	vst v2  }
0xab: {  	v2 =	vld.idx.msk [tilespmem:v36+s2+$0x0], $0xffff;
	_ =	sdelay $0x4  }
0xac: {  	v2 =	vshll.u32 v2, $0x3  }
0xad: {  	v2 =	vadd.s32 v1, v2  }
0xae: {  	[tilespmem:$0x330] =	vst v2  }
0xaf: {  	v2 =	vld.idx.msk [tilespmem:v37+s2+$0x0], $0xffff;
	_ =	sdelay $0x4  }
0xb0: {  	v2 =	vshll.u32 v2, $0x3  }
0xb1: {  	v2 =	vadd.s32 v1, v2  }
0xb2: {  	[tilespmem:$0x340] =	vst v2  }
0xb3: {  	v2 =	vld.idx.msk [tilespmem:v38+s2+$0x0], $0xffff;
	_ =	sdelay $0x4  }
0xb4: {  	v2 =	vshll.u32 v2, $0x3  }
0xb5: {  	v2 =	vadd.s32 v1, v2  }
0xb6: {  	[tilespmem:$0x350] =	vst v2  }
0xb7: {  	v2 =	vld.idx.msk [tilespmem:v39+s2+$0x0], $0xffff;
	_ =	sdelay $0x4  }
0xb8: {  	v2 =	vshll.u32 v2, $0x3  }
0xb9: {  	v2 =	vadd.s32 v1, v2  }
0xba: {  	[tilespmem:$0x360] =	vst v2  }
0xbb: {  	v2 =	vld.idx.msk [tilespmem:v40+s2+$0x0], $0xffff;
	_ =	sdelay $0x4  }
0xbc: {  	v2 =	vshll.u32 v2, $0x3  }
0xbd: {  	v2 =	vadd.s32 v1, v2  }
0xbe: {  	[tilespmem:$0x370] =	vst v2  }
0xbf: {  	v2 =	vld.idx.msk [tilespmem:v41+s2+$0x0], $0xffff;
	_ =	sdelay $0x4  }
0xc0: {  	v2 =	vshll.u32 v2, $0x3  }
0xc1: {  	v2 =	vadd.s32 v1, v2  }
0xc2: {  	[tilespmem:$0x380] =	vst v2  }
0xc3: {  	v2 =	vld.idx.msk [tilespmem:v42+s2+$0x0], $0xffff;
	_ =	sdelay $0x4  }
0xc4: {  	v2 =	vshll.u32 v2, $0x3  }
0xc5: {  	v2 =	vadd.s32 v1, v2  }
0xc6: {  	[tilespmem:$0x390] =	vst v2  }
0xc7: {  	v2 =	vld.idx.msk [tilespmem:v43+s2+$0x0], $0xffff;
	_ =	sdelay $0x4  }
0xc8: {  	v2 =	vshll.u32 v2, $0x3  }
0xc9: {  	v2 =	vadd.s32 v1, v2  }
0xca: {  	[tilespmem:$0x3A0] =	vst v2  }
0xcb: {  	v2 =	vld.idx.msk [tilespmem:v44+s2+$0x0], $0xffff;
	_ =	sdelay $0x4  }
0xcc: {  	v2 =	vshll.u32 v2, $0x3  }
0xcd: {  	v2 =	vadd.s32 v1, v2  }
0xce: {  	[tilespmem:$0x3B0] =	vst v2  }
0xcf: {  	v2 =	vld.idx.msk [tilespmem:v45+s2+$0x0], $0xffff;
	_ =	sdelay $0x4  }
0xd0: {  	v2 =	vshll.u32 v2, $0x3  }
0xd1: {  	v2 =	vadd.s32 v1, v2  }
0xd2: {  	[tilespmem:$0x3C0] =	vst v2  }
0xd3: {  	v2 =	vld.idx.msk [tilespmem:v46+s2+$0x0], $0xffff;
	_ =	sdelay $0x4  }
0xd4: {  	v2 =	vshll.u32 v2, $0x3  }
0xd5: {  	v2 =	vadd.s32 v1, v2  }
0xd6: {  	[tilespmem:$0x3D0] =	vst v2  }
0xd7: {  	v2 =	vld.idx.msk [tilespmem:v47+s2+$0x0], $0xffff;
	_ =	sdelay $0x4  }
0xd8: {  	v2 =	vshll.u32 v2, $0x3  }
0xd9: {  	v2 =	vadd.s32 v1, v2  }
0xda: {  	[tilespmem:$0x3E0] =	vst v2  }
0xdb: {  	v2 =	vld.idx.msk [tilespmem:v48+s2+$0x0], $0xffff;
	_ =	sdelay $0x4  }
0xdc: {  	v2 =	vshll.u32 v2, $0x3  }
0xdd: {  	v2 =	vadd.s32 v1, v2  }
0xde: {  	[tilespmem:$0x3F0] =	vst v2  }
0xdf: {  	v2 =	vld.idx.msk [tilespmem:v49+s2+$0x0], $0xffff;
	_ =	sdelay $0x4  }
0xe0: {  	v2 =	vshll.u32 v2, $0x3  }
0xe1: {  	v2 =	vadd.s32 v1, v2  }
0xe2: {  	[tilespmem:$0x400] =	vst v2  }
0xe3: {  	v2 =	vld.idx.msk [tilespmem:v50+s2+$0x0], $0xffff;
	_ =	sdelay $0x4  }
0xe4: {  	v2 =	vshll.u32 v2, $0x3  }
0xe5: {  	v2 =	vadd.s32 v1, v2  }
0xe6: {  	[tilespmem:$0x410] =	vst v2  }
0xe7: {  	v2 =	vld.idx.msk [tilespmem:v51+s2+$0x0], $0xffff;
	_ =	sdelay $0x4  }
0xe8: {  	v2 =	vshll.u32 v2, $0x3  }
0xe9: {  	v2 =	vadd.s32 v1, v2  }
0xea: {  	[tilespmem:$0x420] =	vst v2  }
0xeb: {  	v2 =	vld.idx.msk [tilespmem:v52+s2+$0x0], $0xffff;
	_ =	sdelay $0x4  }
0xec: {  	v2 =	vshll.u32 v2, $0x3  }
0xed: {  	v2 =	vadd.s32 v1, v2  }
0xee: {  	[tilespmem:$0x430] =	vst v2  }
0xef: {  	v2 =	vld.idx.msk [tilespmem:v53+s2+$0x0], $0xffff;
	_ =	sdelay $0x4  }
0xf0: {  	v2 =	vshll.u32 v2, $0x3  }
0xf1: {  	v2 =	vadd.s32 v1, v2  }
0xf2: {  	[tilespmem:$0x440] =	vst v2  }
0xf3: {  	v2 =	vld.idx.msk [tilespmem:v54+s2+$0x0], $0xffff;
	_ =	sdelay $0x4  }
0xf4: {  	v2 =	vshll.u32 v2, $0x3  }
0xf5: {  	v2 =	vadd.s32 v1, v2  }
0xf6: {  	[tilespmem:$0x450] =	vst v2  }
0xf7: {  	v2 =	vld.idx.msk [tilespmem:v55+s2+$0x0], $0xffff;
	_ =	sdelay $0x4  }
0xf8: {  	v2 =	vshll.u32 v2, $0x3  }
0xf9: {  	v2 =	vadd.s32 v1, v2  }
0xfa: {  	[tilespmem:$0x460] =	vst v2  }
0xfb: {  	v2 =	vld.idx.msk [tilespmem:v56+s2+$0x0], $0xffff;
	_ =	sdelay $0x4  }
0xfc: {  	v2 =	vshll.u32 v2, $0x3  }
0xfd: {  	v2 =	vadd.s32 v1, v2  }
0xfe: {  	[tilespmem:$0x470] =	vst v2  }
0xff: {  	v2 =	vld.idx.msk [tilespmem:v57+s2+$0x0], $0xffff;
	_ =	sdelay $0x4  }
0x100: {  	v2 =	vshll.u32 v2, $0x3  }
0x101: {  	v2 =	vadd.s32 v1, v2  }
0x102: {  	[tilespmem:$0x480] =	vst v2  }
0x103: {  	v2 =	vld.idx.msk [tilespmem:v58+s2+$0x0], $0xffff;
	_ =	sdelay $0x4  }
0x104: {  	v2 =	vshll.u32 v2, $0x3  }
0x105: {  	v2 =	vadd.s32 v1, v2  }
0x106: {  	[tilespmem:$0x490] =	vst v2  }
0x107: {  	v2 =	vld.idx.msk [tilespmem:v59+s2+$0x0], $0xffff;
	_ =	sdelay $0x4  }
0x108: {  	v2 =	vshll.u32 v2, $0x3  }
0x109: {  	v2 =	vadd.s32 v1, v2  }
0x10a: {  	[tilespmem:$0x4A0] =	vst v2  }
0x10b: {  	v2 =	vld.idx.msk [tilespmem:v60+s2+$0x0], $0xffff;
	_ =	sdelay $0x4  }
0x10c: {  	v2 =	vshll.u32 v2, $0x3  }
0x10d: {  	v2 =	vadd.s32 v1, v2  }
0x10e: {  	[tilespmem:$0x4B0] =	vst v2  }
0x10f: {  	v2 =	vld.idx.msk [tilespmem:v61+s2+$0x0], $0xffff;
	_ =	sdelay $0x4  }
0x110: {  	v2 =	vshll.u32 v2, $0x3  }
0x111: {  	v2 =	vadd.s32 v1, v2  }
0x112: {  	[tilespmem:$0x4C0] =	vst v2  }
0x113: {  	v2 =	vld.idx.msk [tilespmem:v62+s2+$0x0], $0xffff;
	_ =	sdelay $0x4  }
0x114: {  	v2 =	vshll.u32 v2, $0x3  }
0x115: {  	v2 =	vadd.s32 v1, v2  }
0x116: {  	[tilespmem:$0x4D0] =	vst v2  }
0x117: {  	v2 =	vld.idx.msk [tilespmem:v63+s2+$0x0], $0xffff;
	_ =	sdelay $0x2  }
0x118: {  	v3 =	vor.u32 $0x7E, v0;
	_ =	sdelay $0x1  }
0x119: {  	v2 =	vshll.u32 v2, $0x3  }
0x11a: {  	v2 =	vadd.s32 v1, v2  }
0x11b: {  	[tilespmem:$0x4E0] =	vst v2  }
0x11c: {  	v2 =	vld.idx.msk [tilespmem:v3+s2+$0x0], $0xffff;
	_ =	sdelay $0x2  }
0x11d: {  	v3 =	vor.u32 $0x80, v0;
	_ =	sdelay $0x1  }
0x11e: {  	v2 =	vshll.u32 v2, $0x3  }
0x11f: {  	v2 =	vadd.s32 v1, v2  }
0x120: {  	[tilespmem:$0x4F0] =	vst v2  }
0x121: {  	v2 =	vld.idx.msk [tilespmem:v3+s2+$0x0], $0xffff;
	_ =	sdelay $0x2  }
0x122: {  	v3 =	vor.u32 $0x82, v0;
	_ =	sdelay $0x1  }
0x123: {  	v2 =	vshll.u32 v2, $0x3  }
0x124: {  	v2 =	vadd.s32 v1, v2  }
0x125: {  	[tilespmem:$0x500] =	vst v2  }
0x126: {  	v2 =	vld.idx.msk [tilespmem:v3+s2+$0x0], $0xffff;
	_ =	sdelay $0x2  }
0x127: {  	v3 =	vor.u32 $0x84, v0;
	_ =	sdelay $0x1  }
0x128: {  	v2 =	vshll.u32 v2, $0x3  }
0x129: {  	v2 =	vadd.s32 v1, v2  }
0x12a: {  	[tilespmem:$0x510] =	vst v2  }
0x12b: {  	v2 =	vld.idx.msk [tilespmem:v3+s2+$0x0], $0xffff;
	_ =	sdelay $0x2  }
0x12c: {  	v3 =	vor.u32 $0x86, v0;
	_ =	sdelay $0x1  }
0x12d: {  	v2 =	vshll.u32 v2, $0x3  }
0x12e: {  	v2 =	vadd.s32 v1, v2  }
0x12f: {  	[tilespmem:$0x520] =	vst v2  }
0x130: {  	v2 =	vld.idx.msk [tilespmem:v3+s2+$0x0], $0xffff;
	_ =	sdelay $0x2  }
0x131: {  	v3 =	vor.u32 $0x88, v0;
	_ =	sdelay $0x1  }
0x132: {  	v2 =	vshll.u32 v2, $0x3  }
0x133: {  	v2 =	vadd.s32 v1, v2  }
0x134: {  	[tilespmem:$0x530] =	vst v2  }
0x135: {  	v2 =	vld.idx.msk [tilespmem:v3+s2+$0x0], $0xffff;
	_ =	sdelay $0x2  }
0x136: {  	v3 =	vor.u32 $0x8A, v0;
	_ =	sdelay $0x1  }
0x137: {  	v2 =	vshll.u32 v2, $0x3  }
0x138: {  	v2 =	vadd.s32 v1, v2  }
0x139: {  	[tilespmem:$0x540] =	vst v2  }
0x13a: {  	v2 =	vld.idx.msk [tilespmem:v3+s2+$0x0], $0xffff;
	_ =	sdelay $0x2  }
0x13b: {  	v3 =	vor.u32 $0x8C, v0;
	_ =	sdelay $0x1  }
0x13c: {  	v2 =	vshll.u32 v2, $0x3  }
0x13d: {  	v2 =	vadd.s32 v1, v2  }
0x13e: {  	[tilespmem:$0x550] =	vst v2  }
0x13f: {  	v2 =	vld.idx.msk [tilespmem:v3+s2+$0x0], $0xffff;
	_ =	sdelay $0x2  }
0x140: {  	v3 =	vor.u32 $0x8E, v0;
	_ =	sdelay $0x1  }
0x141: {  	v2 =	vshll.u32 v2, $0x3  }
0x142: {  	v2 =	vadd.s32 v1, v2  }
0x143: {  	[tilespmem:$0x560] =	vst v2  }
0x144: {  	v2 =	vld.idx.msk [tilespmem:v3+s2+$0x0], $0xffff;
	_ =	sdelay $0x2  }
0x145: {  	v3 =	vor.u32 $0x90, v0;
	_ =	sdelay $0x1  }
0x146: {  	v2 =	vshll.u32 v2, $0x3  }
0x147: {  	v2 =	vadd.s32 v1, v2  }
0x148: {  	[tilespmem:$0x570] =	vst v2  }
0x149: {  	v2 =	vld.idx.msk [tilespmem:v3+s2+$0x0], $0xffff;
	_ =	sdelay $0x2  }
0x14a: {  	v3 =	vor.u32 $0x92, v0;
	_ =	sdelay $0x1  }
0x14b: {  	v2 =	vshll.u32 v2, $0x3  }
0x14c: {  	v2 =	vadd.s32 v1, v2  }
0x14d: {  	[tilespmem:$0x580] =	vst v2  }
0x14e: {  	v2 =	vld.idx.msk [tilespmem:v3+s2+$0x0], $0xffff;
	_ =	sdelay $0x2  }
0x14f: {  	v3 =	vor.u32 $0x94, v0;
	_ =	sdelay $0x1  }
0x150: {  	v2 =	vshll.u32 v2, $0x3  }
0x151: {  	v2 =	vadd.s32 v1, v2  }
0x152: {  	[tilespmem:$0x590] =	vst v2  }
0x153: {  	v2 =	vld.idx.msk [tilespmem:v3+s2+$0x0], $0xffff;
	_ =	sdelay $0x2  }
0x154: {  	v3 =	vor.u32 $0x96, v0;
	_ =	sdelay $0x1  }
0x155: {  	v2 =	vshll.u32 v2, $0x3  }
0x156: {  	v2 =	vadd.s32 v1, v2  }
0x157: {  	[tilespmem:$0x5A0] =	vst v2  }
0x158: {  	v2 =	vld.idx.msk [tilespmem:v3+s2+$0x0], $0xffff;
	_ =	sdelay $0x2  }
0x159: {  	v3 =	vor.u32 $0x98, v0;
	_ =	sdelay $0x1  }
0x15a: {  	v2 =	vshll.u32 v2, $0x3  }
0x15b: {  	v2 =	vadd.s32 v1, v2  }
0x15c: {  	[tilespmem:$0x5B0] =	vst v2  }
0x15d: {  	v2 =	vld.idx.msk [tilespmem:v3+s2+$0x0], $0xffff;
	_ =	sdelay $0x2  }
0x15e: {  	v3 =	vor.u32 $0x9A, v0;
	_ =	sdelay $0x1  }
0x15f: {  	v2 =	vshll.u32 v2, $0x3  }
0x160: {  	v2 =	vadd.s32 v1, v2  }
0x161: {  	[tilespmem:$0x5C0] =	vst v2  }
0x162: {  	v2 =	vld.idx.msk [tilespmem:v3+s2+$0x0], $0xffff;
	_ =	sdelay $0x2  }
0x163: {  	v3 =	vor.u32 $0x9C, v0;
	_ =	sdelay $0x1  }
0x164: {  	v2 =	vshll.u32 v2, $0x3  }
0x165: {  	v2 =	vadd.s32 v1, v2  }
0x166: {  	[tilespmem:$0x5D0] =	vst v2  }
0x167: {  	v2 =	vld.idx.msk [tilespmem:v3+s2+$0x0], $0xffff;
	_ =	sdelay $0x2  }
0x168: {  	v3 =	vor.u32 $0x9E, v0;
	_ =	sdelay $0x1  }
0x169: {  	v2 =	vshll.u32 v2, $0x3  }
0x16a: {  	v2 =	vadd.s32 v1, v2  }
0x16b: {  	[tilespmem:$0x5E0] =	vst v2  }
0x16c: {  	v2 =	vld.idx.msk [tilespmem:v3+s2+$0x0], $0xffff;
	_ =	sdelay $0x2  }
0x16d: {  	v3 =	vor.u32 $0xA0, v0;
	_ =	sdelay $0x1  }
0x16e: {  	v2 =	vshll.u32 v2, $0x3  }
0x16f: {  	v2 =	vadd.s32 v1, v2  }
0x170: {  	[tilespmem:$0x5F0] =	vst v2  }
0x171: {  	v2 =	vld.idx.msk [tilespmem:v3+s2+$0x0], $0xffff;
	_ =	sdelay $0x2  }
0x172: {  	v3 =	vor.u32 $0xA2, v0;
	_ =	sdelay $0x1  }
0x173: {  	v2 =	vshll.u32 v2, $0x3  }
0x174: {  	v2 =	vadd.s32 v1, v2  }
0x175: {  	[tilespmem:$0x600] =	vst v2  }
0x176: {  	v2 =	vld.idx.msk [tilespmem:v3+s2+$0x0], $0xffff;
	_ =	sdelay $0x2  }
0x177: {  	v3 =	vor.u32 $0xA4, v0;
	_ =	sdelay $0x1  }
0x178: {  	v2 =	vshll.u32 v2, $0x3  }
0x179: {  	v2 =	vadd.s32 v1, v2  }
0x17a: {  	[tilespmem:$0x610] =	vst v2  }
0x17b: {  	v2 =	vld.idx.msk [tilespmem:v3+s2+$0x0], $0xffff;
	_ =	sdelay $0x2  }
0x17c: {  	v3 =	vor.u32 $0xA6, v0;
	_ =	sdelay $0x1  }
0x17d: {  	v2 =	vshll.u32 v2, $0x3  }
0x17e: {  	v2 =	vadd.s32 v1, v2  }
0x17f: {  	[tilespmem:$0x620] =	vst v2  }
0x180: {  	v2 =	vld.idx.msk [tilespmem:v3+s2+$0x0], $0xffff;
	_ =	sdelay $0x2  }
0x181: {  	v3 =	vor.u32 $0xA8, v0;
	_ =	sdelay $0x1  }
0x182: {  	v2 =	vshll.u32 v2, $0x3  }
0x183: {  	v2 =	vadd.s32 v1, v2  }
0x184: {  	[tilespmem:$0x630] =	vst v2  }
0x185: {  	v2 =	vld.idx.msk [tilespmem:v3+s2+$0x0], $0xffff;
	_ =	sdelay $0x2  }
0x186: {  	v3 =	vor.u32 $0xAA, v0;
	_ =	sdelay $0x1  }
0x187: {  	v2 =	vshll.u32 v2, $0x3  }
0x188: {  	v2 =	vadd.s32 v1, v2  }
0x189: {  	[tilespmem:$0x640] =	vst v2  }
0x18a: {  	v2 =	vld.idx.msk [tilespmem:v3+s2+$0x0], $0xffff;
	_ =	sdelay $0x2  }
0x18b: {  	v3 =	vor.u32 $0xAC, v0;
	_ =	sdelay $0x1  }
0x18c: {  	v2 =	vshll.u32 v2, $0x3  }
0x18d: {  	v2 =	vadd.s32 v1, v2  }
0x18e: {  	[tilespmem:$0x650] =	vst v2  }
0x18f: {  	v2 =	vld.idx.msk [tilespmem:v3+s2+$0x0], $0xffff;
	_ =	sdelay $0x2  }
0x190: {  	v3 =	vor.u32 $0xAE, v0;
	_ =	sdelay $0x1  }
0x191: {  	v2 =	vshll.u32 v2, $0x3  }
0x192: {  	v2 =	vadd.s32 v1, v2  }
0x193: {  	[tilespmem:$0x660] =	vst v2  }
0x194: {  	v2 =	vld.idx.msk [tilespmem:v3+s2+$0x0], $0xffff;
	_ =	sdelay $0x2  }
0x195: {  	v3 =	vor.u32 $0xB0, v0;
	_ =	sdelay $0x1  }
0x196: {  	v2 =	vshll.u32 v2, $0x3  }
0x197: {  	v2 =	vadd.s32 v1, v2  }
0x198: {  	[tilespmem:$0x670] =	vst v2  }
0x199: {  	v2 =	vld.idx.msk [tilespmem:v3+s2+$0x0], $0xffff;
	_ =	sdelay $0x2  }
0x19a: {  	v3 =	vor.u32 $0xB2, v0;
	_ =	sdelay $0x1  }
0x19b: {  	v2 =	vshll.u32 v2, $0x3  }
0x19c: {  	v2 =	vadd.s32 v1, v2  }
0x19d: {  	[tilespmem:$0x680] =	vst v2  }
0x19e: {  	v2 =	vld.idx.msk [tilespmem:v3+s2+$0x0], $0xffff;
	_ =	sdelay $0x2  }
0x19f: {  	v3 =	vor.u32 $0xB4, v0;
	_ =	sdelay $0x1  }
0x1a0: {  	v2 =	vshll.u32 v2, $0x3  }
0x1a1: {  	v2 =	vadd.s32 v1, v2  }
0x1a2: {  	[tilespmem:$0x690] =	vst v2  }
0x1a3: {  	v2 =	vld.idx.msk [tilespmem:v3+s2+$0x0], $0xffff;
	_ =	sdelay $0x2  }
0x1a4: {  	v3 =	vor.u32 $0xB6, v0;
	_ =	sdelay $0x1  }
0x1a5: {  	v2 =	vshll.u32 v2, $0x3  }
0x1a6: {  	v2 =	vadd.s32 v1, v2  }
0x1a7: {  	[tilespmem:$0x6A0] =	vst v2  }
0x1a8: {  	v2 =	vld.idx.msk [tilespmem:v3+s2+$0x0], $0xffff;
	_ =	sdelay $0x2  }
0x1a9: {  	v3 =	vor.u32 $0xB8, v0;
	_ =	sdelay $0x1  }
0x1aa: {  	v2 =	vshll.u32 v2, $0x3  }
0x1ab: {  	v2 =	vadd.s32 v1, v2  }
0x1ac: {  	[tilespmem:$0x6B0] =	vst v2  }
0x1ad: {  	v2 =	vld.idx.msk [tilespmem:v3+s2+$0x0], $0xffff;
	_ =	sdelay $0x2  }
0x1ae: {  	v3 =	vor.u32 $0xBA, v0;
	_ =	sdelay $0x1  }
0x1af: {  	v2 =	vshll.u32 v2, $0x3  }
0x1b0: {  	v2 =	vadd.s32 v1, v2  }
0x1b1: {  	[tilespmem:$0x6C0] =	vst v2  }
0x1b2: {  	v2 =	vld.idx.msk [tilespmem:v3+s2+$0x0], $0xffff;
	_ =	sdelay $0x2  }
0x1b3: {  	v3 =	vor.u32 $0xBC, v0;
	_ =	sdelay $0x1  }
0x1b4: {  	v2 =	vshll.u32 v2, $0x3  }
0x1b5: {  	v2 =	vadd.s32 v1, v2  }
0x1b6: {  	[tilespmem:$0x6D0] =	vst v2  }
0x1b7: {  	v2 =	vld.idx.msk [tilespmem:v3+s2+$0x0], $0xffff;
	_ =	sdelay $0x2  }
0x1b8: {  	v3 =	vor.u32 $0xBE, v0;
	_ =	sdelay $0x1  }
0x1b9: {  	v2 =	vshll.u32 v2, $0x3  }
0x1ba: {  	v2 =	vadd.s32 v1, v2  }
0x1bb: {  	[tilespmem:$0x6E0] =	vst v2  }
0x1bc: {  	v2 =	vld.idx.msk [tilespmem:v3+s2+$0x0], $0xffff;
	_ =	sdelay $0x2  }
0x1bd: {  	v3 =	vor.u32 $0xC0, v0;
	_ =	sdelay $0x1  }
0x1be: {  	v2 =	vshll.u32 v2, $0x3  }
0x1bf: {  	v2 =	vadd.s32 v1, v2  }
0x1c0: {  	[tilespmem:$0x6F0] =	vst v2  }
0x1c1: {  	v2 =	vld.idx.msk [tilespmem:v3+s2+$0x0], $0xffff;
	_ =	sdelay $0x2  }
0x1c2: {  	v3 =	vor.u32 $0xC2, v0;
	_ =	sdelay $0x1  }
0x1c3: {  	v2 =	vshll.u32 v2, $0x3  }
0x1c4: {  	v2 =	vadd.s32 v1, v2  }
0x1c5: {  	[tilespmem:$0x700] =	vst v2  }
0x1c6: {  	v2 =	vld.idx.msk [tilespmem:v3+s2+$0x0], $0xffff;
	_ =	sdelay $0x2  }
0x1c7: {  	v3 =	vor.u32 $0xC4, v0;
	_ =	sdelay $0x1  }
0x1c8: {  	v2 =	vshll.u32 v2, $0x3  }
0x1c9: {  	v2 =	vadd.s32 v1, v2  }
0x1ca: {  	[tilespmem:$0x710] =	vst v2  }
0x1cb: {  	v2 =	vld.idx.msk [tilespmem:v3+s2+$0x0], $0xffff;
	_ =	sdelay $0x2  }
0x1cc: {  	v3 =	vor.u32 $0xC6, v0;
	_ =	sdelay $0x1  }
0x1cd: {  	v2 =	vshll.u32 v2, $0x3  }
0x1ce: {  	v2 =	vadd.s32 v1, v2  }
0x1cf: {  	[tilespmem:$0x720] =	vst v2  }
0x1d0: {  	v2 =	vld.idx.msk [tilespmem:v3+s2+$0x0], $0xffff;
	_ =	sdelay $0x2  }
0x1d1: {  	v3 =	vor.u32 $0xC8, v0;
	_ =	sdelay $0x1  }
0x1d2: {  	v2 =	vshll.u32 v2, $0x3  }
0x1d3: {  	v2 =	vadd.s32 v1, v2  }
0x1d4: {  	[tilespmem:$0x730] =	vst v2  }
0x1d5: {  	v2 =	vld.idx.msk [tilespmem:v3+s2+$0x0], $0xffff;
	_ =	sdelay $0x2  }
0x1d6: {  	v3 =	vor.u32 $0xCA, v0;
	_ =	sdelay $0x1  }
0x1d7: {  	v2 =	vshll.u32 v2, $0x3  }
0x1d8: {  	v2 =	vadd.s32 v1, v2  }
0x1d9: {  	[tilespmem:$0x740] =	vst v2  }
0x1da: {  	v2 =	vld.idx.msk [tilespmem:v3+s2+$0x0], $0xffff;
	_ =	sdelay $0x2  }
0x1db: {  	v3 =	vor.u32 $0xCC, v0;
	_ =	sdelay $0x1  }
0x1dc: {  	v2 =	vshll.u32 v2, $0x3  }
0x1dd: {  	v2 =	vadd.s32 v1, v2  }
0x1de: {  	[tilespmem:$0x750] =	vst v2  }
0x1df: {  	v2 =	vld.idx.msk [tilespmem:v3+s2+$0x0], $0xffff;
	_ =	sdelay $0x2  }
0x1e0: {  	v3 =	vor.u32 $0xCE, v0;
	_ =	sdelay $0x1  }
0x1e1: {  	v2 =	vshll.u32 v2, $0x3  }
0x1e2: {  	v2 =	vadd.s32 v1, v2  }
0x1e3: {  	[tilespmem:$0x760] =	vst v2  }
0x1e4: {  	v2 =	vld.idx.msk [tilespmem:v3+s2+$0x0], $0xffff;
	_ =	sdelay $0x2  }
0x1e5: {  	v3 =	vor.u32 $0xD0, v0;
	_ =	sdelay $0x1  }
0x1e6: {  	v2 =	vshll.u32 v2, $0x3  }
0x1e7: {  	v2 =	vadd.s32 v1, v2  }
0x1e8: {  	[tilespmem:$0x770] =	vst v2  }
0x1e9: {  	v2 =	vld.idx.msk [tilespmem:v3+s2+$0x0], $0xffff;
	_ =	sdelay $0x2  }
0x1ea: {  	v3 =	vor.u32 $0xD2, v0;
	_ =	sdelay $0x1  }
0x1eb: {  	v2 =	vshll.u32 v2, $0x3  }
0x1ec: {  	v2 =	vadd.s32 v1, v2  }
0x1ed: {  	[tilespmem:$0x780] =	vst v2  }
0x1ee: {  	v2 =	vld.idx.msk [tilespmem:v3+s2+$0x0], $0xffff;
	_ =	sdelay $0x2  }
0x1ef: {  	v3 =	vor.u32 $0xD4, v0;
	_ =	sdelay $0x1  }
0x1f0: {  	v2 =	vshll.u32 v2, $0x3  }
0x1f1: {  	v2 =	vadd.s32 v1, v2  }
0x1f2: {  	[tilespmem:$0x790] =	vst v2  }
0x1f3: {  	v2 =	vld.idx.msk [tilespmem:v3+s2+$0x0], $0xffff;
	_ =	sdelay $0x2  }
0x1f4: {  	v3 =	vor.u32 $0xD6, v0;
	_ =	sdelay $0x1  }
0x1f5: {  	v2 =	vshll.u32 v2, $0x3  }
0x1f6: {  	v2 =	vadd.s32 v1, v2  }
0x1f7: {  	[tilespmem:$0x7A0] =	vst v2  }
0x1f8: {  	v2 =	vld.idx.msk [tilespmem:v3+s2+$0x0], $0xffff;
	_ =	sdelay $0x2  }
0x1f9: {  	v3 =	vor.u32 $0xD8, v0;
	_ =	sdelay $0x1  }
0x1fa: {  	v2 =	vshll.u32 v2, $0x3  }
0x1fb: {  	v2 =	vadd.s32 v1, v2  }
0x1fc: {  	[tilespmem:$0x7B0] =	vst v2  }
0x1fd: {  	v2 =	vld.idx.msk [tilespmem:v3+s2+$0x0], $0xffff;
	_ =	sdelay $0x2  }
0x1fe: {  	v3 =	vor.u32 $0xDA, v0;
	_ =	sdelay $0x1  }
0x1ff: {  	v2 =	vshll.u32 v2, $0x3  }
0x200: {  	v2 =	vadd.s32 v1, v2  }
0x201: {  	[tilespmem:$0x7C0] =	vst v2  }
0x202: {  	v2 =	vld.idx.msk [tilespmem:v3+s2+$0x0], $0xffff;
	_ =	sdelay $0x2  }
0x203: {  	v3 =	vor.u32 $0xDC, v0;
	_ =	sdelay $0x1  }
0x204: {  	v2 =	vshll.u32 v2, $0x3  }
0x205: {  	v2 =	vadd.s32 v1, v2  }
0x206: {  	[tilespmem:$0x7D0] =	vst v2  }
0x207: {  	v2 =	vld.idx.msk [tilespmem:v3+s2+$0x0], $0xffff;
	_ =	sdelay $0x2  }
0x208: {  	v3 =	vor.u32 $0xDE, v0;
	_ =	sdelay $0x1  }
0x209: {  	v2 =	vshll.u32 v2, $0x3  }
0x20a: {  	v2 =	vadd.s32 v1, v2  }
0x20b: {  	[tilespmem:$0x7E0] =	vst v2  }
0x20c: {  	v2 =	vld.idx.msk [tilespmem:v3+s2+$0x0], $0xffff;
	_ =	sdelay $0x2  }
0x20d: {  	v3 =	vor.u32 $0xE0, v0;
	_ =	sdelay $0x1  }
0x20e: {  	v2 =	vshll.u32 v2, $0x3  }
0x20f: {  	v2 =	vadd.s32 v1, v2  }
0x210: {  	[tilespmem:$0x7F0] =	vst v2  }
0x211: {  	v2 =	vld.idx.msk [tilespmem:v3+s2+$0x0], $0xffff;
	_ =	sdelay $0x2  }
0x212: {  	v3 =	vor.u32 $0xE2, v0;
	_ =	sdelay $0x1  }
0x213: {  	v2 =	vshll.u32 v2, $0x3  }
0x214: {  	v2 =	vadd.s32 v1, v2  }
0x215: {  	[tilespmem:$0x800] =	vst v2  }
0x216: {  	v2 =	vld.idx.msk [tilespmem:v3+s2+$0x0], $0xffff;
	_ =	sdelay $0x2  }
0x217: {  	v3 =	vor.u32 $0xE4, v0;
	_ =	sdelay $0x1  }
0x218: {  	v2 =	vshll.u32 v2, $0x3  }
0x219: {  	v2 =	vadd.s32 v1, v2  }
0x21a: {  	[tilespmem:$0x810] =	vst v2  }
0x21b: {  	v2 =	vld.idx.msk [tilespmem:v3+s2+$0x0], $0xffff;
	_ =	sdelay $0x2  }
0x21c: {  	v3 =	vor.u32 $0xE6, v0;
	_ =	sdelay $0x1  }
0x21d: {  	v2 =	vshll.u32 v2, $0x3  }
0x21e: {  	v2 =	vadd.s32 v1, v2  }
0x21f: {  	[tilespmem:$0x820] =	vst v2  }
0x220: {  	v2 =	vld.idx.msk [tilespmem:v3+s2+$0x0], $0xffff;
	_ =	sdelay $0x2  }
0x221: {  	v3 =	vor.u32 $0xE8, v0;
	_ =	sdelay $0x1  }
0x222: {  	v2 =	vshll.u32 v2, $0x3  }
0x223: {  	v2 =	vadd.s32 v1, v2  }
0x224: {  	[tilespmem:$0x830] =	vst v2  }
0x225: {  	v2 =	vld.idx.msk [tilespmem:v3+s2+$0x0], $0xffff;
	_ =	sdelay $0x2  }
0x226: {  	v3 =	vor.u32 $0xEA, v0;
	_ =	sdelay $0x1  }
0x227: {  	v2 =	vshll.u32 v2, $0x3  }
0x228: {  	v2 =	vadd.s32 v1, v2  }
0x229: {  	[tilespmem:$0x840] =	vst v2  }
0x22a: {  	v2 =	vld.idx.msk [tilespmem:v3+s2+$0x0], $0xffff;
	_ =	sdelay $0x2  }
0x22b: {  	v3 =	vor.u32 $0xEC, v0;
	_ =	sdelay $0x1  }
0x22c: {  	v2 =	vshll.u32 v2, $0x3  }
0x22d: {  	v2 =	vadd.s32 v1, v2  }
0x22e: {  	[tilespmem:$0x850] =	vst v2  }
0x22f: {  	v2 =	vld.idx.msk [tilespmem:v3+s2+$0x0], $0xffff;
	_ =	sdelay $0x2  }
0x230: {  	v3 =	vor.u32 $0xEE, v0;
	_ =	sdelay $0x1  }
0x231: {  	v2 =	vshll.u32 v2, $0x3  }
0x232: {  	v2 =	vadd.s32 v1, v2  }
0x233: {  	[tilespmem:$0x860] =	vst v2  }
0x234: {  	v2 =	vld.idx.msk [tilespmem:v3+s2+$0x0], $0xffff;
	_ =	sdelay $0x2  }
0x235: {  	v3 =	vor.u32 $0xF0, v0;
	_ =	sdelay $0x1  }
0x236: {  	v2 =	vshll.u32 v2, $0x3  }
0x237: {  	v2 =	vadd.s32 v1, v2  }
0x238: {  	[tilespmem:$0x870] =	vst v2  }
0x239: {  	v2 =	vld.idx.msk [tilespmem:v3+s2+$0x0], $0xffff;
	_ =	sdelay $0x2  }
0x23a: {  	v3 =	vor.u32 $0xF2, v0;
	_ =	sdelay $0x1  }
0x23b: {  	v2 =	vshll.u32 v2, $0x3  }
0x23c: {  	v2 =	vadd.s32 v1, v2  }
0x23d: {  	[tilespmem:$0x880] =	vst v2  }
0x23e: {  	v2 =	vld.idx.msk [tilespmem:v3+s2+$0x0], $0xffff;
	_ =	sdelay $0x2  }
0x23f: {  	v3 =	vor.u32 $0xF4, v0;
	_ =	sdelay $0x1  }
0x240: {  	v2 =	vshll.u32 v2, $0x3  }
0x241: {  	v2 =	vadd.s32 v1, v2  }
0x242: {  	[tilespmem:$0x890] =	vst v2  }
0x243: {  	v2 =	vld.idx.msk [tilespmem:v3+s2+$0x0], $0xffff;
	_ =	sdelay $0x2  }
0x244: {  	v3 =	vor.u32 $0xF6, v0;
	_ =	sdelay $0x1  }
0x245: {  	v2 =	vshll.u32 v2, $0x3  }
0x246: {  	v2 =	vadd.s32 v1, v2  }
0x247: {  	[tilespmem:$0x8A0] =	vst v2  }
0x248: {  	v2 =	vld.idx.msk [tilespmem:v3+s2+$0x0], $0xffff;
	_ =	sdelay $0x2  }
0x249: {  	v3 =	vor.u32 $0xF8, v0;
	_ =	sdelay $0x1  }
0x24a: {  	v2 =	vshll.u32 v2, $0x3  }
0x24b: {  	v2 =	vadd.s32 v1, v2  }
0x24c: {  	[tilespmem:$0x8B0] =	vst v2  }
0x24d: {  	v2 =	vld.idx.msk [tilespmem:v3+s2+$0x0], $0xffff;
	_ =	sdelay $0x2  }
0x24e: {  	v3 =	vor.u32 $0xFA, v0;
	_ =	sdelay $0x1  }
0x24f: {  	v2 =	vshll.u32 v2, $0x3  }
0x250: {  	v2 =	vadd.s32 v1, v2  }
0x251: {  	[tilespmem:$0x8C0] =	vst v2  }
0x252: {  	v2 =	vld.idx.msk [tilespmem:v3+s2+$0x0], $0xffff;
	_ =	sdelay $0x2  }
0x253: {  	v3 =	vor.u32 $0xFC, v0;
	_ =	sdelay $0x1  }
0x254: {  	v2 =	vshll.u32 v2, $0x3  }
0x255: {  	v2 =	vadd.s32 v1, v2  }
0x256: {  	[tilespmem:$0x8D0] =	vst v2  }
0x257: {  	v2 =	vld.idx.msk [tilespmem:v3+s2+$0x0], $0xffff;
	_ =	sdelay $0x2  }
0x258: {  	v3 =	vor.u32 $0xFE, v0;
	_ =	sdelay $0x1  }
0x259: {  	v2 =	vshll.u32 v2, $0x3  }
0x25a: {  	v2 =	vadd.s32 v1, v2  }
0x25b: {  	[tilespmem:$0x8E0] =	vst v2  }
0x25c: {  	v2 =	vld.idx.msk [tilespmem:v3+s2+$0x0], $0xffff;
	_ =	sdelay $0x3  }
0x25d: {  	s12 =	rddreg [dreg:$0x5]  }
0x25e: {  	s10 =	rddreg [dreg:$0x6];
	v2 =	vshll.u32 v2, $0x3  }
0x25f: {  	s11 =	rddreg [dreg:$0x7];
	v2 =	vadd.s32 v1, v2  }
0x260: {  	s0 =	rddreg [dreg:$0x8];
	[tilespmem:$0x8F0] =	vst v2  }
0x261: {  	[tilespmem:s9], [sflag:$0x1] =	stream.indirect.gather [hbm4b:s3+s6], $0x1, s12, s6, $0xb8;
	[tilespmem:$0x1100] =	vst v63  }
0x262: {  	s12 =	rddreg [dreg:$0xb]  }
0x263: {  	[tilespmem:s11], [sflag:$0x1] =	stream.indirect.gather [hbm4b:s3+s6], $0x1, s10, s6, $0xb8;
	[tilespmem:$0x1100] =	vst v63  }
0x264: {  	s10 =	rddreg [dreg:$0x9]  }
0x265: {  	[tilespmem:s10], [sflag:$0x1] =	stream.indirect.gather [hbm4b:s3+s6], $0x1, s0, s6, $0xb8;
	[tilespmem:$0x1100] =	vst v63  }
0x266: {  	s11 =	rddreg [dreg:$0xa]  }
0x267: {  	[tilespmem:s12], [sflag:$0x1] =	stream.indirect.gather [hbm4b:s3+s6], $0x1, s11, s6, $0xb8;
	[tilespmem:$0x1100] =	vst v63  }
0x268: {  	s10 =	rddreg [dreg:$0xc];
	s12 =	simm.s32 $0xB00  }
0x269: {  	[tilespmem:s12], [sflag:$0x1] =	stream.indirect.gather [hbm4b:s3+s6], $0x1, s10, s6, $0xb8;
	[tilespmem:$0x1100] =	vst v63  }
0x26a: {  	s11 =	simm.s32 $0xB80;
	s10 =	simm.s32 $0x380  }
0x26b: {  	[tilespmem:s11], [sflag:$0x1] =	stream.indirect.gather [hbm4b:s3+s6], $0x1, s10, s6, $0xb8;
	[tilespmem:$0x1100] =	vst v63  }
0x26c: {  	_ = 	snop  }
0x26d: {  	[tilespmem:s13], [sflag:$0x1] =	stream.indirect.gather [hbm4b:s3+s6], $0x1, s7, s6, $0xb8;
	[tilespmem:$0x1100] =	vst v63  }
0x26e: {  	_ = 	snop  }
0x26f: {  	[tilespmem:s15], [sflag:$0x1] =	stream.indirect.gather [hbm4b:s3+s6], $0x1, s14, s6, $0xb8;
	[tilespmem:$0x1100] =	vst v63  }
0x270: {  	_ = 	snop  }
0x271: {  	[tilespmem:s17], [sflag:$0x1] =	stream.indirect.gather [hbm4b:s3+s6], $0x1, s16, s6, $0xb8;
	[tilespmem:$0x1100] =	vst v63  }
0x272: {  	_ = 	snop  }
0x273: {  	[tilespmem:s19], [sflag:$0x1] =	stream.indirect.gather [hbm4b:s3+s6], $0x1, s18, s6, $0xb8;
	[tilespmem:$0x1100] =	vst v63  }
0x274: {  	_ = 	snop  }
0x275: {  	[tilespmem:s21], [sflag:$0x1] =	stream.indirect.gather [hbm4b:s3+s6], $0x1, s20, s6, $0xb8;
	[tilespmem:$0x1100] =	vst v63  }
0x276: {  	_ = 	snop  }
0x277: {  	[tilespmem:s23], [sflag:$0x1] =	stream.indirect.gather [hbm4b:s3+s6], $0x1, s22, s6, $0xb8;
	[tilespmem:$0x1100] =	vst v63  }
0x278: {  	_ = 	snop  }
0x279: {  	[tilespmem:s25], [sflag:$0x1] =	stream.indirect.gather [hbm4b:s3+s6], $0x1, s24, s6, $0xb8;
	[tilespmem:$0x1100] =	vst v63  }
0x27a: {  	_ = 	snop  }
0x27b: {  	[tilespmem:s28], [sflag:$0x1] =	stream.indirect.gather [hbm4b:s3+s6], $0x1, s26, s6, $0xb8;
	[tilespmem:$0x1100] =	vst v63  }
0x27c: {  	_ = 	snop  }
0x27d: {  	[tilespmem:s30], [sflag:$0x1] =	stream.indirect.gather [hbm4b:s3+s6], $0x1, s29, s6, $0xb8;
	[tilespmem:$0x1100] =	vst v63  }
0x27e: {  	_ = 	snop  }
0x27f: {  	[tilespmem:s1], [sflag:$0x1] =	stream.indirect.gather [hbm4b:s3+s6], $0x1, s31, s6, $0xb8;
	[tilespmem:$0x1100] =	vst v63  }
0x280: {  	_ =	swait.ge [sflag:s4], $0x80  }
0x281: {  	[sflag:s4] =	ssyncset.done $0x0  }
0x282: {  	[sflag:s4] =	ssyncadd.s32 $0xFFFFFF80  }
0x283: {  	_ =	swait.ge [sflag:s4], $0x80  }
0x284: {  	[sflag:s4] =	ssyncset.done $0x0  }
0x285: {  	[sflag:s4] =	ssyncadd.s32 $0xFFFFFF80  }
0x286: {  	_ =	swait.ge [sflag:s4], $0x80  }
0x287: {  	[sflag:s4] =	ssyncset.done $0x0  }
0x288: {  	[sflag:s4] =	ssyncadd.s32 $0xFFFFFF80  }
0x289: {  	_ =	swait.ge [sflag:s4], $0x80  }
0x28a: {  	[sflag:s4] =	ssyncset.done $0x0  }
0x28b: {  	[sflag:s4] =	ssyncadd.s32 $0xFFFFFF80  }
0x28c: {  	_ =	swait.ge [sflag:s4], $0x80  }
0x28d: {  	[sflag:s4] =	ssyncset.done $0x0  }
0x28e: {  	[sflag:s4] =	ssyncadd.s32 $0xFFFFFF80  }
0x28f: {  	_ =	swait.ge [sflag:s4], $0x80  }
0x290: {  	[sflag:s4] =	ssyncset.done $0x0  }
0x291: {  	[sflag:s4] =	ssyncadd.s32 $0xFFFFFF80  }
0x292: {  	_ =	swait.ge [sflag:s4], $0x80  }
0x293: {  	[sflag:s4] =	ssyncset.done $0x0  }
0x294: {  	[sflag:s4] =	ssyncadd.s32 $0xFFFFFF80  }
0x295: {  	_ =	swait.ge [sflag:s4], $0x80  }
0x296: {  	[sflag:s4] =	ssyncset.done $0x0  }
0x297: {  	[sflag:s4] =	ssyncadd.s32 $0xFFFFFF80  }
0x298: {  	_ =	swait.ge [sflag:s4], $0x80  }
0x299: {  	[sflag:s4] =	ssyncset.done $0x0  }
0x29a: {  	[sflag:s4] =	ssyncadd.s32 $0xFFFFFF80  }
0x29b: {  	_ =	swait.ge [sflag:s4], $0x80  }
0x29c: {  	[sflag:s4] =	ssyncset.done $0x0  }
0x29d: {  	[sflag:s4] =	ssyncadd.s32 $0xFFFFFF80  }
0x29e: {  	_ =	swait.ge [sflag:s4], $0x80  }
0x29f: {  	[sflag:s4] =	ssyncset.done $0x0  }
0x2a0: {  	[sflag:s4] =	ssyncadd.s32 $0xFFFFFF80  }
0x2a1: {  	_ =	swait.ge [sflag:s4], $0x80  }
0x2a2: {  	[sflag:s4] =	ssyncset.done $0x0  }
0x2a3: {  	[sflag:s4] =	ssyncadd.s32 $0xFFFFFF80  }
0x2a4: {  	_ =	swait.ge [sflag:s4], $0x80  }
0x2a5: {  	[sflag:s4] =	ssyncset.done $0x0  }
0x2a6: {  	[sflag:s4] =	ssyncadd.s32 $0xFFFFFF80  }
0x2a7: {  	_ =	swait.ge [sflag:s4], $0x80  }
0x2a8: {  	[sflag:s4] =	ssyncset.done $0x0  }
0x2a9: {  	[sflag:s4] =	ssyncadd.s32 $0xFFFFFF80  }
0x2aa: {  	_ =	swait.ge [sflag:s4], $0x80  }
0x2ab: {  	[sflag:s4] =	ssyncset.done $0x0  }
0x2ac: {  	[sflag:s4] =	ssyncadd.s32 $0xFFFFFF80  }
0x2ad: {  	_ =	swait.ge [sflag:s4], $0x80  }
0x2ae: {  	p0 =	sne.s32 s5, $0x1;
	[sflag:s4] =	ssyncset.done $0x0  }
.Ltmp0:
0x2af: {  	s12 =	rddreg [dreg:$0x4];
	[sflag:s4] =	ssyncadd.s32 $0xFFFFFF80;
	(pc) =	sbr.rel @p0 .LBB2_1-.Ltmp0, $4  }
0x2b0: {  	[hbm4b:s12+s2] =	stream.linear.scatter [tilespmem:s9], [sflag:$0x2], $0x800, $0x38;
	[tilespmem:$0x1100] =	vst v63  }
0x2b1: {  	_ =	swait.ge [sflag:s8], $0x800  }
0x2b2: {  	[sflag:s8] =	ssyncset.done $0x0  }
0x2b3: {  	s5 =	sadd.s32 $0xFFFFFFFF, s5;
	[sflag:s8] =	ssyncadd.s32 $0xFFFFF800  }
0x2b4: {  	_ =	sfence.sel $0x180000  }
0x2b5: {  	[bflag:$0x0] =	sbarrier.arrive $0xFFFF  }
0x2b6: {  	_ =	strace $0x90000047  }
0x2b7: {  	s0 =	stileid.u32;
	[bflag:$0x2] =	sbarrier.arrive $0xFFFF  }
0x2b8: {  	p0 =	sne.s32 s0, $0x0;
	s0 =	rddreg [dreg:$0x2]  }
0x2b9: {  	s0 =	sadd.s32 @!p0 $0x100000, s0  }
0x2ba: {  	[sflag:s0] =	ssyncadd.tile.s32 @!p0 $0x1;
	_ =	shalt  }
.Lfunc_end2:
_tile_overlayer_lowered:
.L_overlay_start_2:
0x2bb: {  	(tag) =	ssettag $0x2  }
0x2bc: {  	s0 =	rddreg [dreg:$0x0];
	s2 =	stileid.u32  }
0x2bd: {  	s1 =	rddreg [dreg:$0x1];
	p0 =	sne.s32 s2, $0x0  }
0x2be: {  	s3 =	rddreg [dreg:$0x2];
	[bflag:$0x3] =	sbarrier.arrive $0xFFFF;
	s2 =	simm.s32 @!p0 $0x1C02  }
0x2bf: {  	[timem:s3], [sflag:s2] =	dma.local @!p0 [hbm:s0], s1  }
0x2c0: {  	s0 =	simm.s32 @!p0 $0x2  }
0x2c1: {  	_ =	swait.ge @!p0 [sflag:s0], s1  }
0x2c2: {  	s1 =	ssub.s32 @!p0 $0x0, s1;
	[sflag:s0] =	ssyncset.done @!p0 $0x0  }
0x2c3: {  	[sflag:s0] =	ssyncadd.s32 @!p0 s1  }
0x2c4: {  	[bflag:$0x3] =	sbarrier.arrive $0xFFFF  }
0x2c5: {  	_ =	shalt  }

</sc_bundles>
